<compile_context>
chip_gen: v7x
topology: tpu7x:2x2x1
jax: 0.10.2.dev20260603
libtpu: 0.0.44.dev20260713+nightly
codegen_flags: <defaults>
</compile_context>

<pallas_src>
import functools

import jax
import jax.numpy as jnp
from jax import lax
from jax.experimental import pallas as pl
from jax.experimental.pallas import tpu as pltpu
from jax.experimental.pallas import tpu_sc as plsc

_ANCHORS_W = (116.0, 156.0, 373.0, 30.0, 62.0, 59.0, 10.0, 16.0, 33.0)
_ANCHORS_H = (90.0, 198.0, 326.0, 61.0, 45.0, 119.0, 13.0, 30.0, 23.0)
_IMG = 416.0
_A = 3
_NSEL = 15


def _best_anchor(w, h):
    wp = w * _IMG
    hp = h * _IMG
    area = wp * hp
    best_iou = jnp.full_like(w, -1.0)
    best = jnp.zeros(w.shape, jnp.int32)
    for k in range(9):
        aw = _ANCHORS_W[k]
        ah = _ANCHORS_H[k]
        inter = jnp.minimum(wp, aw) * jnp.minimum(hp, ah)
        union = area + aw * ah - inter
        iou = inter / jnp.maximum(union, 1e-6)
        upd = iou > best_iou
        best_iou = jnp.where(upd, iou, best_iou)
        best = jnp.where(upd, k, best)
    return best


def _select_by_scale(s, vals):
    return jnp.where(s == 0, vals[0], jnp.where(s == 1, vals[1], vals[2]))


def _select_by_best(best, table):
    out = jnp.full(best.shape, table[0], jnp.float32)
    for k in range(1, 9):
        out = jnp.where(best == k, table[k], out)
    return out


def _cell_and_key(x, y, w, h, grid_sizes):
    best = _best_anchor(w, h)
    s = best // _A
    a = best % _A
    wf = _select_by_scale(s, [float(g) for g in grid_sizes]).astype(jnp.float32)
    wi = _select_by_scale(s, [jnp.int32(g) for g in grid_sizes])
    gx = x * wf
    gy = y * wf
    gxi = jnp.clip(jnp.floor(gx).astype(jnp.int32), 0, wi - 1)
    gyi = jnp.clip(jnp.floor(gy).astype(jnp.int32), 0, wi - 1)
    key = ((s * _A + a) * 64 + gyi) * 64 + gxi
    return best, s, a, wf, gx, gy, gxi, gyi, key


def _flat_indices(x, y, a, b_idx, grid_sizes):
    out = []
    for gsz in grid_sizes:
        gxs = jnp.clip(jnp.floor(x * gsz).astype(jnp.int32), 0, gsz - 1)
        gys = jnp.clip(jnp.floor(y * gsz).astype(jnp.int32), 0, gsz - 1)
        per_c = []
        for c in range(5):
            p = a * 5 + c
            per_c.append(((b_idx * _NSEL + p) * gsz + gys) * gsz + gxs)
        out.append(per_c)
    return out


def _make_prep_body(num_gt, gt_per_img, grid_sizes, row_lens):
    def _prep_body(t_ref, tt_ref, rowidx_ref, meta_ref, oh0_ref, oh1_ref,
                   oh2_ref):
        x = tt_ref[1:2, :]
        y = tt_ref[2:3, :]
        w = tt_ref[3:4, :]
        h = tt_ref[4:5, :]
        _, _, a, _, _, _, _, _, key_r = _cell_and_key(x, y, w, h, grid_sizes)
        jr = lax.broadcasted_iota(jnp.int32, (1, num_gt), 1)
        b_row = jr // gt_per_img
        g_row = jr % gt_per_img
        flat_r = _flat_indices(x, y, a, b_row, grid_sizes)
        rows = []
        for s in range(3):
            for c in range(5):
                rows.append(flat_r[s][c] // row_lens[s])
        rowidx_ref[...] = jnp.concatenate(rows, axis=0)

        xc = t_ref[:, 1:2]
        yc = t_ref[:, 2:3]
        wc = t_ref[:, 3:4]
        hc = t_ref[:, 4:5]
        best_c, s_c, a_c, wf_c, gx_c, gy_c, gxi_c, gyi_c, key_c = (
            _cell_and_key(xc, yc, wc, hc, grid_sizes))
        jc = lax.broadcasted_iota(jnp.int32, (num_gt, 1), 0)
        b_col = jc // gt_per_img
        g_col = jc % gt_per_img

        clash = (key_c == key_r) & (b_col == b_row) & (g_row > g_col)
        loser = jnp.any(clash, axis=1, keepdims=True)
        win = jnp.where(loser, 0.0, 1.0)

        tx = gx_c - gxi_c.astype(jnp.float32)
        ty = gy_c - gyi_c.astype(jnp.float32)
        aw_b = _select_by_best(best_c, _ANCHORS_W)
        ah_b = _select_by_best(best_c, _ANCHORS_H)
        twl = jnp.clip(
            jnp.log(jnp.maximum(wc * wf_c, 1e-6)
                    / jnp.maximum(aw_b * wf_c / _IMG, 1e-6)), -6.0, 6.0)
        thl = jnp.clip(
            jnp.log(jnp.maximum(hc * wf_c, 1e-6)
                    / jnp.maximum(ah_b * wf_c / _IMG, 1e-6)), -6.0, 6.0)
        zero = jnp.zeros((num_gt, 1), jnp.float32)
        meta_ref[...] = jnp.concatenate(
            [s_c.astype(jnp.float32), win, tx, ty, twl, thl, zero, zero],
            axis=1)

        flat_c = _flat_indices(xc, yc, a_c, b_col, grid_sizes)
        for s, oh_ref in enumerate((oh0_ref, oh1_ref, oh2_ref)):
            rl = row_lens[s]
            lane_iota = lax.broadcasted_iota(jnp.int32, (num_gt, rl), 1)
            blocks = []
            for c in range(5):
                lane = flat_c[s][c] % rl
                blocks.append(jnp.where(lane == lane_iota, 1.0, 0.0))
            oh_ref[...] = jnp.concatenate(blocks, axis=0)

    return _prep_body


def _sc_gather(idx0, idx1, idx2, t0, t1, t2):
    nchunks, chunk = idx0.shape
    row_lens = (t0.shape[1], t1.shape[1], t2.shape[1])
    mesh = plsc.VectorSubcoreMesh(core_axis_name="c", subcore_axis_name="s")

    @functools.partial(
        pl.kernel,
        mesh=mesh,
        compiler_params=pltpu.CompilerParams(use_tc_tiling_on_sc=False),
        out_type=tuple(
            jax.ShapeDtypeStruct((nchunks, chunk, rl), jnp.float32)
            for rl in row_lens),
        scratch_types=[
            [pltpu.VMEM((chunk,), jnp.int32)] * 3,
            [pltpu.VMEM((chunk, rl), jnp.float32) for rl in row_lens],
            pltpu.SemaphoreType.DMA,
        ],
    )
    def _gather_kernel(i0, i1, i2, t0_, t1_, t2_, o0, o1, o2, idx_vs, rows_vs,
                       sem):
        wid = lax.axis_index("s") * 2 + lax.axis_index("c")

        @pl.when(wid < nchunks)
        def _():
            for k, (ih, th, oh) in enumerate(((i0, t0_, o0), (i1, t1_, o1),
                                              (i2, t2_, o2))):
                pltpu.sync_copy(ih.at[wid], idx_vs[k])
                pltpu.async_copy(th.at[idx_vs[k]], rows_vs[k], sem).wait()
                pltpu.sync_copy(rows_vs[k], oh.at[wid])

    return _gather_kernel(idx0, idx1, idx2, t0, t1, t2)


def _make_main_body(num_gt, batch, grid_sizes):
    def _main_body(obj0_ref, obj1_ref, obj2_ref, g0_ref, g1_ref, g2_ref,
                   oh0_ref, oh1_ref, oh2_ref, meta_ref, out_ref):
        meta = meta_ref[...]
        sf = meta[:, 0:1]
        win = meta[:, 1:2]
        tx = meta[:, 2:3]
        ty = meta[:, 3:4]
        twl = meta[:, 4:5]
        thl = meta[:, 5:6]
        loss_box = jnp.float32(0.0)
        loss_obj = jnp.float32(0.0)
        refs = ((obj0_ref, g0_ref, oh0_ref), (obj1_ref, g1_ref, oh1_ref),
                (obj2_ref, g2_ref, oh2_ref))
        for s, (obj_ref, g_ref, oh_ref) in enumerate(refs):
            o = obj_ref[...]
            dense = jnp.sum(jnp.maximum(o, 0.0)
                            + jnp.log(1.0 + jnp.exp(-jnp.abs(o))))

            vals = jnp.sum(g_ref[...] * oh_ref[...], axis=1, keepdims=True)
            px = vals[0 * num_gt:1 * num_gt, :]
            py = vals[1 * num_gt:2 * num_gt, :]
            pw = vals[2 * num_gt:3 * num_gt, :]
            ph = vals[3 * num_gt:4 * num_gt, :]
            po = vals[4 * num_gt:5 * num_gt, :]
            m = jnp.where(sf == float(s), win, 0.0)
            cnt = jnp.sum(m)
            sigx = 1.0 / (1.0 + jnp.exp(-px))
            sigy = 1.0 / (1.0 + jnp.exp(-py))
            box = jnp.sum(m * ((sigx - tx) ** 2 + (sigy - ty) ** 2
                               + (pw - twl) ** 2 + (ph - thl) ** 2))
            sp = jnp.log(1.0 + jnp.exp(-jnp.abs(po)))
            relu = jnp.maximum(po, 0.0)
            pos_bce1 = jnp.sum(m * (relu - po + sp))
            pos_bce0 = jnp.sum(m * (relu + sp))
            n_cells = float(batch * _A * grid_sizes[s] * grid_sizes[s])
            cnt1 = jnp.maximum(cnt, 1.0)
            loss_box = loss_box + box / cnt1
            loss_obj = (loss_obj + pos_bce1 / cnt1
                        + 0.25 * (dense - pos_bce0)
                        / jnp.maximum(n_cells - cnt, 1.0))
        total = loss_box + loss_obj
        out_ref[...] = jnp.concatenate(
            [total.reshape(1, 1), loss_box.reshape(1, 1),
             loss_obj.reshape(1, 1), jnp.zeros((1, 1), jnp.float32)],
            axis=1)

    return _main_body


def kernel(pred_s0, pred_s1, pred_s2, targets):
    batch, gt_per_img = targets.shape[0], targets.shape[1]
    num_gt = batch * gt_per_img
    nch = pred_s0.shape[1]
    ch_per_a = nch // _A
    preds = (pred_s0, pred_s1, pred_s2)
    grid_sizes = tuple(p.shape[2] for p in preds)

    row_lens = (16, 16, 16)
    sel4 = [jnp.concatenate([p[:, a * ch_per_a:a * ch_per_a + 5]
                             for a in range(_A)], axis=1) for p in preds]
    tabs = [s4.reshape(-1, 16) for s4 in sel4]
    objs = [s4[:, 4::5].reshape(batch * _A, g * g)
            for s4, g in zip(sel4, grid_sizes)]


    t2 = targets.reshape(num_gt, 5)
    tt = t2.T

    rowidx, meta, oh0, oh1, oh2 = pl.pallas_call(
        _make_prep_body(num_gt, gt_per_img, grid_sizes, row_lens),
        out_shape=(
            jax.ShapeDtypeStruct((15, num_gt), jnp.int32),
            jax.ShapeDtypeStruct((num_gt, 8), jnp.float32),
            jax.ShapeDtypeStruct((5 * num_gt, row_lens[0]), jnp.float32),
            jax.ShapeDtypeStruct((5 * num_gt, row_lens[1]), jnp.float32),
            jax.ShapeDtypeStruct((5 * num_gt, row_lens[2]), jnp.float32),
        ),
    )(t2, tt)

    idx2d = [rowidx[s * 5:(s + 1) * 5, :].reshape(-1, 128) for s in range(3)]
    g0, g1, g2 = _sc_gather(idx2d[0], idx2d[1], idx2d[2], *tabs)
    g0, g1, g2 = (g.reshape(5 * num_gt, rl)
                  for g, rl in zip((g0, g1, g2), row_lens))

    out = pl.pallas_call(
        _make_main_body(num_gt, batch, grid_sizes),
        out_shape=jax.ShapeDtypeStruct((1, 4), jnp.float32),
    )(objs[0], objs[1], objs[2], g0, g1, g2, oh0, oh1, oh2, meta)

    return (out[0, 0], out[0, 1], out[0, 2], out[0, 3])

# --- scband reference (transcript-rebuilt; emitter-appended) ---
"""Pipeline reference for scband-yolo-detection-loss-59846074302840 (READ-ONLY COPY).

The authoritative reference and input builder live on the scoring server;
editing this copy changes nothing except your own understanding.
"""

import jax, jax.numpy as jnp
import numpy as np

ANCHORS = [[[116.0, 90.0], [156.0, 198.0], [373.0, 326.0]], [[30.0, 61.0], [62.0, 45.0], [59.0, 119.0]], [[10.0, 13.0], [16.0, 30.0], [33.0, 23.0]]]
IMG = 416.0
C = 80
A = 3


def setup_inputs(seed: int = 0) -> dict:
    key = jax.random.key(seed)
    k0, k1, k2, k3 = jax.random.split(key, 4)
    B = 32
    pred_s0 = jax.random.normal(k0, (B, A * (5 + C), 13, 13), dtype=jnp.float32)
    pred_s1 = jax.random.normal(k1, (B, A * (5 + C), 26, 26), dtype=jnp.float32)
    pred_s2 = jax.random.normal(k2, (B, A * (5 + C), 52, 52), dtype=jnp.float32)
    t = jax.random.uniform(k3, (B, 20, 5), dtype=jnp.float32)
    cls = jnp.floor(t[..., 0:1] * C)
    xy = t[..., 1:3]
    wh = t[..., 3:5] * 0.5 + 0.02
    targets = jnp.concatenate([cls, xy, wh], axis=-1)
    return {'pred_s0': pred_s0, 'pred_s1': pred_s1, 'pred_s2': pred_s2, 'targets': targets}


def _forward(pred_s0, pred_s1, pred_s2, targets):
    anchors = jnp.array(ANCHORS, dtype=jnp.float32)
    flat_anchors = anchors.reshape(9, 2)
    preds = []
    for p in (pred_s0, pred_s1, pred_s2):
        B, _, H, W = p.shape
        preds.append(p.reshape(B, A, 5 + C, H, W).transpose(0, 1, 3, 4, 2))
    B, G = targets.shape[0], targets.shape[1]
    tflat = targets.reshape(B * G, 5)
    b_idx = jnp.repeat(jnp.arange(B), G)
    gt_wh_pix = tflat[:, 3:5] * IMG
    inter = jnp.minimum(gt_wh_pix[:, None, :], flat_anchors[None, :, :]).prod(-1)
    union = gt_wh_pix.prod(-1)[:, None] + flat_anchors.prod(-1)[None, :] - inter
    iou = inter / jnp.clip(union, 1e-06)
    best = jnp.argmax(iou, axis=1)
    scale_idx = best // A
    anchor_idx = (best % A).astype(jnp.int32)
    loss_box = jnp.zeros(())
    loss_obj = jnp.zeros(())
    for s in range(3):
        p = preds[s]
        H, W = p.shape[2], p.shape[3]
        gx = tflat[:, 1] * W
        gy = tflat[:, 2] * H
        gw = tflat[:, 3] * W
        gh = tflat[:, 4] * H
        grid_x = jnp.clip(jnp.floor(gx).astype(jnp.int32), 0, W - 1)
        grid_y = jnp.clip(jnp.floor(gy).astype(jnp.int32), 0, H - 1)
        mask = scale_idx == s
        bb = jnp.where(mask, b_idx, B).astype(jnp.int32)
        obj_t = jnp.zeros((B, A, H, W), jnp.float32).at[bb, anchor_idx, grid_y, grid_x].set(1.0, mode='drop')
        xy_vals = jnp.stack([gx - grid_x, gy - grid_y], axis=-1)
        wh_vals = jnp.stack([gw, gh], axis=-1)
        xy_t = jnp.zeros((B, A, H, W, 2), jnp.float32).at[bb, anchor_idx, grid_y, grid_x].set(xy_vals, mode='drop')
        wh_t = jnp.zeros((B, A, H, W, 2), jnp.float32).at[bb, anchor_idx, grid_y, grid_x].set(wh_vals, mode='drop')
        pos_f = (obj_t > 0.5).astype(jnp.float32)
        pos_count = jnp.maximum(pos_f.sum(), 1.0)
        pred_xy = jax.nn.sigmoid(p[..., 0:2])
        pred_wh = p[..., 2:4]
        pred_obj = p[..., 4]
        anchor_scaled = anchors[s].reshape(1, A, 1, 1, 2) * jnp.array([W / IMG, H / IMG], jnp.float32)
        anchor_exp = jnp.broadcast_to(anchor_scaled, (B, A, H, W, 2))
        wh_log_t = jnp.clip(jnp.log(jnp.clip(wh_t, 1e-06) / jnp.clip(anchor_exp, 1e-06)), -6.0, 6.0)
        box_sum = (pos_f[..., None] * (pred_xy - xy_t) ** 2).sum() + (pos_f[..., None] * (pred_wh - wh_log_t) ** 2).sum()
        loss_box = loss_box + box_sum / pos_count
        bce = jnp.maximum(pred_obj, 0.0) - pred_obj * obj_t + jnp.log1p(jnp.exp(-jnp.abs(pred_obj)))
        neg_f = 1.0 - pos_f
        pos_obj = (pos_f * bce).sum() / jnp.maximum(pos_f.sum(), 1.0)
        neg_obj = (neg_f * bce).sum() / jnp.maximum(neg_f.sum(), 1.0)
        loss_obj = loss_obj + 1.0 * pos_obj + 0.25 * neg_obj
    loss_cls = jnp.zeros(())
    total = 1.0 * loss_box + loss_obj + 0.0 * loss_cls
    return (total, loss_box, loss_obj, loss_cls)


def reference(pred_s0, pred_s1, pred_s2, targets):
    return _forward(pred_s0, pred_s1, pred_s2, targets)

if __name__ == "__main__":
    import jax
    _d = setup_inputs()
    print(jax.jit(kernel)(*tuple(_d.values())))

</pallas_src>

<mosaic_0001>
#map = affine_map<(d0, d1) -> (0, 0)>
#map1 = affine_map<(d0, d1) -> (0, 0, 0)>
module attributes {stable_mosaic.version = 14 : i64} {
  func.func @_gather_kernel(%arg0: i32, %arg1: i32, %arg2: memref<25x128xi32, #tpu.memory_space<hbm>>, %arg3: memref<25x128xi32, #tpu.memory_space<hbm>>, %arg4: memref<25x128xi32, #tpu.memory_space<hbm>>, %arg5: memref<5070x16xf32, #tpu.memory_space<hbm>>, %arg6: memref<20280x16xf32, #tpu.memory_space<hbm>>, %arg7: memref<81120x16xf32, #tpu.memory_space<hbm>>, %arg8: memref<25x128x16xf32, #tpu.memory_space<hbm>>, %arg9: memref<25x128x16xf32, #tpu.memory_space<hbm>>, %arg10: memref<25x128x16xf32, #tpu.memory_space<hbm>>, %arg11: memref<128xi32, #tpu.memory_space<vmem>>, %arg12: memref<128xi32, #tpu.memory_space<vmem>>, %arg13: memref<128xi32, #tpu.memory_space<vmem>>, %arg14: memref<128x16xf32, #tpu.memory_space<vmem>>, %arg15: memref<128x16xf32, #tpu.memory_space<vmem>>, %arg16: memref<128x16xf32, #tpu.memory_space<vmem>>, %arg17: memref<!tpu.dma_semaphore, #tpu.memory_space<semaphore_mem>>) attributes {dimension_semantics = [#tpu.dimension_semantics<core_parallel>, #tpu.dimension_semantics<subcore_parallel>], iteration_bounds = array<i64: 2, 16>, scalar_prefetch = 0 : i64, scratch_operands = 7 : i64, tpu.core_type = #tpu.core_type<sc_vector_subcore>, window_params = [{transform_indices = #map}, {transform_indices = #map}, {transform_indices = #map}, {transform_indices = #map}, {transform_indices = #map}, {transform_indices = #map}, {transform_indices = #map1}, {transform_indices = #map1}, {transform_indices = #map1}]} {
    %mul3A = arith.constant 2 : i32
    %mul3A_0 = arith.muli %arg1, %mul3A : i32
    %add3A = arith.addi %mul3A_0, %arg0 : i32
    %lt3A = arith.constant 25 : i32
    %lt3A_1 = arith.cmpi slt, %add3A, %lt3A : i32
    %convert_element_type3A = arith.extui %lt3A_1 : i1 to i32
    %cond3A = arith.constant 0 : i32
    %cond3A_2 = arith.cmpi ne, %convert_element_type3A, %cond3A : i32
    scf.if %cond3A_2 {
      "tpu.region"() ({
        %run_scoped3A = tpu.sem_alloc : memref<!tpu.dma_semaphore, #tpu.memory_space<semaphore_mem>>
        %dma_start3A_19 = arith.constant 0 : i32
        %dma_start3A_20 = tpu.memref_slice %arg2[%add3A, %dma_start3A_19] : memref<25x128xi32, #tpu.memory_space<hbm>> -> memref<1x128xi32, #tpu.memory_space<hbm>>
        %dma_start3A_21 = tpu.memref_squeeze %dma_start3A_20 : memref<1x128xi32, #tpu.memory_space<hbm>> -> memref<128xi32, #tpu.memory_space<hbm>>
        %dma_start3A_22 = arith.constant 0 : i32
        %dma_start3A_23 = tpu.memref_slice %arg2[%add3A, %dma_start3A_22] : memref<25x128xi32, #tpu.memory_space<hbm>> -> memref<1x128xi32, #tpu.memory_space<hbm>>
        %dma_start3A_24 = tpu.memref_squeeze %dma_start3A_23 : memref<1x128xi32, #tpu.memory_space<hbm>> -> memref<128xi32, #tpu.memory_space<hbm>>
        tpu.enqueue_dma source(%dma_start3A_24 : memref<128xi32, #tpu.memory_space<hbm>>) target(%arg11 : memref<128xi32, #tpu.memory_space<vmem>>) target_semaphore(%run_scoped3A : memref<!tpu.dma_semaphore, #tpu.memory_space<semaphore_mem>>)
        %dma_wait3A_25 = arith.constant 0 : i32
        %dma_wait3A_26 = tpu.memref_slice %arg2[%add3A, %dma_wait3A_25] : memref<25x128xi32, #tpu.memory_space<hbm>> -> memref<1x128xi32, #tpu.memory_space<hbm>>
        %dma_wait3A_27 = tpu.memref_squeeze %dma_wait3A_26 : memref<1x128xi32, #tpu.memory_space<hbm>> -> memref<128xi32, #tpu.memory_space<hbm>>
        %dma_wait3A_28 = arith.constant 0 : i32
        %dma_wait3A_29 = tpu.memref_slice %arg2[%add3A, %dma_wait3A_28] : memref<25x128xi32, #tpu.memory_space<hbm>> -> memref<1x128xi32, #tpu.memory_space<hbm>>
        %dma_wait3A_30 = tpu.memref_squeeze %dma_wait3A_29 : memref<1x128xi32, #tpu.memory_space<hbm>> -> memref<128xi32, #tpu.memory_space<hbm>>
        tpu.wait_dma2 semaphore(%run_scoped3A : memref<!tpu.dma_semaphore, #tpu.memory_space<semaphore_mem>>) src(%dma_wait3A_30 : memref<128xi32, #tpu.memory_space<hbm>>) dst(%arg11 : memref<128xi32, #tpu.memory_space<vmem>>)
        tpu.yield
      }) : () -> ()
      %dma_start3A = arith.constant 0 : i32
      %dma_start3A_3 = arith.constant 0 : i32
      %dma_start3A_4 = tpu.memref_slice %arg5[%dma_start3A, %dma_start3A_3] : memref<5070x16xf32, #tpu.memory_space<hbm>> -> memref<5070x16xf32, #tpu.memory_space<hbm>>
      tpu.enqueue_indirect_dma source(%dma_start3A_4 : memref<5070x16xf32, #tpu.memory_space<hbm>>) target(%arg14 : memref<128x16xf32, #tpu.memory_space<vmem>>) offsets(%arg11 : memref<128xi32, #tpu.memory_space<vmem>>) semaphore(%arg17 : memref<!tpu.dma_semaphore, #tpu.memory_space<semaphore_mem>>)
      %dma_wait3A = arith.constant 0 : i32
      %dma_wait3A_5 = arith.constant 0 : i32
      %dma_wait3A_6 = tpu.memref_slice %arg5[%dma_wait3A, %dma_wait3A_5] : memref<5070x16xf32, #tpu.memory_space<hbm>> -> memref<5070x16xf32, #tpu.memory_space<hbm>>
      tpu.wait_indirect_dma semaphore(%arg17 : memref<!tpu.dma_semaphore, #tpu.memory_space<semaphore_mem>>) src(%dma_wait3A_6 : memref<5070x16xf32, #tpu.memory_space<hbm>>) dst(%arg14 : memref<128x16xf32, #tpu.memory_space<vmem>>)
      "tpu.region"() ({
        %run_scoped3A = tpu.sem_alloc : memref<!tpu.dma_semaphore, #tpu.memory_space<semaphore_mem>>
        %dma_start3A_19 = arith.constant 0 : i32
        %dma_start3A_20 = arith.constant 0 : i32
        %dma_start3A_21 = tpu.memref_slice %arg8[%add3A, %dma_start3A_19, %dma_start3A_20] : memref<25x128x16xf32, #tpu.memory_space<hbm>> -> memref<1x128x16xf32, #tpu.memory_space<hbm>>
        %dma_start3A_22 = tpu.memref_squeeze %dma_start3A_21 : memref<1x128x16xf32, #tpu.memory_space<hbm>> -> memref<128x16xf32, #tpu.memory_space<hbm>>
        %dma_start3A_23 = arith.constant 0 : i32
        %dma_start3A_24 = arith.constant 0 : i32
        %dma_start3A_25 = tpu.memref_slice %arg8[%add3A, %dma_start3A_23, %dma_start3A_24] : memref<25x128x16xf32, #tpu.memory_space<hbm>> -> memref<1x128x16xf32, #tpu.memory_space<hbm>>
        %dma_start3A_26 = tpu.memref_squeeze %dma_start3A_25 : memref<1x128x16xf32, #tpu.memory_space<hbm>> -> memref<128x16xf32, #tpu.memory_space<hbm>>
        tpu.enqueue_dma source(%arg14 : memref<128x16xf32, #tpu.memory_space<vmem>>) target(%dma_start3A_26 : memref<128x16xf32, #tpu.memory_space<hbm>>) target_semaphore(%run_scoped3A : memref<!tpu.dma_semaphore, #tpu.memory_space<semaphore_mem>>)
        %dma_wait3A_27 = arith.constant 0 : i32
        %dma_wait3A_28 = arith.constant 0 : i32
        %dma_wait3A_29 = tpu.memref_slice %arg8[%add3A, %dma_wait3A_27, %dma_wait3A_28] : memref<25x128x16xf32, #tpu.memory_space<hbm>> -> memref<1x128x16xf32, #tpu.memory_space<hbm>>
        %dma_wait3A_30 = tpu.memref_squeeze %dma_wait3A_29 : memref<1x128x16xf32, #tpu.memory_space<hbm>> -> memref<128x16xf32, #tpu.memory_space<hbm>>
        %dma_wait3A_31 = arith.constant 0 : i32
        %dma_wait3A_32 = arith.constant 0 : i32
        %dma_wait3A_33 = tpu.memref_slice %arg8[%add3A, %dma_wait3A_31, %dma_wait3A_32] : memref<25x128x16xf32, #tpu.memory_space<hbm>> -> memref<1x128x16xf32, #tpu.memory_space<hbm>>
        %dma_wait3A_34 = tpu.memref_squeeze %dma_wait3A_33 : memref<1x128x16xf32, #tpu.memory_space<hbm>> -> memref<128x16xf32, #tpu.memory_space<hbm>>
        tpu.wait_dma2 semaphore(%run_scoped3A : memref<!tpu.dma_semaphore, #tpu.memory_space<semaphore_mem>>) src(%arg14 : memref<128x16xf32, #tpu.memory_space<vmem>>) dst(%dma_wait3A_34 : memref<128x16xf32, #tpu.memory_space<hbm>>)
        tpu.yield
      }) : () -> ()
      "tpu.region"() ({
        %run_scoped3A = tpu.sem_alloc : memref<!tpu.dma_semaphore, #tpu.memory_space<semaphore_mem>>
        %dma_start3A_19 = arith.constant 0 : i32
        %dma_start3A_20 = tpu.memref_slice %arg3[%add3A, %dma_start3A_19] : memref<25x128xi32, #tpu.memory_space<hbm>> -> memref<1x128xi32, #tpu.memory_space<hbm>>
        %dma_start3A_21 = tpu.memref_squeeze %dma_start3A_20 : memref<1x128xi32, #tpu.memory_space<hbm>> -> memref<128xi32, #tpu.memory_space<hbm>>
        %dma_start3A_22 = arith.constant 0 : i32
        %dma_start3A_23 = tpu.memref_slice %arg3[%add3A, %dma_start3A_22] : memref<25x128xi32, #tpu.memory_space<hbm>> -> memref<1x128xi32, #tpu.memory_space<hbm>>
        %dma_start3A_24 = tpu.memref_squeeze %dma_start3A_23 : memref<1x128xi32, #tpu.memory_space<hbm>> -> memref<128xi32, #tpu.memory_space<hbm>>
        tpu.enqueue_dma source(%dma_start3A_24 : memref<128xi32, #tpu.memory_space<hbm>>) target(%arg12 : memref<128xi32, #tpu.memory_space<vmem>>) target_semaphore(%run_scoped3A : memref<!tpu.dma_semaphore, #tpu.memory_space<semaphore_mem>>)
        %dma_wait3A_25 = arith.constant 0 : i32
        %dma_wait3A_26 = tpu.memref_slice %arg3[%add3A, %dma_wait3A_25] : memref<25x128xi32, #tpu.memory_space<hbm>> -> memref<1x128xi32, #tpu.memory_space<hbm>>
        %dma_wait3A_27 = tpu.memref_squeeze %dma_wait3A_26 : memref<1x128xi32, #tpu.memory_space<hbm>> -> memref<128xi32, #tpu.memory_space<hbm>>
        %dma_wait3A_28 = arith.constant 0 : i32
        %dma_wait3A_29 = tpu.memref_slice %arg3[%add3A, %dma_wait3A_28] : memref<25x128xi32, #tpu.memory_space<hbm>> -> memref<1x128xi32, #tpu.memory_space<hbm>>
        %dma_wait3A_30 = tpu.memref_squeeze %dma_wait3A_29 : memref<1x128xi32, #tpu.memory_space<hbm>> -> memref<128xi32, #tpu.memory_space<hbm>>
        tpu.wait_dma2 semaphore(%run_scoped3A : memref<!tpu.dma_semaphore, #tpu.memory_space<semaphore_mem>>) src(%dma_wait3A_30 : memref<128xi32, #tpu.memory_space<hbm>>) dst(%arg12 : memref<128xi32, #tpu.memory_space<vmem>>)
        tpu.yield
      }) : () -> ()
      %dma_start3A_7 = arith.constant 0 : i32
      %dma_start3A_8 = arith.constant 0 : i32
      %dma_start3A_9 = tpu.memref_slice %arg6[%dma_start3A_7, %dma_start3A_8] : memref<20280x16xf32, #tpu.memory_space<hbm>> -> memref<20280x16xf32, #tpu.memory_space<hbm>>
      tpu.enqueue_indirect_dma source(%dma_start3A_9 : memref<20280x16xf32, #tpu.memory_space<hbm>>) target(%arg15 : memref<128x16xf32, #tpu.memory_space<vmem>>) offsets(%arg12 : memref<128xi32, #tpu.memory_space<vmem>>) semaphore(%arg17 : memref<!tpu.dma_semaphore, #tpu.memory_space<semaphore_mem>>)
      %dma_wait3A_10 = arith.constant 0 : i32
      %dma_wait3A_11 = arith.constant 0 : i32
      %dma_wait3A_12 = tpu.memref_slice %arg6[%dma_wait3A_10, %dma_wait3A_11] : memref<20280x16xf32, #tpu.memory_space<hbm>> -> memref<20280x16xf32, #tpu.memory_space<hbm>>
      tpu.wait_indirect_dma semaphore(%arg17 : memref<!tpu.dma_semaphore, #tpu.memory_space<semaphore_mem>>) src(%dma_wait3A_12 : memref<20280x16xf32, #tpu.memory_space<hbm>>) dst(%arg15 : memref<128x16xf32, #tpu.memory_space<vmem>>)
      "tpu.region"() ({
        %run_scoped3A = tpu.sem_alloc : memref<!tpu.dma_semaphore, #tpu.memory_space<semaphore_mem>>
        %dma_start3A_19 = arith.constant 0 : i32
        %dma_start3A_20 = arith.constant 0 : i32
        %dma_start3A_21 = tpu.memref_slice %arg9[%add3A, %dma_start3A_19, %dma_start3A_20] : memref<25x128x16xf32, #tpu.memory_space<hbm>> -> memref<1x128x16xf32, #tpu.memory_space<hbm>>
        %dma_start3A_22 = tpu.memref_squeeze %dma_start3A_21 : memref<1x128x16xf32, #tpu.memory_space<hbm>> -> memref<128x16xf32, #tpu.memory_space<hbm>>
        %dma_start3A_23 = arith.constant 0 : i32
        %dma_start3A_24 = arith.constant 0 : i32
        %dma_start3A_25 = tpu.memref_slice %arg9[%add3A, %dma_start3A_23, %dma_start3A_24] : memref<25x128x16xf32, #tpu.memory_space<hbm>> -> memref<1x128x16xf32, #tpu.memory_space<hbm>>
        %dma_start3A_26 = tpu.memref_squeeze %dma_start3A_25 : memref<1x128x16xf32, #tpu.memory_space<hbm>> -> memref<128x16xf32, #tpu.memory_space<hbm>>
        tpu.enqueue_dma source(%arg15 : memref<128x16xf32, #tpu.memory_space<vmem>>) target(%dma_start3A_26 : memref<128x16xf32, #tpu.memory_space<hbm>>) target_semaphore(%run_scoped3A : memref<!tpu.dma_semaphore, #tpu.memory_space<semaphore_mem>>)
        %dma_wait3A_27 = arith.constant 0 : i32
        %dma_wait3A_28 = arith.constant 0 : i32
        %dma_wait3A_29 = tpu.memref_slice %arg9[%add3A, %dma_wait3A_27, %dma_wait3A_28] : memref<25x128x16xf32, #tpu.memory_space<hbm>> -> memref<1x128x16xf32, #tpu.memory_space<hbm>>
        %dma_wait3A_30 = tpu.memref_squeeze %dma_wait3A_29 : memref<1x128x16xf32, #tpu.memory_space<hbm>> -> memref<128x16xf32, #tpu.memory_space<hbm>>
        %dma_wait3A_31 = arith.constant 0 : i32
        %dma_wait3A_32 = arith.constant 0 : i32
        %dma_wait3A_33 = tpu.memref_slice %arg9[%add3A, %dma_wait3A_31, %dma_wait3A_32] : memref<25x128x16xf32, #tpu.memory_space<hbm>> -> memref<1x128x16xf32, #tpu.memory_space<hbm>>
        %dma_wait3A_34 = tpu.memref_squeeze %dma_wait3A_33 : memref<1x128x16xf32, #tpu.memory_space<hbm>> -> memref<128x16xf32, #tpu.memory_space<hbm>>
        tpu.wait_dma2 semaphore(%run_scoped3A : memref<!tpu.dma_semaphore, #tpu.memory_space<semaphore_mem>>) src(%arg15 : memref<128x16xf32, #tpu.memory_space<vmem>>) dst(%dma_wait3A_34 : memref<128x16xf32, #tpu.memory_space<hbm>>)
        tpu.yield
      }) : () -> ()
      "tpu.region"() ({
        %run_scoped3A = tpu.sem_alloc : memref<!tpu.dma_semaphore, #tpu.memory_space<semaphore_mem>>
        %dma_start3A_19 = arith.constant 0 : i32
        %dma_start3A_20 = tpu.memref_slice %arg4[%add3A, %dma_start3A_19] : memref<25x128xi32, #tpu.memory_space<hbm>> -> memref<1x128xi32, #tpu.memory_space<hbm>>
        %dma_start3A_21 = tpu.memref_squeeze %dma_start3A_20 : memref<1x128xi32, #tpu.memory_space<hbm>> -> memref<128xi32, #tpu.memory_space<hbm>>
        %dma_start3A_22 = arith.constant 0 : i32
        %dma_start3A_23 = tpu.memref_slice %arg4[%add3A, %dma_start3A_22] : memref<25x128xi32, #tpu.memory_space<hbm>> -> memref<1x128xi32, #tpu.memory_space<hbm>>
        %dma_start3A_24 = tpu.memref_squeeze %dma_start3A_23 : memref<1x128xi32, #tpu.memory_space<hbm>> -> memref<128xi32, #tpu.memory_space<hbm>>
        tpu.enqueue_dma source(%dma_start3A_24 : memref<128xi32, #tpu.memory_space<hbm>>) target(%arg13 : memref<128xi32, #tpu.memory_space<vmem>>) target_semaphore(%run_scoped3A : memref<!tpu.dma_semaphore, #tpu.memory_space<semaphore_mem>>)
        %dma_wait3A_25 = arith.constant 0 : i32
        %dma_wait3A_26 = tpu.memref_slice %arg4[%add3A, %dma_wait3A_25] : memref<25x128xi32, #tpu.memory_space<hbm>> -> memref<1x128xi32, #tpu.memory_space<hbm>>
        %dma_wait3A_27 = tpu.memref_squeeze %dma_wait3A_26 : memref<1x128xi32, #tpu.memory_space<hbm>> -> memref<128xi32, #tpu.memory_space<hbm>>
        %dma_wait3A_28 = arith.constant 0 : i32
        %dma_wait3A_29 = tpu.memref_slice %arg4[%add3A, %dma_wait3A_28] : memref<25x128xi32, #tpu.memory_space<hbm>> -> memref<1x128xi32, #tpu.memory_space<hbm>>
        %dma_wait3A_30 = tpu.memref_squeeze %dma_wait3A_29 : memref<1x128xi32, #tpu.memory_space<hbm>> -> memref<128xi32, #tpu.memory_space<hbm>>
        tpu.wait_dma2 semaphore(%run_scoped3A : memref<!tpu.dma_semaphore, #tpu.memory_space<semaphore_mem>>) src(%dma_wait3A_30 : memref<128xi32, #tpu.memory_space<hbm>>) dst(%arg13 : memref<128xi32, #tpu.memory_space<vmem>>)
        tpu.yield
      }) : () -> ()
      %dma_start3A_13 = arith.constant 0 : i32
      %dma_start3A_14 = arith.constant 0 : i32
      %dma_start3A_15 = tpu.memref_slice %arg7[%dma_start3A_13, %dma_start3A_14] : memref<81120x16xf32, #tpu.memory_space<hbm>> -> memref<81120x16xf32, #tpu.memory_space<hbm>>
      tpu.enqueue_indirect_dma source(%dma_start3A_15 : memref<81120x16xf32, #tpu.memory_space<hbm>>) target(%arg16 : memref<128x16xf32, #tpu.memory_space<vmem>>) offsets(%arg13 : memref<128xi32, #tpu.memory_space<vmem>>) semaphore(%arg17 : memref<!tpu.dma_semaphore, #tpu.memory_space<semaphore_mem>>)
      %dma_wait3A_16 = arith.constant 0 : i32
      %dma_wait3A_17 = arith.constant 0 : i32
      %dma_wait3A_18 = tpu.memref_slice %arg7[%dma_wait3A_16, %dma_wait3A_17] : memref<81120x16xf32, #tpu.memory_space<hbm>> -> memref<81120x16xf32, #tpu.memory_space<hbm>>
      tpu.wait_indirect_dma semaphore(%arg17 : memref<!tpu.dma_semaphore, #tpu.memory_space<semaphore_mem>>) src(%dma_wait3A_18 : memref<81120x16xf32, #tpu.memory_space<hbm>>) dst(%arg16 : memref<128x16xf32, #tpu.memory_space<vmem>>)
      "tpu.region"() ({
        %run_scoped3A = tpu.sem_alloc : memref<!tpu.dma_semaphore, #tpu.memory_space<semaphore_mem>>
        %dma_start3A_19 = arith.constant 0 : i32
        %dma_start3A_20 = arith.constant 0 : i32
        %dma_start3A_21 = tpu.memref_slice %arg10[%add3A, %dma_start3A_19, %dma_start3A_20] : memref<25x128x16xf32, #tpu.memory_space<hbm>> -> memref<1x128x16xf32, #tpu.memory_space<hbm>>
        %dma_start3A_22 = tpu.memref_squeeze %dma_start3A_21 : memref<1x128x16xf32, #tpu.memory_space<hbm>> -> memref<128x16xf32, #tpu.memory_space<hbm>>
        %dma_start3A_23 = arith.constant 0 : i32
        %dma_start3A_24 = arith.constant 0 : i32
        %dma_start3A_25 = tpu.memref_slice %arg10[%add3A, %dma_start3A_23, %dma_start3A_24] : memref<25x128x16xf32, #tpu.memory_space<hbm>> -> memref<1x128x16xf32, #tpu.memory_space<hbm>>
        %dma_start3A_26 = tpu.memref_squeeze %dma_start3A_25 : memref<1x128x16xf32, #tpu.memory_space<hbm>> -> memref<128x16xf32, #tpu.memory_space<hbm>>
        tpu.enqueue_dma source(%arg16 : memref<128x16xf32, #tpu.memory_space<vmem>>) target(%dma_start3A_26 : memref<128x16xf32, #tpu.memory_space<hbm>>) target_semaphore(%run_scoped3A : memref<!tpu.dma_semaphore, #tpu.memory_space<semaphore_mem>>)
        %dma_wait3A_27 = arith.constant 0 : i32
        %dma_wait3A_28 = arith.constant 0 : i32
        %dma_wait3A_29 = tpu.memref_slice %arg10[%add3A, %dma_wait3A_27, %dma_wait3A_28] : memref<25x128x16xf32, #tpu.memory_space<hbm>> -> memref<1x128x16xf32, #tpu.memory_space<hbm>>
        %dma_wait3A_30 = tpu.memref_squeeze %dma_wait3A_29 : memref<1x128x16xf32, #tpu.memory_space<hbm>> -> memref<128x16xf32, #tpu.memory_space<hbm>>
        %dma_wait3A_31 = arith.constant 0 : i32
        %dma_wait3A_32 = arith.constant 0 : i32
        %dma_wait3A_33 = tpu.memref_slice %arg10[%add3A, %dma_wait3A_31, %dma_wait3A_32] : memref<25x128x16xf32, #tpu.memory_space<hbm>> -> memref<1x128x16xf32, #tpu.memory_space<hbm>>
        %dma_wait3A_34 = tpu.memref_squeeze %dma_wait3A_33 : memref<1x128x16xf32, #tpu.memory_space<hbm>> -> memref<128x16xf32, #tpu.memory_space<hbm>>
        tpu.wait_dma2 semaphore(%run_scoped3A : memref<!tpu.dma_semaphore, #tpu.memory_space<semaphore_mem>>) src(%arg16 : memref<128x16xf32, #tpu.memory_space<vmem>>) dst(%dma_wait3A_34 : memref<128x16xf32, #tpu.memory_space<hbm>>)
        tpu.yield
      }) : () -> ()
    } else {
    }
    return
  }
}

module attributes {stable_mosaic.version = 14 : i64} {
  func.func @_prep_body(%arg0: memref<640x5xf32, #tpu.memory_space<vmem>>, %arg1: memref<5x640xf32, #tpu.memory_space<vmem>>, %arg2: memref<15x640xi32, #tpu.memory_space<vmem>>, %arg3: memref<640x8xf32, #tpu.memory_space<vmem>>, %arg4: memref<3200x16xf32, #tpu.memory_space<vmem>>, %arg5: memref<3200x16xf32, #tpu.memory_space<vmem>>, %arg6: memref<3200x16xf32, #tpu.memory_space<vmem>>) attributes {dimension_semantics = [], scalar_prefetch = 0 : i64, scratch_operands = 0 : i64, tpu.core_type = #tpu.core_type<tc>} {
    %get3A = arith.constant 1 : index
    %get3A_0 = arith.constant 0 : index
    %get3A_1 = vector.load %arg1[%get3A, %get3A_0] : memref<5x640xf32, #tpu.memory_space<vmem>>, vector<1x640xf32>
    %get3A_2 = arith.constant 2 : index
    %get3A_3 = arith.constant 0 : index
    %get3A_4 = vector.load %arg1[%get3A_2, %get3A_3] : memref<5x640xf32, #tpu.memory_space<vmem>>, vector<1x640xf32>
    %get3A_5 = arith.constant 3 : index
    %get3A_6 = arith.constant 0 : index
    %get3A_7 = vector.load %arg1[%get3A_5, %get3A_6] : memref<5x640xf32, #tpu.memory_space<vmem>>, vector<1x640xf32>
    %get3A_8 = arith.constant 4 : index
    %get3A_9 = arith.constant 0 : index
    %get3A_10 = vector.load %arg1[%get3A_8, %get3A_9] : memref<5x640xf32, #tpu.memory_space<vmem>>, vector<1x640xf32>
    %mul3A = arith.constant 4.160000e+02 : f32
    %mul3A_11 = vector.broadcast %mul3A : f32 to vector<1x640xf32>
    %mul3A_12 = arith.mulf %get3A_7, %mul3A_11 : vector<1x640xf32>
    %mul3A_13 = arith.constant 4.160000e+02 : f32
    %mul3A_14 = vector.broadcast %mul3A_13 : f32 to vector<1x640xf32>
    %mul3A_15 = arith.mulf %get3A_10, %mul3A_14 : vector<1x640xf32>
    %mul3A_16 = arith.mulf %mul3A_12, %mul3A_15 : vector<1x640xf32>
    %broadcast_in_dim3A = arith.constant -1.000000e+00 : f32
    %broadcast_in_dim3A_17 = vector.broadcast %broadcast_in_dim3A : f32 to vector<1x640xf32>
    %broadcast_in_dim3A_18 = arith.constant 0 : i32
    %broadcast_in_dim3A_19 = vector.broadcast %broadcast_in_dim3A_18 : i32 to vector<1x640xi32>
    %min3A = arith.constant 1.160000e+02 : f32
    %min3A_20 = vector.broadcast %min3A : f32 to vector<1x640xf32>
    %min3A_21 = arith.minimumf %mul3A_12, %min3A_20 : vector<1x640xf32>
    %min3A_22 = arith.constant 9.000000e+01 : f32
    %min3A_23 = vector.broadcast %min3A_22 : f32 to vector<1x640xf32>
    %min3A_24 = arith.minimumf %mul3A_15, %min3A_23 : vector<1x640xf32>
    %mul3A_25 = arith.mulf %min3A_21, %min3A_24 : vector<1x640xf32>
    %add3A = arith.constant 1.044000e+04 : f32
    %add3A_26 = vector.broadcast %add3A : f32 to vector<1x640xf32>
    %add3A_27 = arith.addf %mul3A_16, %add3A_26 : vector<1x640xf32>
    %sub3A = arith.subf %add3A_27, %mul3A_25 : vector<1x640xf32>
    %max3A = arith.constant 9.99999997E-7 : f32
    %max3A_28 = vector.broadcast %max3A : f32 to vector<1x640xf32>
    %max3A_29 = arith.maximumf %sub3A, %max3A_28 : vector<1x640xf32>
    %div3A = arith.divf %mul3A_25, %max3A_29 : vector<1x640xf32>
    %gt3A = arith.cmpf ogt, %div3A, %broadcast_in_dim3A_17 : vector<1x640xf32>
    %select_n3A = arith.select %gt3A, %div3A, %broadcast_in_dim3A_17 : vector<1x640xi1>, vector<1x640xf32>
    %jit3A = arith.constant 0 : i32
    %broadcast_in_dim3A_30 = vector.broadcast %jit3A : i32 to vector<1x640xi32>
    %select_n3A_31 = arith.select %gt3A, %broadcast_in_dim3A_30, %broadcast_in_dim3A_19 : vector<1x640xi1>, vector<1x640xi32>
    %min3A_32 = arith.constant 1.560000e+02 : f32
    %min3A_33 = vector.broadcast %min3A_32 : f32 to vector<1x640xf32>
    %min3A_34 = arith.minimumf %mul3A_12, %min3A_33 : vector<1x640xf32>
    %min3A_35 = arith.constant 1.980000e+02 : f32
    %min3A_36 = vector.broadcast %min3A_35 : f32 to vector<1x640xf32>
    %min3A_37 = arith.minimumf %mul3A_15, %min3A_36 : vector<1x640xf32>
    %mul3A_38 = arith.mulf %min3A_34, %min3A_37 : vector<1x640xf32>
    %add3A_39 = arith.constant 3.088800e+04 : f32
    %add3A_40 = vector.broadcast %add3A_39 : f32 to vector<1x640xf32>
    %add3A_41 = arith.addf %mul3A_16, %add3A_40 : vector<1x640xf32>
    %sub3A_42 = arith.subf %add3A_41, %mul3A_38 : vector<1x640xf32>
    %max3A_43 = arith.constant 9.99999997E-7 : f32
    %max3A_44 = vector.broadcast %max3A_43 : f32 to vector<1x640xf32>
    %max3A_45 = arith.maximumf %sub3A_42, %max3A_44 : vector<1x640xf32>
    %div3A_46 = arith.divf %mul3A_38, %max3A_45 : vector<1x640xf32>
    %gt3A_47 = arith.cmpf ogt, %div3A_46, %select_n3A : vector<1x640xf32>
    %select_n3A_48 = arith.select %gt3A_47, %div3A_46, %select_n3A : vector<1x640xi1>, vector<1x640xf32>
    %jit3A_49 = arith.constant 1 : i32
    %broadcast_in_dim3A_50 = vector.broadcast %jit3A_49 : i32 to vector<1x640xi32>
    %select_n3A_51 = arith.select %gt3A_47, %broadcast_in_dim3A_50, %select_n3A_31 : vector<1x640xi1>, vector<1x640xi32>
    %min3A_52 = arith.constant 3.730000e+02 : f32
    %min3A_53 = vector.broadcast %min3A_52 : f32 to vector<1x640xf32>
    %min3A_54 = arith.minimumf %mul3A_12, %min3A_53 : vector<1x640xf32>
    %min3A_55 = arith.constant 3.260000e+02 : f32
    %min3A_56 = vector.broadcast %min3A_55 : f32 to vector<1x640xf32>
    %min3A_57 = arith.minimumf %mul3A_15, %min3A_56 : vector<1x640xf32>
    %mul3A_58 = arith.mulf %min3A_54, %min3A_57 : vector<1x640xf32>
    %add3A_59 = arith.constant 1.215980e+05 : f32
    %add3A_60 = vector.broadcast %add3A_59 : f32 to vector<1x640xf32>
    %add3A_61 = arith.addf %mul3A_16, %add3A_60 : vector<1x640xf32>
    %sub3A_62 = arith.subf %add3A_61, %mul3A_58 : vector<1x640xf32>
    %max3A_63 = arith.constant 9.99999997E-7 : f32
    %max3A_64 = vector.broadcast %max3A_63 : f32 to vector<1x640xf32>
    %max3A_65 = arith.maximumf %sub3A_62, %max3A_64 : vector<1x640xf32>
    %div3A_66 = arith.divf %mul3A_58, %max3A_65 : vector<1x640xf32>
    %gt3A_67 = arith.cmpf ogt, %div3A_66, %select_n3A_48 : vector<1x640xf32>
    %select_n3A_68 = arith.select %gt3A_67, %div3A_66, %select_n3A_48 : vector<1x640xi1>, vector<1x640xf32>
    %jit3A_69 = arith.constant 2 : i32
    %broadcast_in_dim3A_70 = vector.broadcast %jit3A_69 : i32 to vector<1x640xi32>
    %select_n3A_71 = arith.select %gt3A_67, %broadcast_in_dim3A_70, %select_n3A_51 : vector<1x640xi1>, vector<1x640xi32>
    %min3A_72 = arith.constant 3.000000e+01 : f32
    %min3A_73 = vector.broadcast %min3A_72 : f32 to vector<1x640xf32>
    %min3A_74 = arith.minimumf %mul3A_12, %min3A_73 : vector<1x640xf32>
    %min3A_75 = arith.constant 6.100000e+01 : f32
    %min3A_76 = vector.broadcast %min3A_75 : f32 to vector<1x640xf32>
    %min3A_77 = arith.minimumf %mul3A_15, %min3A_76 : vector<1x640xf32>
    %mul3A_78 = arith.mulf %min3A_74, %min3A_77 : vector<1x640xf32>
    %add3A_79 = arith.constant 1.830000e+03 : f32
    %add3A_80 = vector.broadcast %add3A_79 : f32 to vector<1x640xf32>
    %add3A_81 = arith.addf %mul3A_16, %add3A_80 : vector<1x640xf32>
    %sub3A_82 = arith.subf %add3A_81, %mul3A_78 : vector<1x640xf32>
    %max3A_83 = arith.constant 9.99999997E-7 : f32
    %max3A_84 = vector.broadcast %max3A_83 : f32 to vector<1x640xf32>
    %max3A_85 = arith.maximumf %sub3A_82, %max3A_84 : vector<1x640xf32>
    %div3A_86 = arith.divf %mul3A_78, %max3A_85 : vector<1x640xf32>
    %gt3A_87 = arith.cmpf ogt, %div3A_86, %select_n3A_68 : vector<1x640xf32>
    %select_n3A_88 = arith.select %gt3A_87, %div3A_86, %select_n3A_68 : vector<1x640xi1>, vector<1x640xf32>
    %jit3A_89 = arith.constant 3 : i32
    %broadcast_in_dim3A_90 = vector.broadcast %jit3A_89 : i32 to vector<1x640xi32>
    %select_n3A_91 = arith.select %gt3A_87, %broadcast_in_dim3A_90, %select_n3A_71 : vector<1x640xi1>, vector<1x640xi32>
    %min3A_92 = arith.constant 6.200000e+01 : f32
    %min3A_93 = vector.broadcast %min3A_92 : f32 to vector<1x640xf32>
    %min3A_94 = arith.minimumf %mul3A_12, %min3A_93 : vector<1x640xf32>
    %min3A_95 = arith.constant 4.500000e+01 : f32
    %min3A_96 = vector.broadcast %min3A_95 : f32 to vector<1x640xf32>
    %min3A_97 = arith.minimumf %mul3A_15, %min3A_96 : vector<1x640xf32>
    %mul3A_98 = arith.mulf %min3A_94, %min3A_97 : vector<1x640xf32>
    %add3A_99 = arith.constant 2.790000e+03 : f32
    %add3A_100 = vector.broadcast %add3A_99 : f32 to vector<1x640xf32>
    %add3A_101 = arith.addf %mul3A_16, %add3A_100 : vector<1x640xf32>
    %sub3A_102 = arith.subf %add3A_101, %mul3A_98 : vector<1x640xf32>
    %max3A_103 = arith.constant 9.99999997E-7 : f32
    %max3A_104 = vector.broadcast %max3A_103 : f32 to vector<1x640xf32>
    %max3A_105 = arith.maximumf %sub3A_102, %max3A_104 : vector<1x640xf32>
    %div3A_106 = arith.divf %mul3A_98, %max3A_105 : vector<1x640xf32>
    %gt3A_107 = arith.cmpf ogt, %div3A_106, %select_n3A_88 : vector<1x640xf32>
    %select_n3A_108 = arith.select %gt3A_107, %div3A_106, %select_n3A_88 : vector<1x640xi1>, vector<1x640xf32>
    %jit3A_109 = arith.constant 4 : i32
    %broadcast_in_dim3A_110 = vector.broadcast %jit3A_109 : i32 to vector<1x640xi32>
    %select_n3A_111 = arith.select %gt3A_107, %broadcast_in_dim3A_110, %select_n3A_91 : vector<1x640xi1>, vector<1x640xi32>
    %min3A_112 = arith.constant 5.900000e+01 : f32
    %min3A_113 = vector.broadcast %min3A_112 : f32 to vector<1x640xf32>
    %min3A_114 = arith.minimumf %mul3A_12, %min3A_113 : vector<1x640xf32>
    %min3A_115 = arith.constant 1.190000e+02 : f32
    %min3A_116 = vector.broadcast %min3A_115 : f32 to vector<1x640xf32>
    %min3A_117 = arith.minimumf %mul3A_15, %min3A_116 : vector<1x640xf32>
    %mul3A_118 = arith.mulf %min3A_114, %min3A_117 : vector<1x640xf32>
    %add3A_119 = arith.constant 7.021000e+03 : f32
    %add3A_120 = vector.broadcast %add3A_119 : f32 to vector<1x640xf32>
    %add3A_121 = arith.addf %mul3A_16, %add3A_120 : vector<1x640xf32>
    %sub3A_122 = arith.subf %add3A_121, %mul3A_118 : vector<1x640xf32>
    %max3A_123 = arith.constant 9.99999997E-7 : f32
    %max3A_124 = vector.broadcast %max3A_123 : f32 to vector<1x640xf32>
    %max3A_125 = arith.maximumf %sub3A_122, %max3A_124 : vector<1x640xf32>
    %div3A_126 = arith.divf %mul3A_118, %max3A_125 : vector<1x640xf32>
    %gt3A_127 = arith.cmpf ogt, %div3A_126, %select_n3A_108 : vector<1x640xf32>
    %select_n3A_128 = arith.select %gt3A_127, %div3A_126, %select_n3A_108 : vector<1x640xi1>, vector<1x640xf32>
    %jit3A_129 = arith.constant 5 : i32
    %broadcast_in_dim3A_130 = vector.broadcast %jit3A_129 : i32 to vector<1x640xi32>
    %select_n3A_131 = arith.select %gt3A_127, %broadcast_in_dim3A_130, %select_n3A_111 : vector<1x640xi1>, vector<1x640xi32>
    %min3A_132 = arith.constant 1.000000e+01 : f32
    %min3A_133 = vector.broadcast %min3A_132 : f32 to vector<1x640xf32>
    %min3A_134 = arith.minimumf %mul3A_12, %min3A_133 : vector<1x640xf32>
    %min3A_135 = arith.constant 1.300000e+01 : f32
    %min3A_136 = vector.broadcast %min3A_135 : f32 to vector<1x640xf32>
    %min3A_137 = arith.minimumf %mul3A_15, %min3A_136 : vector<1x640xf32>
    %mul3A_138 = arith.mulf %min3A_134, %min3A_137 : vector<1x640xf32>
    %add3A_139 = arith.constant 1.300000e+02 : f32
    %add3A_140 = vector.broadcast %add3A_139 : f32 to vector<1x640xf32>
    %add3A_141 = arith.addf %mul3A_16, %add3A_140 : vector<1x640xf32>
    %sub3A_142 = arith.subf %add3A_141, %mul3A_138 : vector<1x640xf32>
    %max3A_143 = arith.constant 9.99999997E-7 : f32
    %max3A_144 = vector.broadcast %max3A_143 : f32 to vector<1x640xf32>
    %max3A_145 = arith.maximumf %sub3A_142, %max3A_144 : vector<1x640xf32>
    %div3A_146 = arith.divf %mul3A_138, %max3A_145 : vector<1x640xf32>
    %gt3A_147 = arith.cmpf ogt, %div3A_146, %select_n3A_128 : vector<1x640xf32>
    %select_n3A_148 = arith.select %gt3A_147, %div3A_146, %select_n3A_128 : vector<1x640xi1>, vector<1x640xf32>
    %jit3A_149 = arith.constant 6 : i32
    %broadcast_in_dim3A_150 = vector.broadcast %jit3A_149 : i32 to vector<1x640xi32>
    %select_n3A_151 = arith.select %gt3A_147, %broadcast_in_dim3A_150, %select_n3A_131 : vector<1x640xi1>, vector<1x640xi32>
    %min3A_152 = arith.constant 1.600000e+01 : f32
    %min3A_153 = vector.broadcast %min3A_152 : f32 to vector<1x640xf32>
    %min3A_154 = arith.minimumf %mul3A_12, %min3A_153 : vector<1x640xf32>
    %min3A_155 = arith.constant 3.000000e+01 : f32
    %min3A_156 = vector.broadcast %min3A_155 : f32 to vector<1x640xf32>
    %min3A_157 = arith.minimumf %mul3A_15, %min3A_156 : vector<1x640xf32>
    %mul3A_158 = arith.mulf %min3A_154, %min3A_157 : vector<1x640xf32>
    %add3A_159 = arith.constant 4.800000e+02 : f32
    %add3A_160 = vector.broadcast %add3A_159 : f32 to vector<1x640xf32>
    %add3A_161 = arith.addf %mul3A_16, %add3A_160 : vector<1x640xf32>
    %sub3A_162 = arith.subf %add3A_161, %mul3A_158 : vector<1x640xf32>
    %max3A_163 = arith.constant 9.99999997E-7 : f32
    %max3A_164 = vector.broadcast %max3A_163 : f32 to vector<1x640xf32>
    %max3A_165 = arith.maximumf %sub3A_162, %max3A_164 : vector<1x640xf32>
    %div3A_166 = arith.divf %mul3A_158, %max3A_165 : vector<1x640xf32>
    %gt3A_167 = arith.cmpf ogt, %div3A_166, %select_n3A_148 : vector<1x640xf32>
    %select_n3A_168 = arith.select %gt3A_167, %div3A_166, %select_n3A_148 : vector<1x640xi1>, vector<1x640xf32>
    %jit3A_169 = arith.constant 7 : i32
    %broadcast_in_dim3A_170 = vector.broadcast %jit3A_169 : i32 to vector<1x640xi32>
    %select_n3A_171 = arith.select %gt3A_167, %broadcast_in_dim3A_170, %select_n3A_151 : vector<1x640xi1>, vector<1x640xi32>
    %min3A_172 = arith.constant 3.300000e+01 : f32
    %min3A_173 = vector.broadcast %min3A_172 : f32 to vector<1x640xf32>
    %min3A_174 = arith.minimumf %mul3A_12, %min3A_173 : vector<1x640xf32>
    %min3A_175 = arith.constant 2.300000e+01 : f32
    %min3A_176 = vector.broadcast %min3A_175 : f32 to vector<1x640xf32>
    %min3A_177 = arith.minimumf %mul3A_15, %min3A_176 : vector<1x640xf32>
    %mul3A_178 = arith.mulf %min3A_174, %min3A_177 : vector<1x640xf32>
    %add3A_179 = arith.constant 7.590000e+02 : f32
    %add3A_180 = vector.broadcast %add3A_179 : f32 to vector<1x640xf32>
    %add3A_181 = arith.addf %mul3A_16, %add3A_180 : vector<1x640xf32>
    %sub3A_182 = arith.subf %add3A_181, %mul3A_178 : vector<1x640xf32>
    %max3A_183 = arith.constant 9.99999997E-7 : f32
    %max3A_184 = vector.broadcast %max3A_183 : f32 to vector<1x640xf32>
    %max3A_185 = arith.maximumf %sub3A_182, %max3A_184 : vector<1x640xf32>
    %div3A_186 = arith.divf %mul3A_178, %max3A_185 : vector<1x640xf32>
    %gt3A_187 = arith.cmpf ogt, %div3A_186, %select_n3A_168 : vector<1x640xf32>
    %jit3A_188 = arith.constant 8 : i32
    %broadcast_in_dim3A_189 = vector.broadcast %jit3A_188 : i32 to vector<1x640xi32>
    %select_n3A_190 = arith.select %gt3A_187, %broadcast_in_dim3A_189, %select_n3A_171 : vector<1x640xi1>, vector<1x640xi32>
    %jit3A_191 = arith.constant 3 : i32
    %div3A_192 = vector.broadcast %jit3A_191 : i32 to vector<1x640xi32>
    %div3A_193 = arith.divsi %select_n3A_190, %div3A_192 : vector<1x640xi32>
    %sign3A = arith.constant 0 : i32
    %sign3A_194 = vector.broadcast %sign3A : i32 to vector<1x640xi32>
    %sign3A_195 = arith.cmpi sgt, %select_n3A_190, %sign3A_194 : vector<1x640xi32>
    %sign3A_196 = arith.extui %sign3A_195 : vector<1x640xi1> to vector<1x640xi32>
    %sign3A_197 = arith.constant 0 : i32
    %sign3A_198 = vector.broadcast %sign3A_197 : i32 to vector<1x640xi32>
    %sign3A_199 = arith.cmpi slt, %select_n3A_190, %sign3A_198 : vector<1x640xi32>
    %sign3A_200 = arith.extui %sign3A_199 : vector<1x640xi1> to vector<1x640xi32>
    %sign3A_201 = arith.subi %sign3A_196, %sign3A_200 : vector<1x640xi32>
    %sign3A_202 = arith.constant 0 : i32
    %sign3A_203 = arith.cmpi sgt, %jit3A_191, %sign3A_202 : i32
    %sign3A_204 = arith.extui %sign3A_203 : i1 to i32
    %sign3A_205 = arith.constant 0 : i32
    %sign3A_206 = arith.cmpi slt, %jit3A_191, %sign3A_205 : i32
    %sign3A_207 = arith.extui %sign3A_206 : i1 to i32
    %sign3A_208 = arith.subi %sign3A_204, %sign3A_207 : i32
    %ne3A = vector.broadcast %sign3A_208 : i32 to vector<1x640xi32>
    %ne3A_209 = arith.cmpi ne, %sign3A_201, %ne3A : vector<1x640xi32>
    %rem3A = vector.broadcast %jit3A_191 : i32 to vector<1x640xi32>
    %rem3A_210 = arith.remsi %select_n3A_190, %rem3A : vector<1x640xi32>
    %ne3A_211 = arith.constant 0 : i32
    %ne3A_212 = vector.broadcast %ne3A_211 : i32 to vector<1x640xi32>
    %ne3A_213 = arith.cmpi ne, %rem3A_210, %ne3A_212 : vector<1x640xi32>
    %and3A = arith.andi %ne3A_209, %ne3A_213 : vector<1x640xi1>
    %sub3A_214 = arith.constant 1 : i32
    %sub3A_215 = vector.broadcast %sub3A_214 : i32 to vector<1x640xi32>
    %sub3A_216 = arith.subi %div3A_193, %sub3A_215 : vector<1x640xi32>
    %select_n3A_217 = arith.select %and3A, %sub3A_216, %div3A_193 : vector<1x640xi1>, vector<1x640xi32>
    %jit3A_218 = arith.constant 3 : i32
    %eq3A = arith.constant 0 : i32
    %eq3A_219 = arith.cmpi eq, %jit3A_218, %eq3A : i32
    %jit3A_220 = arith.constant 1 : i32
    %select_n3A_221 = arith.select %eq3A_219, %jit3A_220, %jit3A_218 : i32
    %rem3A_222 = vector.broadcast %select_n3A_221 : i32 to vector<1x640xi32>
    %rem3A_223 = arith.remsi %select_n3A_190, %rem3A_222 : vector<1x640xi32>
    %ne3A_224 = arith.constant 0 : i32
    %ne3A_225 = vector.broadcast %ne3A_224 : i32 to vector<1x640xi32>
    %ne3A_226 = arith.cmpi ne, %rem3A_223, %ne3A_225 : vector<1x640xi32>
    %lt3A = arith.constant 0 : i32
    %lt3A_227 = vector.broadcast %lt3A : i32 to vector<1x640xi32>
    %lt3A_228 = arith.cmpi slt, %rem3A_223, %lt3A_227 : vector<1x640xi32>
    %lt3A_229 = arith.constant 0 : i32
    %lt3A_230 = arith.cmpi slt, %select_n3A_221, %lt3A_229 : i32
    %ne3A_231 = vector.broadcast %lt3A_230 : i1 to vector<1x640xi1>
    %ne3A_232 = vector.broadcast %ne3A_231 : vector<1x640xi1> to vector<1x640xi1>
    %ne3A_233 = arith.xori %lt3A_228, %ne3A_232 : vector<1x640xi1>
    %and3A_234 = arith.andi %ne3A_233, %ne3A_226 : vector<1x640xi1>
    %add3A_235 = vector.broadcast %select_n3A_221 : i32 to vector<1x640xi32>
    %add3A_236 = arith.addi %rem3A_223, %add3A_235 : vector<1x640xi32>
    %select_n3A_237 = arith.select %and3A_234, %add3A_236, %rem3A_223 : vector<1x640xi1>, vector<1x640xi32>
    %eq3A_238 = arith.constant 0 : i32
    %eq3A_239 = vector.broadcast %eq3A_238 : i32 to vector<1x640xi32>
    %eq3A_240 = arith.cmpi eq, %select_n3A_217, %eq3A_239 : vector<1x640xi32>
    %eq3A_241 = arith.constant 1 : i32
    %eq3A_242 = vector.broadcast %eq3A_241 : i32 to vector<1x640xi32>
    %eq3A_243 = arith.cmpi eq, %select_n3A_217, %eq3A_242 : vector<1x640xi32>
    %jit3A_244 = arith.constant 2.600000e+01 : f32
    %jit3A_245 = arith.constant 5.200000e+01 : f32
    %broadcast_in_dim3A_246 = vector.broadcast %jit3A_244 : f32 to vector<1x640xf32>
    %broadcast_in_dim3A_247 = vector.broadcast %jit3A_245 : f32 to vector<1x640xf32>
    %select_n3A_248 = arith.select %eq3A_243, %broadcast_in_dim3A_246, %broadcast_in_dim3A_247 : vector<1x640xi1>, vector<1x640xf32>
    %jit3A_249 = arith.constant 1.300000e+01 : f32
    %broadcast_in_dim3A_250 = vector.broadcast %jit3A_249 : f32 to vector<1x640xf32>
    %select_n3A_251 = arith.select %eq3A_240, %broadcast_in_dim3A_250, %select_n3A_248 : vector<1x640xi1>, vector<1x640xf32>
    %eq3A_252 = arith.constant 0 : i32
    %eq3A_253 = vector.broadcast %eq3A_252 : i32 to vector<1x640xi32>
    %eq3A_254 = arith.cmpi eq, %select_n3A_217, %eq3A_253 : vector<1x640xi32>
    %eq3A_255 = arith.constant 1 : i32
    %eq3A_256 = vector.broadcast %eq3A_255 : i32 to vector<1x640xi32>
    %eq3A_257 = arith.cmpi eq, %select_n3A_217, %eq3A_256 : vector<1x640xi32>
    %jit3A_258 = arith.constant 26 : i32
    %jit3A_259 = arith.constant 52 : i32
    %broadcast_in_dim3A_260 = vector.broadcast %jit3A_258 : i32 to vector<1x640xi32>
    %broadcast_in_dim3A_261 = vector.broadcast %jit3A_259 : i32 to vector<1x640xi32>
    %select_n3A_262 = arith.select %eq3A_257, %broadcast_in_dim3A_260, %broadcast_in_dim3A_261 : vector<1x640xi1>, vector<1x640xi32>
    %jit3A_263 = arith.constant 13 : i32
    %broadcast_in_dim3A_264 = vector.broadcast %jit3A_263 : i32 to vector<1x640xi32>
    %select_n3A_265 = arith.select %eq3A_254, %broadcast_in_dim3A_264, %select_n3A_262 : vector<1x640xi1>, vector<1x640xi32>
    %mul3A_266 = arith.mulf %get3A_1, %select_n3A_251 : vector<1x640xf32>
    %mul3A_267 = arith.mulf %get3A_4, %select_n3A_251 : vector<1x640xf32>
    %floor3A = math.floor %mul3A_266 : vector<1x640xf32>
    %convert_element_type3A = arith.fptosi %floor3A : vector<1x640xf32> to vector<1x640xi32>
    %sub3A_268 = arith.constant 1 : i32
    %sub3A_269 = vector.broadcast %sub3A_268 : i32 to vector<1x640xi32>
    %sub3A_270 = arith.subi %select_n3A_265, %sub3A_269 : vector<1x640xi32>
    %jit3A_271 = arith.constant 0 : i32
    %max3A_272 = vector.broadcast %jit3A_271 : i32 to vector<1x640xi32>
    %max3A_273 = arith.maxsi %max3A_272, %convert_element_type3A : vector<1x640xi32>
    %min3A_274 = arith.minsi %sub3A_270, %max3A_273 : vector<1x640xi32>
    %floor3A_275 = math.floor %mul3A_267 : vector<1x640xf32>
    %convert_element_type3A_276 = arith.fptosi %floor3A_275 : vector<1x640xf32> to vector<1x640xi32>
    %sub3A_277 = arith.constant 1 : i32
    %sub3A_278 = vector.broadcast %sub3A_277 : i32 to vector<1x640xi32>
    %sub3A_279 = arith.subi %select_n3A_265, %sub3A_278 : vector<1x640xi32>
    %jit3A_280 = arith.constant 0 : i32
    %max3A_281 = vector.broadcast %jit3A_280 : i32 to vector<1x640xi32>
    %max3A_282 = arith.maxsi %max3A_281, %convert_element_type3A_276 : vector<1x640xi32>
    %min3A_283 = arith.minsi %sub3A_279, %max3A_282 : vector<1x640xi32>
    %mul3A_284 = arith.constant 3 : i32
    %mul3A_285 = vector.broadcast %mul3A_284 : i32 to vector<1x640xi32>
    %mul3A_286 = arith.muli %select_n3A_217, %mul3A_285 : vector<1x640xi32>
    %add3A_287 = arith.addi %mul3A_286, %select_n3A_237 : vector<1x640xi32>
    %mul3A_288 = arith.constant 64 : i32
    %mul3A_289 = vector.broadcast %mul3A_288 : i32 to vector<1x640xi32>
    %mul3A_290 = arith.muli %add3A_287, %mul3A_289 : vector<1x640xi32>
    %add3A_291 = arith.addi %mul3A_290, %min3A_283 : vector<1x640xi32>
    %mul3A_292 = arith.constant 64 : i32
    %mul3A_293 = vector.broadcast %mul3A_292 : i32 to vector<1x640xi32>
    %mul3A_294 = arith.muli %add3A_291, %mul3A_293 : vector<1x640xi32>
    %add3A_295 = arith.addi %mul3A_294, %min3A_274 : vector<1x640xi32>
    %iota3A = tpu.iota {dimensions = array<i32: 1>} : vector<1x640xi32>
    %jit3A_296 = arith.constant 20 : i32
    %div3A_297 = vector.broadcast %jit3A_296 : i32 to vector<1x640xi32>
    %div3A_298 = arith.divsi %iota3A, %div3A_297 : vector<1x640xi32>
    %sign3A_299 = arith.constant 0 : i32
    %sign3A_300 = vector.broadcast %sign3A_299 : i32 to vector<1x640xi32>
    %sign3A_301 = arith.cmpi sgt, %iota3A, %sign3A_300 : vector<1x640xi32>
    %sign3A_302 = arith.extui %sign3A_301 : vector<1x640xi1> to vector<1x640xi32>
    %sign3A_303 = arith.constant 0 : i32
    %sign3A_304 = vector.broadcast %sign3A_303 : i32 to vector<1x640xi32>
    %sign3A_305 = arith.cmpi slt, %iota3A, %sign3A_304 : vector<1x640xi32>
    %sign3A_306 = arith.extui %sign3A_305 : vector<1x640xi1> to vector<1x640xi32>
    %sign3A_307 = arith.subi %sign3A_302, %sign3A_306 : vector<1x640xi32>
    %sign3A_308 = arith.constant 0 : i32
    %sign3A_309 = arith.cmpi sgt, %jit3A_296, %sign3A_308 : i32
    %sign3A_310 = arith.extui %sign3A_309 : i1 to i32
    %sign3A_311 = arith.constant 0 : i32
    %sign3A_312 = arith.cmpi slt, %jit3A_296, %sign3A_311 : i32
    %sign3A_313 = arith.extui %sign3A_312 : i1 to i32
    %sign3A_314 = arith.subi %sign3A_310, %sign3A_313 : i32
    %ne3A_315 = vector.broadcast %sign3A_314 : i32 to vector<1x640xi32>
    %ne3A_316 = arith.cmpi ne, %sign3A_307, %ne3A_315 : vector<1x640xi32>
    %rem3A_317 = vector.broadcast %jit3A_296 : i32 to vector<1x640xi32>
    %rem3A_318 = arith.remsi %iota3A, %rem3A_317 : vector<1x640xi32>
    %ne3A_319 = arith.constant 0 : i32
    %ne3A_320 = vector.broadcast %ne3A_319 : i32 to vector<1x640xi32>
    %ne3A_321 = arith.cmpi ne, %rem3A_318, %ne3A_320 : vector<1x640xi32>
    %and3A_322 = arith.andi %ne3A_316, %ne3A_321 : vector<1x640xi1>
    %sub3A_323 = arith.constant 1 : i32
    %sub3A_324 = vector.broadcast %sub3A_323 : i32 to vector<1x640xi32>
    %sub3A_325 = arith.subi %div3A_298, %sub3A_324 : vector<1x640xi32>
    %select_n3A_326 = arith.select %and3A_322, %sub3A_325, %div3A_298 : vector<1x640xi1>, vector<1x640xi32>
    %jit3A_327 = arith.constant 20 : i32
    %eq3A_328 = arith.constant 0 : i32
    %eq3A_329 = arith.cmpi eq, %jit3A_327, %eq3A_328 : i32
    %jit3A_330 = arith.constant 1 : i32
    %select_n3A_331 = arith.select %eq3A_329, %jit3A_330, %jit3A_327 : i32
    %rem3A_332 = vector.broadcast %select_n3A_331 : i32 to vector<1x640xi32>
    %rem3A_333 = arith.remsi %iota3A, %rem3A_332 : vector<1x640xi32>
    %ne3A_334 = arith.constant 0 : i32
    %ne3A_335 = vector.broadcast %ne3A_334 : i32 to vector<1x640xi32>
    %ne3A_336 = arith.cmpi ne, %rem3A_333, %ne3A_335 : vector<1x640xi32>
    %lt3A_337 = arith.constant 0 : i32
    %lt3A_338 = vector.broadcast %lt3A_337 : i32 to vector<1x640xi32>
    %lt3A_339 = arith.cmpi slt, %rem3A_333, %lt3A_338 : vector<1x640xi32>
    %lt3A_340 = arith.constant 0 : i32
    %lt3A_341 = arith.cmpi slt, %select_n3A_331, %lt3A_340 : i32
    %ne3A_342 = vector.broadcast %lt3A_341 : i1 to vector<1x640xi1>
    %ne3A_343 = vector.broadcast %ne3A_342 : vector<1x640xi1> to vector<1x640xi1>
    %ne3A_344 = arith.xori %lt3A_339, %ne3A_343 : vector<1x640xi1>
    %and3A_345 = arith.andi %ne3A_344, %ne3A_336 : vector<1x640xi1>
    %add3A_346 = vector.broadcast %select_n3A_331 : i32 to vector<1x640xi32>
    %add3A_347 = arith.addi %rem3A_333, %add3A_346 : vector<1x640xi32>
    %select_n3A_348 = arith.select %and3A_345, %add3A_347, %rem3A_333 : vector<1x640xi1>, vector<1x640xi32>
    %mul3A_349 = arith.constant 1.300000e+01 : f32
    %mul3A_350 = vector.broadcast %mul3A_349 : f32 to vector<1x640xf32>
    %mul3A_351 = arith.mulf %get3A_1, %mul3A_350 : vector<1x640xf32>
    %floor3A_352 = math.floor %mul3A_351 : vector<1x640xf32>
    %convert_element_type3A_353 = arith.fptosi %floor3A_352 : vector<1x640xf32> to vector<1x640xi32>
    %jit3A_354 = arith.constant 0 : i32
    %jit3A_355 = arith.constant 12 : i32
    %max3A_356 = vector.broadcast %jit3A_354 : i32 to vector<1x640xi32>
    %max3A_357 = arith.maxsi %max3A_356, %convert_element_type3A_353 : vector<1x640xi32>
    %min3A_358 = vector.broadcast %jit3A_355 : i32 to vector<1x640xi32>
    %min3A_359 = arith.minsi %min3A_358, %max3A_357 : vector<1x640xi32>
    %mul3A_360 = arith.constant 1.300000e+01 : f32
    %mul3A_361 = vector.broadcast %mul3A_360 : f32 to vector<1x640xf32>
    %mul3A_362 = arith.mulf %get3A_4, %mul3A_361 : vector<1x640xf32>
    %floor3A_363 = math.floor %mul3A_362 : vector<1x640xf32>
    %convert_element_type3A_364 = arith.fptosi %floor3A_363 : vector<1x640xf32> to vector<1x640xi32>
    %jit3A_365 = arith.constant 0 : i32
    %jit3A_366 = arith.constant 12 : i32
    %max3A_367 = vector.broadcast %jit3A_365 : i32 to vector<1x640xi32>
    %max3A_368 = arith.maxsi %max3A_367, %convert_element_type3A_364 : vector<1x640xi32>
    %min3A_369 = vector.broadcast %jit3A_366 : i32 to vector<1x640xi32>
    %min3A_370 = arith.minsi %min3A_369, %max3A_368 : vector<1x640xi32>
    %mul3A_371 = arith.constant 5 : i32
    %mul3A_372 = vector.broadcast %mul3A_371 : i32 to vector<1x640xi32>
    %mul3A_373 = arith.muli %select_n3A_237, %mul3A_372 : vector<1x640xi32>
    %add3A_374 = arith.constant 0 : i32
    %add3A_375 = vector.broadcast %add3A_374 : i32 to vector<1x640xi32>
    %add3A_376 = arith.addi %mul3A_373, %add3A_375 : vector<1x640xi32>
    %mul3A_377 = arith.constant 15 : i32
    %mul3A_378 = vector.broadcast %mul3A_377 : i32 to vector<1x640xi32>
    %mul3A_379 = arith.muli %select_n3A_326, %mul3A_378 : vector<1x640xi32>
    %add3A_380 = arith.addi %mul3A_379, %add3A_376 : vector<1x640xi32>
    %mul3A_381 = arith.constant 13 : i32
    %mul3A_382 = vector.broadcast %mul3A_381 : i32 to vector<1x640xi32>
    %mul3A_383 = arith.muli %add3A_380, %mul3A_382 : vector<1x640xi32>
    %add3A_384 = arith.addi %mul3A_383, %min3A_370 : vector<1x640xi32>
    %mul3A_385 = arith.constant 13 : i32
    %mul3A_386 = vector.broadcast %mul3A_385 : i32 to vector<1x640xi32>
    %mul3A_387 = arith.muli %add3A_384, %mul3A_386 : vector<1x640xi32>
    %add3A_388 = arith.addi %mul3A_387, %min3A_359 : vector<1x640xi32>
    %mul3A_389 = arith.constant 5 : i32
    %mul3A_390 = vector.broadcast %mul3A_389 : i32 to vector<1x640xi32>
    %mul3A_391 = arith.muli %select_n3A_237, %mul3A_390 : vector<1x640xi32>
    %add3A_392 = arith.constant 1 : i32
    %add3A_393 = vector.broadcast %add3A_392 : i32 to vector<1x640xi32>
    %add3A_394 = arith.addi %mul3A_391, %add3A_393 : vector<1x640xi32>
    %mul3A_395 = arith.constant 15 : i32
    %mul3A_396 = vector.broadcast %mul3A_395 : i32 to vector<1x640xi32>
    %mul3A_397 = arith.muli %select_n3A_326, %mul3A_396 : vector<1x640xi32>
    %add3A_398 = arith.addi %mul3A_397, %add3A_394 : vector<1x640xi32>
    %mul3A_399 = arith.constant 13 : i32
    %mul3A_400 = vector.broadcast %mul3A_399 : i32 to vector<1x640xi32>
    %mul3A_401 = arith.muli %add3A_398, %mul3A_400 : vector<1x640xi32>
    %add3A_402 = arith.addi %mul3A_401, %min3A_370 : vector<1x640xi32>
    %mul3A_403 = arith.constant 13 : i32
    %mul3A_404 = vector.broadcast %mul3A_403 : i32 to vector<1x640xi32>
    %mul3A_405 = arith.muli %add3A_402, %mul3A_404 : vector<1x640xi32>
    %add3A_406 = arith.addi %mul3A_405, %min3A_359 : vector<1x640xi32>
    %mul3A_407 = arith.constant 5 : i32
    %mul3A_408 = vector.broadcast %mul3A_407 : i32 to vector<1x640xi32>
    %mul3A_409 = arith.muli %select_n3A_237, %mul3A_408 : vector<1x640xi32>
    %add3A_410 = arith.constant 2 : i32
    %add3A_411 = vector.broadcast %add3A_410 : i32 to vector<1x640xi32>
    %add3A_412 = arith.addi %mul3A_409, %add3A_411 : vector<1x640xi32>
    %mul3A_413 = arith.constant 15 : i32
    %mul3A_414 = vector.broadcast %mul3A_413 : i32 to vector<1x640xi32>
    %mul3A_415 = arith.muli %select_n3A_326, %mul3A_414 : vector<1x640xi32>
    %add3A_416 = arith.addi %mul3A_415, %add3A_412 : vector<1x640xi32>
    %mul3A_417 = arith.constant 13 : i32
    %mul3A_418 = vector.broadcast %mul3A_417 : i32 to vector<1x640xi32>
    %mul3A_419 = arith.muli %add3A_416, %mul3A_418 : vector<1x640xi32>
    %add3A_420 = arith.addi %mul3A_419, %min3A_370 : vector<1x640xi32>
    %mul3A_421 = arith.constant 13 : i32
    %mul3A_422 = vector.broadcast %mul3A_421 : i32 to vector<1x640xi32>
    %mul3A_423 = arith.muli %add3A_420, %mul3A_422 : vector<1x640xi32>
    %add3A_424 = arith.addi %mul3A_423, %min3A_359 : vector<1x640xi32>
    %mul3A_425 = arith.constant 5 : i32
    %mul3A_426 = vector.broadcast %mul3A_425 : i32 to vector<1x640xi32>
    %mul3A_427 = arith.muli %select_n3A_237, %mul3A_426 : vector<1x640xi32>
    %add3A_428 = arith.constant 3 : i32
    %add3A_429 = vector.broadcast %add3A_428 : i32 to vector<1x640xi32>
    %add3A_430 = arith.addi %mul3A_427, %add3A_429 : vector<1x640xi32>
    %mul3A_431 = arith.constant 15 : i32
    %mul3A_432 = vector.broadcast %mul3A_431 : i32 to vector<1x640xi32>
    %mul3A_433 = arith.muli %select_n3A_326, %mul3A_432 : vector<1x640xi32>
    %add3A_434 = arith.addi %mul3A_433, %add3A_430 : vector<1x640xi32>
    %mul3A_435 = arith.constant 13 : i32
    %mul3A_436 = vector.broadcast %mul3A_435 : i32 to vector<1x640xi32>
    %mul3A_437 = arith.muli %add3A_434, %mul3A_436 : vector<1x640xi32>
    %add3A_438 = arith.addi %mul3A_437, %min3A_370 : vector<1x640xi32>
    %mul3A_439 = arith.constant 13 : i32
    %mul3A_440 = vector.broadcast %mul3A_439 : i32 to vector<1x640xi32>
    %mul3A_441 = arith.muli %add3A_438, %mul3A_440 : vector<1x640xi32>
    %add3A_442 = arith.addi %mul3A_441, %min3A_359 : vector<1x640xi32>
    %mul3A_443 = arith.constant 5 : i32
    %mul3A_444 = vector.broadcast %mul3A_443 : i32 to vector<1x640xi32>
    %mul3A_445 = arith.muli %select_n3A_237, %mul3A_444 : vector<1x640xi32>
    %add3A_446 = arith.constant 4 : i32
    %add3A_447 = vector.broadcast %add3A_446 : i32 to vector<1x640xi32>
    %add3A_448 = arith.addi %mul3A_445, %add3A_447 : vector<1x640xi32>
    %mul3A_449 = arith.constant 15 : i32
    %mul3A_450 = vector.broadcast %mul3A_449 : i32 to vector<1x640xi32>
    %mul3A_451 = arith.muli %select_n3A_326, %mul3A_450 : vector<1x640xi32>
    %add3A_452 = arith.addi %mul3A_451, %add3A_448 : vector<1x640xi32>
    %mul3A_453 = arith.constant 13 : i32
    %mul3A_454 = vector.broadcast %mul3A_453 : i32 to vector<1x640xi32>
    %mul3A_455 = arith.muli %add3A_452, %mul3A_454 : vector<1x640xi32>
    %add3A_456 = arith.addi %mul3A_455, %min3A_370 : vector<1x640xi32>
    %mul3A_457 = arith.constant 13 : i32
    %mul3A_458 = vector.broadcast %mul3A_457 : i32 to vector<1x640xi32>
    %mul3A_459 = arith.muli %add3A_456, %mul3A_458 : vector<1x640xi32>
    %add3A_460 = arith.addi %mul3A_459, %min3A_359 : vector<1x640xi32>
    %mul3A_461 = arith.constant 2.600000e+01 : f32
    %mul3A_462 = vector.broadcast %mul3A_461 : f32 to vector<1x640xf32>
    %mul3A_463 = arith.mulf %get3A_1, %mul3A_462 : vector<1x640xf32>
    %floor3A_464 = math.floor %mul3A_463 : vector<1x640xf32>
    %convert_element_type3A_465 = arith.fptosi %floor3A_464 : vector<1x640xf32> to vector<1x640xi32>
    %jit3A_466 = arith.constant 0 : i32
    %jit3A_467 = arith.constant 25 : i32
    %max3A_468 = vector.broadcast %jit3A_466 : i32 to vector<1x640xi32>
    %max3A_469 = arith.maxsi %max3A_468, %convert_element_type3A_465 : vector<1x640xi32>
    %min3A_470 = vector.broadcast %jit3A_467 : i32 to vector<1x640xi32>
    %min3A_471 = arith.minsi %min3A_470, %max3A_469 : vector<1x640xi32>
    %mul3A_472 = arith.constant 2.600000e+01 : f32
    %mul3A_473 = vector.broadcast %mul3A_472 : f32 to vector<1x640xf32>
    %mul3A_474 = arith.mulf %get3A_4, %mul3A_473 : vector<1x640xf32>
    %floor3A_475 = math.floor %mul3A_474 : vector<1x640xf32>
    %convert_element_type3A_476 = arith.fptosi %floor3A_475 : vector<1x640xf32> to vector<1x640xi32>
    %jit3A_477 = arith.constant 0 : i32
    %jit3A_478 = arith.constant 25 : i32
    %max3A_479 = vector.broadcast %jit3A_477 : i32 to vector<1x640xi32>
    %max3A_480 = arith.maxsi %max3A_479, %convert_element_type3A_476 : vector<1x640xi32>
    %min3A_481 = vector.broadcast %jit3A_478 : i32 to vector<1x640xi32>
    %min3A_482 = arith.minsi %min3A_481, %max3A_480 : vector<1x640xi32>
    %mul3A_483 = arith.constant 5 : i32
    %mul3A_484 = vector.broadcast %mul3A_483 : i32 to vector<1x640xi32>
    %mul3A_485 = arith.muli %select_n3A_237, %mul3A_484 : vector<1x640xi32>
    %add3A_486 = arith.constant 0 : i32
    %add3A_487 = vector.broadcast %add3A_486 : i32 to vector<1x640xi32>
    %add3A_488 = arith.addi %mul3A_485, %add3A_487 : vector<1x640xi32>
    %mul3A_489 = arith.constant 15 : i32
    %mul3A_490 = vector.broadcast %mul3A_489 : i32 to vector<1x640xi32>
    %mul3A_491 = arith.muli %select_n3A_326, %mul3A_490 : vector<1x640xi32>
    %add3A_492 = arith.addi %mul3A_491, %add3A_488 : vector<1x640xi32>
    %mul3A_493 = arith.constant 26 : i32
    %mul3A_494 = vector.broadcast %mul3A_493 : i32 to vector<1x640xi32>
    %mul3A_495 = arith.muli %add3A_492, %mul3A_494 : vector<1x640xi32>
    %add3A_496 = arith.addi %mul3A_495, %min3A_482 : vector<1x640xi32>
    %mul3A_497 = arith.constant 26 : i32
    %mul3A_498 = vector.broadcast %mul3A_497 : i32 to vector<1x640xi32>
    %mul3A_499 = arith.muli %add3A_496, %mul3A_498 : vector<1x640xi32>
    %add3A_500 = arith.addi %mul3A_499, %min3A_471 : vector<1x640xi32>
    %mul3A_501 = arith.constant 5 : i32
    %mul3A_502 = vector.broadcast %mul3A_501 : i32 to vector<1x640xi32>
    %mul3A_503 = arith.muli %select_n3A_237, %mul3A_502 : vector<1x640xi32>
    %add3A_504 = arith.constant 1 : i32
    %add3A_505 = vector.broadcast %add3A_504 : i32 to vector<1x640xi32>
    %add3A_506 = arith.addi %mul3A_503, %add3A_505 : vector<1x640xi32>
    %mul3A_507 = arith.constant 15 : i32
    %mul3A_508 = vector.broadcast %mul3A_507 : i32 to vector<1x640xi32>
    %mul3A_509 = arith.muli %select_n3A_326, %mul3A_508 : vector<1x640xi32>
    %add3A_510 = arith.addi %mul3A_509, %add3A_506 : vector<1x640xi32>
    %mul3A_511 = arith.constant 26 : i32
    %mul3A_512 = vector.broadcast %mul3A_511 : i32 to vector<1x640xi32>
    %mul3A_513 = arith.muli %add3A_510, %mul3A_512 : vector<1x640xi32>
    %add3A_514 = arith.addi %mul3A_513, %min3A_482 : vector<1x640xi32>
    %mul3A_515 = arith.constant 26 : i32
    %mul3A_516 = vector.broadcast %mul3A_515 : i32 to vector<1x640xi32>
    %mul3A_517 = arith.muli %add3A_514, %mul3A_516 : vector<1x640xi32>
    %add3A_518 = arith.addi %mul3A_517, %min3A_471 : vector<1x640xi32>
    %mul3A_519 = arith.constant 5 : i32
    %mul3A_520 = vector.broadcast %mul3A_519 : i32 to vector<1x640xi32>
    %mul3A_521 = arith.muli %select_n3A_237, %mul3A_520 : vector<1x640xi32>
    %add3A_522 = arith.constant 2 : i32
    %add3A_523 = vector.broadcast %add3A_522 : i32 to vector<1x640xi32>
    %add3A_524 = arith.addi %mul3A_521, %add3A_523 : vector<1x640xi32>
    %mul3A_525 = arith.constant 15 : i32
    %mul3A_526 = vector.broadcast %mul3A_525 : i32 to vector<1x640xi32>
    %mul3A_527 = arith.muli %select_n3A_326, %mul3A_526 : vector<1x640xi32>
    %add3A_528 = arith.addi %mul3A_527, %add3A_524 : vector<1x640xi32>
    %mul3A_529 = arith.constant 26 : i32
    %mul3A_530 = vector.broadcast %mul3A_529 : i32 to vector<1x640xi32>
    %mul3A_531 = arith.muli %add3A_528, %mul3A_530 : vector<1x640xi32>
    %add3A_532 = arith.addi %mul3A_531, %min3A_482 : vector<1x640xi32>
    %mul3A_533 = arith.constant 26 : i32
    %mul3A_534 = vector.broadcast %mul3A_533 : i32 to vector<1x640xi32>
    %mul3A_535 = arith.muli %add3A_532, %mul3A_534 : vector<1x640xi32>
    %add3A_536 = arith.addi %mul3A_535, %min3A_471 : vector<1x640xi32>
    %mul3A_537 = arith.constant 5 : i32
    %mul3A_538 = vector.broadcast %mul3A_537 : i32 to vector<1x640xi32>
    %mul3A_539 = arith.muli %select_n3A_237, %mul3A_538 : vector<1x640xi32>
    %add3A_540 = arith.constant 3 : i32
    %add3A_541 = vector.broadcast %add3A_540 : i32 to vector<1x640xi32>
    %add3A_542 = arith.addi %mul3A_539, %add3A_541 : vector<1x640xi32>
    %mul3A_543 = arith.constant 15 : i32
    %mul3A_544 = vector.broadcast %mul3A_543 : i32 to vector<1x640xi32>
    %mul3A_545 = arith.muli %select_n3A_326, %mul3A_544 : vector<1x640xi32>
    %add3A_546 = arith.addi %mul3A_545, %add3A_542 : vector<1x640xi32>
    %mul3A_547 = arith.constant 26 : i32
    %mul3A_548 = vector.broadcast %mul3A_547 : i32 to vector<1x640xi32>
    %mul3A_549 = arith.muli %add3A_546, %mul3A_548 : vector<1x640xi32>
    %add3A_550 = arith.addi %mul3A_549, %min3A_482 : vector<1x640xi32>
    %mul3A_551 = arith.constant 26 : i32
    %mul3A_552 = vector.broadcast %mul3A_551 : i32 to vector<1x640xi32>
    %mul3A_553 = arith.muli %add3A_550, %mul3A_552 : vector<1x640xi32>
    %add3A_554 = arith.addi %mul3A_553, %min3A_471 : vector<1x640xi32>
    %mul3A_555 = arith.constant 5 : i32
    %mul3A_556 = vector.broadcast %mul3A_555 : i32 to vector<1x640xi32>
    %mul3A_557 = arith.muli %select_n3A_237, %mul3A_556 : vector<1x640xi32>
    %add3A_558 = arith.constant 4 : i32
    %add3A_559 = vector.broadcast %add3A_558 : i32 to vector<1x640xi32>
    %add3A_560 = arith.addi %mul3A_557, %add3A_559 : vector<1x640xi32>
    %mul3A_561 = arith.constant 15 : i32
    %mul3A_562 = vector.broadcast %mul3A_561 : i32 to vector<1x640xi32>
    %mul3A_563 = arith.muli %select_n3A_326, %mul3A_562 : vector<1x640xi32>
    %add3A_564 = arith.addi %mul3A_563, %add3A_560 : vector<1x640xi32>
    %mul3A_565 = arith.constant 26 : i32
    %mul3A_566 = vector.broadcast %mul3A_565 : i32 to vector<1x640xi32>
    %mul3A_567 = arith.muli %add3A_564, %mul3A_566 : vector<1x640xi32>
    %add3A_568 = arith.addi %mul3A_567, %min3A_482 : vector<1x640xi32>
    %mul3A_569 = arith.constant 26 : i32
    %mul3A_570 = vector.broadcast %mul3A_569 : i32 to vector<1x640xi32>
    %mul3A_571 = arith.muli %add3A_568, %mul3A_570 : vector<1x640xi32>
    %add3A_572 = arith.addi %mul3A_571, %min3A_471 : vector<1x640xi32>
    %mul3A_573 = arith.constant 5.200000e+01 : f32
    %mul3A_574 = vector.broadcast %mul3A_573 : f32 to vector<1x640xf32>
    %mul3A_575 = arith.mulf %get3A_1, %mul3A_574 : vector<1x640xf32>
    %floor3A_576 = math.floor %mul3A_575 : vector<1x640xf32>
    %convert_element_type3A_577 = arith.fptosi %floor3A_576 : vector<1x640xf32> to vector<1x640xi32>
    %jit3A_578 = arith.constant 0 : i32
    %jit3A_579 = arith.constant 51 : i32
    %max3A_580 = vector.broadcast %jit3A_578 : i32 to vector<1x640xi32>
    %max3A_581 = arith.maxsi %max3A_580, %convert_element_type3A_577 : vector<1x640xi32>
    %min3A_582 = vector.broadcast %jit3A_579 : i32 to vector<1x640xi32>
    %min3A_583 = arith.minsi %min3A_582, %max3A_581 : vector<1x640xi32>
    %mul3A_584 = arith.constant 5.200000e+01 : f32
    %mul3A_585 = vector.broadcast %mul3A_584 : f32 to vector<1x640xf32>
    %mul3A_586 = arith.mulf %get3A_4, %mul3A_585 : vector<1x640xf32>
    %floor3A_587 = math.floor %mul3A_586 : vector<1x640xf32>
    %convert_element_type3A_588 = arith.fptosi %floor3A_587 : vector<1x640xf32> to vector<1x640xi32>
    %jit3A_589 = arith.constant 0 : i32
    %jit3A_590 = arith.constant 51 : i32
    %max3A_591 = vector.broadcast %jit3A_589 : i32 to vector<1x640xi32>
    %max3A_592 = arith.maxsi %max3A_591, %convert_element_type3A_588 : vector<1x640xi32>
    %min3A_593 = vector.broadcast %jit3A_590 : i32 to vector<1x640xi32>
    %min3A_594 = arith.minsi %min3A_593, %max3A_592 : vector<1x640xi32>
    %mul3A_595 = arith.constant 5 : i32
    %mul3A_596 = vector.broadcast %mul3A_595 : i32 to vector<1x640xi32>
    %mul3A_597 = arith.muli %select_n3A_237, %mul3A_596 : vector<1x640xi32>
    %add3A_598 = arith.constant 0 : i32
    %add3A_599 = vector.broadcast %add3A_598 : i32 to vector<1x640xi32>
    %add3A_600 = arith.addi %mul3A_597, %add3A_599 : vector<1x640xi32>
    %mul3A_601 = arith.constant 15 : i32
    %mul3A_602 = vector.broadcast %mul3A_601 : i32 to vector<1x640xi32>
    %mul3A_603 = arith.muli %select_n3A_326, %mul3A_602 : vector<1x640xi32>
    %add3A_604 = arith.addi %mul3A_603, %add3A_600 : vector<1x640xi32>
    %mul3A_605 = arith.constant 52 : i32
    %mul3A_606 = vector.broadcast %mul3A_605 : i32 to vector<1x640xi32>
    %mul3A_607 = arith.muli %add3A_604, %mul3A_606 : vector<1x640xi32>
    %add3A_608 = arith.addi %mul3A_607, %min3A_594 : vector<1x640xi32>
    %mul3A_609 = arith.constant 52 : i32
    %mul3A_610 = vector.broadcast %mul3A_609 : i32 to vector<1x640xi32>
    %mul3A_611 = arith.muli %add3A_608, %mul3A_610 : vector<1x640xi32>
    %add3A_612 = arith.addi %mul3A_611, %min3A_583 : vector<1x640xi32>
    %mul3A_613 = arith.constant 5 : i32
    %mul3A_614 = vector.broadcast %mul3A_613 : i32 to vector<1x640xi32>
    %mul3A_615 = arith.muli %select_n3A_237, %mul3A_614 : vector<1x640xi32>
    %add3A_616 = arith.constant 1 : i32
    %add3A_617 = vector.broadcast %add3A_616 : i32 to vector<1x640xi32>
    %add3A_618 = arith.addi %mul3A_615, %add3A_617 : vector<1x640xi32>
    %mul3A_619 = arith.constant 15 : i32
    %mul3A_620 = vector.broadcast %mul3A_619 : i32 to vector<1x640xi32>
    %mul3A_621 = arith.muli %select_n3A_326, %mul3A_620 : vector<1x640xi32>
    %add3A_622 = arith.addi %mul3A_621, %add3A_618 : vector<1x640xi32>
    %mul3A_623 = arith.constant 52 : i32
    %mul3A_624 = vector.broadcast %mul3A_623 : i32 to vector<1x640xi32>
    %mul3A_625 = arith.muli %add3A_622, %mul3A_624 : vector<1x640xi32>
    %add3A_626 = arith.addi %mul3A_625, %min3A_594 : vector<1x640xi32>
    %mul3A_627 = arith.constant 52 : i32
    %mul3A_628 = vector.broadcast %mul3A_627 : i32 to vector<1x640xi32>
    %mul3A_629 = arith.muli %add3A_626, %mul3A_628 : vector<1x640xi32>
    %add3A_630 = arith.addi %mul3A_629, %min3A_583 : vector<1x640xi32>
    %mul3A_631 = arith.constant 5 : i32
    %mul3A_632 = vector.broadcast %mul3A_631 : i32 to vector<1x640xi32>
    %mul3A_633 = arith.muli %select_n3A_237, %mul3A_632 : vector<1x640xi32>
    %add3A_634 = arith.constant 2 : i32
    %add3A_635 = vector.broadcast %add3A_634 : i32 to vector<1x640xi32>
    %add3A_636 = arith.addi %mul3A_633, %add3A_635 : vector<1x640xi32>
    %mul3A_637 = arith.constant 15 : i32
    %mul3A_638 = vector.broadcast %mul3A_637 : i32 to vector<1x640xi32>
    %mul3A_639 = arith.muli %select_n3A_326, %mul3A_638 : vector<1x640xi32>
    %add3A_640 = arith.addi %mul3A_639, %add3A_636 : vector<1x640xi32>
    %mul3A_641 = arith.constant 52 : i32
    %mul3A_642 = vector.broadcast %mul3A_641 : i32 to vector<1x640xi32>
    %mul3A_643 = arith.muli %add3A_640, %mul3A_642 : vector<1x640xi32>
    %add3A_644 = arith.addi %mul3A_643, %min3A_594 : vector<1x640xi32>
    %mul3A_645 = arith.constant 52 : i32
    %mul3A_646 = vector.broadcast %mul3A_645 : i32 to vector<1x640xi32>
    %mul3A_647 = arith.muli %add3A_644, %mul3A_646 : vector<1x640xi32>
    %add3A_648 = arith.addi %mul3A_647, %min3A_583 : vector<1x640xi32>
    %mul3A_649 = arith.constant 5 : i32
    %mul3A_650 = vector.broadcast %mul3A_649 : i32 to vector<1x640xi32>
    %mul3A_651 = arith.muli %select_n3A_237, %mul3A_650 : vector<1x640xi32>
    %add3A_652 = arith.constant 3 : i32
    %add3A_653 = vector.broadcast %add3A_652 : i32 to vector<1x640xi32>
    %add3A_654 = arith.addi %mul3A_651, %add3A_653 : vector<1x640xi32>
    %mul3A_655 = arith.constant 15 : i32
    %mul3A_656 = vector.broadcast %mul3A_655 : i32 to vector<1x640xi32>
    %mul3A_657 = arith.muli %select_n3A_326, %mul3A_656 : vector<1x640xi32>
    %add3A_658 = arith.addi %mul3A_657, %add3A_654 : vector<1x640xi32>
    %mul3A_659 = arith.constant 52 : i32
    %mul3A_660 = vector.broadcast %mul3A_659 : i32 to vector<1x640xi32>
    %mul3A_661 = arith.muli %add3A_658, %mul3A_660 : vector<1x640xi32>
    %add3A_662 = arith.addi %mul3A_661, %min3A_594 : vector<1x640xi32>
    %mul3A_663 = arith.constant 52 : i32
    %mul3A_664 = vector.broadcast %mul3A_663 : i32 to vector<1x640xi32>
    %mul3A_665 = arith.muli %add3A_662, %mul3A_664 : vector<1x640xi32>
    %add3A_666 = arith.addi %mul3A_665, %min3A_583 : vector<1x640xi32>
    %mul3A_667 = arith.constant 5 : i32
    %mul3A_668 = vector.broadcast %mul3A_667 : i32 to vector<1x640xi32>
    %mul3A_669 = arith.muli %select_n3A_237, %mul3A_668 : vector<1x640xi32>
    %add3A_670 = arith.constant 4 : i32
    %add3A_671 = vector.broadcast %add3A_670 : i32 to vector<1x640xi32>
    %add3A_672 = arith.addi %mul3A_669, %add3A_671 : vector<1x640xi32>
    %mul3A_673 = arith.constant 15 : i32
    %mul3A_674 = vector.broadcast %mul3A_673 : i32 to vector<1x640xi32>
    %mul3A_675 = arith.muli %select_n3A_326, %mul3A_674 : vector<1x640xi32>
    %add3A_676 = arith.addi %mul3A_675, %add3A_672 : vector<1x640xi32>
    %mul3A_677 = arith.constant 52 : i32
    %mul3A_678 = vector.broadcast %mul3A_677 : i32 to vector<1x640xi32>
    %mul3A_679 = arith.muli %add3A_676, %mul3A_678 : vector<1x640xi32>
    %add3A_680 = arith.addi %mul3A_679, %min3A_594 : vector<1x640xi32>
    %mul3A_681 = arith.constant 52 : i32
    %mul3A_682 = vector.broadcast %mul3A_681 : i32 to vector<1x640xi32>
    %mul3A_683 = arith.muli %add3A_680, %mul3A_682 : vector<1x640xi32>
    %add3A_684 = arith.addi %mul3A_683, %min3A_583 : vector<1x640xi32>
    %jit3A_685 = arith.constant 16 : i32
    %div3A_686 = vector.broadcast %jit3A_685 : i32 to vector<1x640xi32>
    %div3A_687 = arith.divsi %add3A_388, %div3A_686 : vector<1x640xi32>
    %sign3A_688 = arith.constant 0 : i32
    %sign3A_689 = vector.broadcast %sign3A_688 : i32 to vector<1x640xi32>
    %sign3A_690 = arith.cmpi sgt, %add3A_388, %sign3A_689 : vector<1x640xi32>
    %sign3A_691 = arith.extui %sign3A_690 : vector<1x640xi1> to vector<1x640xi32>
    %sign3A_692 = arith.constant 0 : i32
    %sign3A_693 = vector.broadcast %sign3A_692 : i32 to vector<1x640xi32>
    %sign3A_694 = arith.cmpi slt, %add3A_388, %sign3A_693 : vector<1x640xi32>
    %sign3A_695 = arith.extui %sign3A_694 : vector<1x640xi1> to vector<1x640xi32>
    %sign3A_696 = arith.subi %sign3A_691, %sign3A_695 : vector<1x640xi32>
    %sign3A_697 = arith.constant 0 : i32
    %sign3A_698 = arith.cmpi sgt, %jit3A_685, %sign3A_697 : i32
    %sign3A_699 = arith.extui %sign3A_698 : i1 to i32
    %sign3A_700 = arith.constant 0 : i32
    %sign3A_701 = arith.cmpi slt, %jit3A_685, %sign3A_700 : i32
    %sign3A_702 = arith.extui %sign3A_701 : i1 to i32
    %sign3A_703 = arith.subi %sign3A_699, %sign3A_702 : i32
    %ne3A_704 = vector.broadcast %sign3A_703 : i32 to vector<1x640xi32>
    %ne3A_705 = arith.cmpi ne, %sign3A_696, %ne3A_704 : vector<1x640xi32>
    %rem3A_706 = vector.broadcast %jit3A_685 : i32 to vector<1x640xi32>
    %rem3A_707 = arith.remsi %add3A_388, %rem3A_706 : vector<1x640xi32>
    %ne3A_708 = arith.constant 0 : i32
    %ne3A_709 = vector.broadcast %ne3A_708 : i32 to vector<1x640xi32>
    %ne3A_710 = arith.cmpi ne, %rem3A_707, %ne3A_709 : vector<1x640xi32>
    %and3A_711 = arith.andi %ne3A_705, %ne3A_710 : vector<1x640xi1>
    %sub3A_712 = arith.constant 1 : i32
    %sub3A_713 = vector.broadcast %sub3A_712 : i32 to vector<1x640xi32>
    %sub3A_714 = arith.subi %div3A_687, %sub3A_713 : vector<1x640xi32>
    %select_n3A_715 = arith.select %and3A_711, %sub3A_714, %div3A_687 : vector<1x640xi1>, vector<1x640xi32>
    %jit3A_716 = arith.constant 16 : i32
    %div3A_717 = vector.broadcast %jit3A_716 : i32 to vector<1x640xi32>
    %div3A_718 = arith.divsi %add3A_406, %div3A_717 : vector<1x640xi32>
    %sign3A_719 = arith.constant 0 : i32
    %sign3A_720 = vector.broadcast %sign3A_719 : i32 to vector<1x640xi32>
    %sign3A_721 = arith.cmpi sgt, %add3A_406, %sign3A_720 : vector<1x640xi32>
    %sign3A_722 = arith.extui %sign3A_721 : vector<1x640xi1> to vector<1x640xi32>
    %sign3A_723 = arith.constant 0 : i32
    %sign3A_724 = vector.broadcast %sign3A_723 : i32 to vector<1x640xi32>
    %sign3A_725 = arith.cmpi slt, %add3A_406, %sign3A_724 : vector<1x640xi32>
    %sign3A_726 = arith.extui %sign3A_725 : vector<1x640xi1> to vector<1x640xi32>
    %sign3A_727 = arith.subi %sign3A_722, %sign3A_726 : vector<1x640xi32>
    %sign3A_728 = arith.constant 0 : i32
    %sign3A_729 = arith.cmpi sgt, %jit3A_716, %sign3A_728 : i32
    %sign3A_730 = arith.extui %sign3A_729 : i1 to i32
    %sign3A_731 = arith.constant 0 : i32
    %sign3A_732 = arith.cmpi slt, %jit3A_716, %sign3A_731 : i32
    %sign3A_733 = arith.extui %sign3A_732 : i1 to i32
    %sign3A_734 = arith.subi %sign3A_730, %sign3A_733 : i32
    %ne3A_735 = vector.broadcast %sign3A_734 : i32 to vector<1x640xi32>
    %ne3A_736 = arith.cmpi ne, %sign3A_727, %ne3A_735 : vector<1x640xi32>
    %rem3A_737 = vector.broadcast %jit3A_716 : i32 to vector<1x640xi32>
    %rem3A_738 = arith.remsi %add3A_406, %rem3A_737 : vector<1x640xi32>
    %ne3A_739 = arith.constant 0 : i32
    %ne3A_740 = vector.broadcast %ne3A_739 : i32 to vector<1x640xi32>
    %ne3A_741 = arith.cmpi ne, %rem3A_738, %ne3A_740 : vector<1x640xi32>
    %and3A_742 = arith.andi %ne3A_736, %ne3A_741 : vector<1x640xi1>
    %sub3A_743 = arith.constant 1 : i32
    %sub3A_744 = vector.broadcast %sub3A_743 : i32 to vector<1x640xi32>
    %sub3A_745 = arith.subi %div3A_718, %sub3A_744 : vector<1x640xi32>
    %select_n3A_746 = arith.select %and3A_742, %sub3A_745, %div3A_718 : vector<1x640xi1>, vector<1x640xi32>
    %jit3A_747 = arith.constant 16 : i32
    %div3A_748 = vector.broadcast %jit3A_747 : i32 to vector<1x640xi32>
    %div3A_749 = arith.divsi %add3A_424, %div3A_748 : vector<1x640xi32>
    %sign3A_750 = arith.constant 0 : i32
    %sign3A_751 = vector.broadcast %sign3A_750 : i32 to vector<1x640xi32>
    %sign3A_752 = arith.cmpi sgt, %add3A_424, %sign3A_751 : vector<1x640xi32>
    %sign3A_753 = arith.extui %sign3A_752 : vector<1x640xi1> to vector<1x640xi32>
    %sign3A_754 = arith.constant 0 : i32
    %sign3A_755 = vector.broadcast %sign3A_754 : i32 to vector<1x640xi32>
    %sign3A_756 = arith.cmpi slt, %add3A_424, %sign3A_755 : vector<1x640xi32>
    %sign3A_757 = arith.extui %sign3A_756 : vector<1x640xi1> to vector<1x640xi32>
    %sign3A_758 = arith.subi %sign3A_753, %sign3A_757 : vector<1x640xi32>
    %sign3A_759 = arith.constant 0 : i32
    %sign3A_760 = arith.cmpi sgt, %jit3A_747, %sign3A_759 : i32
    %sign3A_761 = arith.extui %sign3A_760 : i1 to i32
    %sign3A_762 = arith.constant 0 : i32
    %sign3A_763 = arith.cmpi slt, %jit3A_747, %sign3A_762 : i32
    %sign3A_764 = arith.extui %sign3A_763 : i1 to i32
    %sign3A_765 = arith.subi %sign3A_761, %sign3A_764 : i32
    %ne3A_766 = vector.broadcast %sign3A_765 : i32 to vector<1x640xi32>
    %ne3A_767 = arith.cmpi ne, %sign3A_758, %ne3A_766 : vector<1x640xi32>
    %rem3A_768 = vector.broadcast %jit3A_747 : i32 to vector<1x640xi32>
    %rem3A_769 = arith.remsi %add3A_424, %rem3A_768 : vector<1x640xi32>
    %ne3A_770 = arith.constant 0 : i32
    %ne3A_771 = vector.broadcast %ne3A_770 : i32 to vector<1x640xi32>
    %ne3A_772 = arith.cmpi ne, %rem3A_769, %ne3A_771 : vector<1x640xi32>
    %and3A_773 = arith.andi %ne3A_767, %ne3A_772 : vector<1x640xi1>
    %sub3A_774 = arith.constant 1 : i32
    %sub3A_775 = vector.broadcast %sub3A_774 : i32 to vector<1x640xi32>
    %sub3A_776 = arith.subi %div3A_749, %sub3A_775 : vector<1x640xi32>
    %select_n3A_777 = arith.select %and3A_773, %sub3A_776, %div3A_749 : vector<1x640xi1>, vector<1x640xi32>
    %jit3A_778 = arith.constant 16 : i32
    %div3A_779 = vector.broadcast %jit3A_778 : i32 to vector<1x640xi32>
    %div3A_780 = arith.divsi %add3A_442, %div3A_779 : vector<1x640xi32>
    %sign3A_781 = arith.constant 0 : i32
    %sign3A_782 = vector.broadcast %sign3A_781 : i32 to vector<1x640xi32>
    %sign3A_783 = arith.cmpi sgt, %add3A_442, %sign3A_782 : vector<1x640xi32>
    %sign3A_784 = arith.extui %sign3A_783 : vector<1x640xi1> to vector<1x640xi32>
    %sign3A_785 = arith.constant 0 : i32
    %sign3A_786 = vector.broadcast %sign3A_785 : i32 to vector<1x640xi32>
    %sign3A_787 = arith.cmpi slt, %add3A_442, %sign3A_786 : vector<1x640xi32>
    %sign3A_788 = arith.extui %sign3A_787 : vector<1x640xi1> to vector<1x640xi32>
    %sign3A_789 = arith.subi %sign3A_784, %sign3A_788 : vector<1x640xi32>
    %sign3A_790 = arith.constant 0 : i32
    %sign3A_791 = arith.cmpi sgt, %jit3A_778, %sign3A_790 : i32
    %sign3A_792 = arith.extui %sign3A_791 : i1 to i32
    %sign3A_793 = arith.constant 0 : i32
    %sign3A_794 = arith.cmpi slt, %jit3A_778, %sign3A_793 : i32
    %sign3A_795 = arith.extui %sign3A_794 : i1 to i32
    %sign3A_796 = arith.subi %sign3A_792, %sign3A_795 : i32
    %ne3A_797 = vector.broadcast %sign3A_796 : i32 to vector<1x640xi32>
    %ne3A_798 = arith.cmpi ne, %sign3A_789, %ne3A_797 : vector<1x640xi32>
    %rem3A_799 = vector.broadcast %jit3A_778 : i32 to vector<1x640xi32>
    %rem3A_800 = arith.remsi %add3A_442, %rem3A_799 : vector<1x640xi32>
    %ne3A_801 = arith.constant 0 : i32
    %ne3A_802 = vector.broadcast %ne3A_801 : i32 to vector<1x640xi32>
    %ne3A_803 = arith.cmpi ne, %rem3A_800, %ne3A_802 : vector<1x640xi32>
    %and3A_804 = arith.andi %ne3A_798, %ne3A_803 : vector<1x640xi1>
    %sub3A_805 = arith.constant 1 : i32
    %sub3A_806 = vector.broadcast %sub3A_805 : i32 to vector<1x640xi32>
    %sub3A_807 = arith.subi %div3A_780, %sub3A_806 : vector<1x640xi32>
    %select_n3A_808 = arith.select %and3A_804, %sub3A_807, %div3A_780 : vector<1x640xi1>, vector<1x640xi32>
    %jit3A_809 = arith.constant 16 : i32
    %div3A_810 = vector.broadcast %jit3A_809 : i32 to vector<1x640xi32>
    %div3A_811 = arith.divsi %add3A_460, %div3A_810 : vector<1x640xi32>
    %sign3A_812 = arith.constant 0 : i32
    %sign3A_813 = vector.broadcast %sign3A_812 : i32 to vector<1x640xi32>
    %sign3A_814 = arith.cmpi sgt, %add3A_460, %sign3A_813 : vector<1x640xi32>
    %sign3A_815 = arith.extui %sign3A_814 : vector<1x640xi1> to vector<1x640xi32>
    %sign3A_816 = arith.constant 0 : i32
    %sign3A_817 = vector.broadcast %sign3A_816 : i32 to vector<1x640xi32>
    %sign3A_818 = arith.cmpi slt, %add3A_460, %sign3A_817 : vector<1x640xi32>
    %sign3A_819 = arith.extui %sign3A_818 : vector<1x640xi1> to vector<1x640xi32>
    %sign3A_820 = arith.subi %sign3A_815, %sign3A_819 : vector<1x640xi32>
    %sign3A_821 = arith.constant 0 : i32
    %sign3A_822 = arith.cmpi sgt, %jit3A_809, %sign3A_821 : i32
    %sign3A_823 = arith.extui %sign3A_822 : i1 to i32
    %sign3A_824 = arith.constant 0 : i32
    %sign3A_825 = arith.cmpi slt, %jit3A_809, %sign3A_824 : i32
    %sign3A_826 = arith.extui %sign3A_825 : i1 to i32
    %sign3A_827 = arith.subi %sign3A_823, %sign3A_826 : i32
    %ne3A_828 = vector.broadcast %sign3A_827 : i32 to vector<1x640xi32>
    %ne3A_829 = arith.cmpi ne, %sign3A_820, %ne3A_828 : vector<1x640xi32>
    %rem3A_830 = vector.broadcast %jit3A_809 : i32 to vector<1x640xi32>
    %rem3A_831 = arith.remsi %add3A_460, %rem3A_830 : vector<1x640xi32>
    %ne3A_832 = arith.constant 0 : i32
    %ne3A_833 = vector.broadcast %ne3A_832 : i32 to vector<1x640xi32>
    %ne3A_834 = arith.cmpi ne, %rem3A_831, %ne3A_833 : vector<1x640xi32>
    %and3A_835 = arith.andi %ne3A_829, %ne3A_834 : vector<1x640xi1>
    %sub3A_836 = arith.constant 1 : i32
    %sub3A_837 = vector.broadcast %sub3A_836 : i32 to vector<1x640xi32>
    %sub3A_838 = arith.subi %div3A_811, %sub3A_837 : vector<1x640xi32>
    %select_n3A_839 = arith.select %and3A_835, %sub3A_838, %div3A_811 : vector<1x640xi1>, vector<1x640xi32>
    %jit3A_840 = arith.constant 16 : i32
    %div3A_841 = vector.broadcast %jit3A_840 : i32 to vector<1x640xi32>
    %div3A_842 = arith.divsi %add3A_500, %div3A_841 : vector<1x640xi32>
    %sign3A_843 = arith.constant 0 : i32
    %sign3A_844 = vector.broadcast %sign3A_843 : i32 to vector<1x640xi32>
    %sign3A_845 = arith.cmpi sgt, %add3A_500, %sign3A_844 : vector<1x640xi32>
    %sign3A_846 = arith.extui %sign3A_845 : vector<1x640xi1> to vector<1x640xi32>
    %sign3A_847 = arith.constant 0 : i32
    %sign3A_848 = vector.broadcast %sign3A_847 : i32 to vector<1x640xi32>
    %sign3A_849 = arith.cmpi slt, %add3A_500, %sign3A_848 : vector<1x640xi32>
    %sign3A_850 = arith.extui %sign3A_849 : vector<1x640xi1> to vector<1x640xi32>
    %sign3A_851 = arith.subi %sign3A_846, %sign3A_850 : vector<1x640xi32>
    %sign3A_852 = arith.constant 0 : i32
    %sign3A_853 = arith.cmpi sgt, %jit3A_840, %sign3A_852 : i32
    %sign3A_854 = arith.extui %sign3A_853 : i1 to i32
    %sign3A_855 = arith.constant 0 : i32
    %sign3A_856 = arith.cmpi slt, %jit3A_840, %sign3A_855 : i32
    %sign3A_857 = arith.extui %sign3A_856 : i1 to i32
    %sign3A_858 = arith.subi %sign3A_854, %sign3A_857 : i32
    %ne3A_859 = vector.broadcast %sign3A_858 : i32 to vector<1x640xi32>
    %ne3A_860 = arith.cmpi ne, %sign3A_851, %ne3A_859 : vector<1x640xi32>
    %rem3A_861 = vector.broadcast %jit3A_840 : i32 to vector<1x640xi32>
    %rem3A_862 = arith.remsi %add3A_500, %rem3A_861 : vector<1x640xi32>
    %ne3A_863 = arith.constant 0 : i32
    %ne3A_864 = vector.broadcast %ne3A_863 : i32 to vector<1x640xi32>
    %ne3A_865 = arith.cmpi ne, %rem3A_862, %ne3A_864 : vector<1x640xi32>
    %and3A_866 = arith.andi %ne3A_860, %ne3A_865 : vector<1x640xi1>
    %sub3A_867 = arith.constant 1 : i32
    %sub3A_868 = vector.broadcast %sub3A_867 : i32 to vector<1x640xi32>
    %sub3A_869 = arith.subi %div3A_842, %sub3A_868 : vector<1x640xi32>
    %select_n3A_870 = arith.select %and3A_866, %sub3A_869, %div3A_842 : vector<1x640xi1>, vector<1x640xi32>
    %jit3A_871 = arith.constant 16 : i32
    %div3A_872 = vector.broadcast %jit3A_871 : i32 to vector<1x640xi32>
    %div3A_873 = arith.divsi %add3A_518, %div3A_872 : vector<1x640xi32>
    %sign3A_874 = arith.constant 0 : i32
    %sign3A_875 = vector.broadcast %sign3A_874 : i32 to vector<1x640xi32>
    %sign3A_876 = arith.cmpi sgt, %add3A_518, %sign3A_875 : vector<1x640xi32>
    %sign3A_877 = arith.extui %sign3A_876 : vector<1x640xi1> to vector<1x640xi32>
    %sign3A_878 = arith.constant 0 : i32
    %sign3A_879 = vector.broadcast %sign3A_878 : i32 to vector<1x640xi32>
    %sign3A_880 = arith.cmpi slt, %add3A_518, %sign3A_879 : vector<1x640xi32>
    %sign3A_881 = arith.extui %sign3A_880 : vector<1x640xi1> to vector<1x640xi32>
    %sign3A_882 = arith.subi %sign3A_877, %sign3A_881 : vector<1x640xi32>
    %sign3A_883 = arith.constant 0 : i32
    %sign3A_884 = arith.cmpi sgt, %jit3A_871, %sign3A_883 : i32
    %sign3A_885 = arith.extui %sign3A_884 : i1 to i32
    %sign3A_886 = arith.constant 0 : i32
    %sign3A_887 = arith.cmpi slt, %jit3A_871, %sign3A_886 : i32
    %sign3A_888 = arith.extui %sign3A_887 : i1 to i32
    %sign3A_889 = arith.subi %sign3A_885, %sign3A_888 : i32
    %ne3A_890 = vector.broadcast %sign3A_889 : i32 to vector<1x640xi32>
    %ne3A_891 = arith.cmpi ne, %sign3A_882, %ne3A_890 : vector<1x640xi32>
    %rem3A_892 = vector.broadcast %jit3A_871 : i32 to vector<1x640xi32>
    %rem3A_893 = arith.remsi %add3A_518, %rem3A_892 : vector<1x640xi32>
    %ne3A_894 = arith.constant 0 : i32
    %ne3A_895 = vector.broadcast %ne3A_894 : i32 to vector<1x640xi32>
    %ne3A_896 = arith.cmpi ne, %rem3A_893, %ne3A_895 : vector<1x640xi32>
    %and3A_897 = arith.andi %ne3A_891, %ne3A_896 : vector<1x640xi1>
    %sub3A_898 = arith.constant 1 : i32
    %sub3A_899 = vector.broadcast %sub3A_898 : i32 to vector<1x640xi32>
    %sub3A_900 = arith.subi %div3A_873, %sub3A_899 : vector<1x640xi32>
    %select_n3A_901 = arith.select %and3A_897, %sub3A_900, %div3A_873 : vector<1x640xi1>, vector<1x640xi32>
    %jit3A_902 = arith.constant 16 : i32
    %div3A_903 = vector.broadcast %jit3A_902 : i32 to vector<1x640xi32>
    %div3A_904 = arith.divsi %add3A_536, %div3A_903 : vector<1x640xi32>
    %sign3A_905 = arith.constant 0 : i32
    %sign3A_906 = vector.broadcast %sign3A_905 : i32 to vector<1x640xi32>
    %sign3A_907 = arith.cmpi sgt, %add3A_536, %sign3A_906 : vector<1x640xi32>
    %sign3A_908 = arith.extui %sign3A_907 : vector<1x640xi1> to vector<1x640xi32>
    %sign3A_909 = arith.constant 0 : i32
    %sign3A_910 = vector.broadcast %sign3A_909 : i32 to vector<1x640xi32>
    %sign3A_911 = arith.cmpi slt, %add3A_536, %sign3A_910 : vector<1x640xi32>
    %sign3A_912 = arith.extui %sign3A_911 : vector<1x640xi1> to vector<1x640xi32>
    %sign3A_913 = arith.subi %sign3A_908, %sign3A_912 : vector<1x640xi32>
    %sign3A_914 = arith.constant 0 : i32
    %sign3A_915 = arith.cmpi sgt, %jit3A_902, %sign3A_914 : i32
    %sign3A_916 = arith.extui %sign3A_915 : i1 to i32
    %sign3A_917 = arith.constant 0 : i32
    %sign3A_918 = arith.cmpi slt, %jit3A_902, %sign3A_917 : i32
    %sign3A_919 = arith.extui %sign3A_918 : i1 to i32
    %sign3A_920 = arith.subi %sign3A_916, %sign3A_919 : i32
    %ne3A_921 = vector.broadcast %sign3A_920 : i32 to vector<1x640xi32>
    %ne3A_922 = arith.cmpi ne, %sign3A_913, %ne3A_921 : vector<1x640xi32>
    %rem3A_923 = vector.broadcast %jit3A_902 : i32 to vector<1x640xi32>
    %rem3A_924 = arith.remsi %add3A_536, %rem3A_923 : vector<1x640xi32>
    %ne3A_925 = arith.constant 0 : i32
    %ne3A_926 = vector.broadcast %ne3A_925 : i32 to vector<1x640xi32>
    %ne3A_927 = arith.cmpi ne, %rem3A_924, %ne3A_926 : vector<1x640xi32>
    %and3A_928 = arith.andi %ne3A_922, %ne3A_927 : vector<1x640xi1>
    %sub3A_929 = arith.constant 1 : i32
    %sub3A_930 = vector.broadcast %sub3A_929 : i32 to vector<1x640xi32>
    %sub3A_931 = arith.subi %div3A_904, %sub3A_930 : vector<1x640xi32>
    %select_n3A_932 = arith.select %and3A_928, %sub3A_931, %div3A_904 : vector<1x640xi1>, vector<1x640xi32>
    %jit3A_933 = arith.constant 16 : i32
    %div3A_934 = vector.broadcast %jit3A_933 : i32 to vector<1x640xi32>
    %div3A_935 = arith.divsi %add3A_554, %div3A_934 : vector<1x640xi32>
    %sign3A_936 = arith.constant 0 : i32
    %sign3A_937 = vector.broadcast %sign3A_936 : i32 to vector<1x640xi32>
    %sign3A_938 = arith.cmpi sgt, %add3A_554, %sign3A_937 : vector<1x640xi32>
    %sign3A_939 = arith.extui %sign3A_938 : vector<1x640xi1> to vector<1x640xi32>
    %sign3A_940 = arith.constant 0 : i32
    %sign3A_941 = vector.broadcast %sign3A_940 : i32 to vector<1x640xi32>
    %sign3A_942 = arith.cmpi slt, %add3A_554, %sign3A_941 : vector<1x640xi32>
    %sign3A_943 = arith.extui %sign3A_942 : vector<1x640xi1> to vector<1x640xi32>
    %sign3A_944 = arith.subi %sign3A_939, %sign3A_943 : vector<1x640xi32>
    %sign3A_945 = arith.constant 0 : i32
    %sign3A_946 = arith.cmpi sgt, %jit3A_933, %sign3A_945 : i32
    %sign3A_947 = arith.extui %sign3A_946 : i1 to i32
    %sign3A_948 = arith.constant 0 : i32
    %sign3A_949 = arith.cmpi slt, %jit3A_933, %sign3A_948 : i32
    %sign3A_950 = arith.extui %sign3A_949 : i1 to i32
    %sign3A_951 = arith.subi %sign3A_947, %sign3A_950 : i32
    %ne3A_952 = vector.broadcast %sign3A_951 : i32 to vector<1x640xi32>
    %ne3A_953 = arith.cmpi ne, %sign3A_944, %ne3A_952 : vector<1x640xi32>
    %rem3A_954 = vector.broadcast %jit3A_933 : i32 to vector<1x640xi32>
    %rem3A_955 = arith.remsi %add3A_554, %rem3A_954 : vector<1x640xi32>
    %ne3A_956 = arith.constant 0 : i32
    %ne3A_957 = vector.broadcast %ne3A_956 : i32 to vector<1x640xi32>
    %ne3A_958 = arith.cmpi ne, %rem3A_955, %ne3A_957 : vector<1x640xi32>
    %and3A_959 = arith.andi %ne3A_953, %ne3A_958 : vector<1x640xi1>
    %sub3A_960 = arith.constant 1 : i32
    %sub3A_961 = vector.broadcast %sub3A_960 : i32 to vector<1x640xi32>
    %sub3A_962 = arith.subi %div3A_935, %sub3A_961 : vector<1x640xi32>
    %select_n3A_963 = arith.select %and3A_959, %sub3A_962, %div3A_935 : vector<1x640xi1>, vector<1x640xi32>
    %jit3A_964 = arith.constant 16 : i32
    %div3A_965 = vector.broadcast %jit3A_964 : i32 to vector<1x640xi32>
    %div3A_966 = arith.divsi %add3A_572, %div3A_965 : vector<1x640xi32>
    %sign3A_967 = arith.constant 0 : i32
    %sign3A_968 = vector.broadcast %sign3A_967 : i32 to vector<1x640xi32>
    %sign3A_969 = arith.cmpi sgt, %add3A_572, %sign3A_968 : vector<1x640xi32>
    %sign3A_970 = arith.extui %sign3A_969 : vector<1x640xi1> to vector<1x640xi32>
    %sign3A_971 = arith.constant 0 : i32
    %sign3A_972 = vector.broadcast %sign3A_971 : i32 to vector<1x640xi32>
    %sign3A_973 = arith.cmpi slt, %add3A_572, %sign3A_972 : vector<1x640xi32>
    %sign3A_974 = arith.extui %sign3A_973 : vector<1x640xi1> to vector<1x640xi32>
    %sign3A_975 = arith.subi %sign3A_970, %sign3A_974 : vector<1x640xi32>
    %sign3A_976 = arith.constant 0 : i32
    %sign3A_977 = arith.cmpi sgt, %jit3A_964, %sign3A_976 : i32
    %sign3A_978 = arith.extui %sign3A_977 : i1 to i32
    %sign3A_979 = arith.constant 0 : i32
    %sign3A_980 = arith.cmpi slt, %jit3A_964, %sign3A_979 : i32
    %sign3A_981 = arith.extui %sign3A_980 : i1 to i32
    %sign3A_982 = arith.subi %sign3A_978, %sign3A_981 : i32
    %ne3A_983 = vector.broadcast %sign3A_982 : i32 to vector<1x640xi32>
    %ne3A_984 = arith.cmpi ne, %sign3A_975, %ne3A_983 : vector<1x640xi32>
    %rem3A_985 = vector.broadcast %jit3A_964 : i32 to vector<1x640xi32>
    %rem3A_986 = arith.remsi %add3A_572, %rem3A_985 : vector<1x640xi32>
    %ne3A_987 = arith.constant 0 : i32
    %ne3A_988 = vector.broadcast %ne3A_987 : i32 to vector<1x640xi32>
    %ne3A_989 = arith.cmpi ne, %rem3A_986, %ne3A_988 : vector<1x640xi32>
    %and3A_990 = arith.andi %ne3A_984, %ne3A_989 : vector<1x640xi1>
    %sub3A_991 = arith.constant 1 : i32
    %sub3A_992 = vector.broadcast %sub3A_991 : i32 to vector<1x640xi32>
    %sub3A_993 = arith.subi %div3A_966, %sub3A_992 : vector<1x640xi32>
    %select_n3A_994 = arith.select %and3A_990, %sub3A_993, %div3A_966 : vector<1x640xi1>, vector<1x640xi32>
    %jit3A_995 = arith.constant 16 : i32
    %div3A_996 = vector.broadcast %jit3A_995 : i32 to vector<1x640xi32>
    %div3A_997 = arith.divsi %add3A_612, %div3A_996 : vector<1x640xi32>
    %sign3A_998 = arith.constant 0 : i32
    %sign3A_999 = vector.broadcast %sign3A_998 : i32 to vector<1x640xi32>
    %sign3A_1000 = arith.cmpi sgt, %add3A_612, %sign3A_999 : vector<1x640xi32>
    %sign3A_1001 = arith.extui %sign3A_1000 : vector<1x640xi1> to vector<1x640xi32>
    %sign3A_1002 = arith.constant 0 : i32
    %sign3A_1003 = vector.broadcast %sign3A_1002 : i32 to vector<1x640xi32>
    %sign3A_1004 = arith.cmpi slt, %add3A_612, %sign3A_1003 : vector<1x640xi32>
    %sign3A_1005 = arith.extui %sign3A_1004 : vector<1x640xi1> to vector<1x640xi32>
    %sign3A_1006 = arith.subi %sign3A_1001, %sign3A_1005 : vector<1x640xi32>
    %sign3A_1007 = arith.constant 0 : i32
    %sign3A_1008 = arith.cmpi sgt, %jit3A_995, %sign3A_1007 : i32
    %sign3A_1009 = arith.extui %sign3A_1008 : i1 to i32
    %sign3A_1010 = arith.constant 0 : i32
    %sign3A_1011 = arith.cmpi slt, %jit3A_995, %sign3A_1010 : i32
    %sign3A_1012 = arith.extui %sign3A_1011 : i1 to i32
    %sign3A_1013 = arith.subi %sign3A_1009, %sign3A_1012 : i32
    %ne3A_1014 = vector.broadcast %sign3A_1013 : i32 to vector<1x640xi32>
    %ne3A_1015 = arith.cmpi ne, %sign3A_1006, %ne3A_1014 : vector<1x640xi32>
    %rem3A_1016 = vector.broadcast %jit3A_995 : i32 to vector<1x640xi32>
    %rem3A_1017 = arith.remsi %add3A_612, %rem3A_1016 : vector<1x640xi32>
    %ne3A_1018 = arith.constant 0 : i32
    %ne3A_1019 = vector.broadcast %ne3A_1018 : i32 to vector<1x640xi32>
    %ne3A_1020 = arith.cmpi ne, %rem3A_1017, %ne3A_1019 : vector<1x640xi32>
    %and3A_1021 = arith.andi %ne3A_1015, %ne3A_1020 : vector<1x640xi1>
    %sub3A_1022 = arith.constant 1 : i32
    %sub3A_1023 = vector.broadcast %sub3A_1022 : i32 to vector<1x640xi32>
    %sub3A_1024 = arith.subi %div3A_997, %sub3A_1023 : vector<1x640xi32>
    %select_n3A_1025 = arith.select %and3A_1021, %sub3A_1024, %div3A_997 : vector<1x640xi1>, vector<1x640xi32>
    %jit3A_1026 = arith.constant 16 : i32
    %div3A_1027 = vector.broadcast %jit3A_1026 : i32 to vector<1x640xi32>
    %div3A_1028 = arith.divsi %add3A_630, %div3A_1027 : vector<1x640xi32>
    %sign3A_1029 = arith.constant 0 : i32
    %sign3A_1030 = vector.broadcast %sign3A_1029 : i32 to vector<1x640xi32>
    %sign3A_1031 = arith.cmpi sgt, %add3A_630, %sign3A_1030 : vector<1x640xi32>
    %sign3A_1032 = arith.extui %sign3A_1031 : vector<1x640xi1> to vector<1x640xi32>
    %sign3A_1033 = arith.constant 0 : i32
    %sign3A_1034 = vector.broadcast %sign3A_1033 : i32 to vector<1x640xi32>
    %sign3A_1035 = arith.cmpi slt, %add3A_630, %sign3A_1034 : vector<1x640xi32>
    %sign3A_1036 = arith.extui %sign3A_1035 : vector<1x640xi1> to vector<1x640xi32>
    %sign3A_1037 = arith.subi %sign3A_1032, %sign3A_1036 : vector<1x640xi32>
    %sign3A_1038 = arith.constant 0 : i32
    %sign3A_1039 = arith.cmpi sgt, %jit3A_1026, %sign3A_1038 : i32
    %sign3A_1040 = arith.extui %sign3A_1039 : i1 to i32
    %sign3A_1041 = arith.constant 0 : i32
    %sign3A_1042 = arith.cmpi slt, %jit3A_1026, %sign3A_1041 : i32
    %sign3A_1043 = arith.extui %sign3A_1042 : i1 to i32
    %sign3A_1044 = arith.subi %sign3A_1040, %sign3A_1043 : i32
    %ne3A_1045 = vector.broadcast %sign3A_1044 : i32 to vector<1x640xi32>
    %ne3A_1046 = arith.cmpi ne, %sign3A_1037, %ne3A_1045 : vector<1x640xi32>
    %rem3A_1047 = vector.broadcast %jit3A_1026 : i32 to vector<1x640xi32>
    %rem3A_1048 = arith.remsi %add3A_630, %rem3A_1047 : vector<1x640xi32>
    %ne3A_1049 = arith.constant 0 : i32
    %ne3A_1050 = vector.broadcast %ne3A_1049 : i32 to vector<1x640xi32>
    %ne3A_1051 = arith.cmpi ne, %rem3A_1048, %ne3A_1050 : vector<1x640xi32>
    %and3A_1052 = arith.andi %ne3A_1046, %ne3A_1051 : vector<1x640xi1>
    %sub3A_1053 = arith.constant 1 : i32
    %sub3A_1054 = vector.broadcast %sub3A_1053 : i32 to vector<1x640xi32>
    %sub3A_1055 = arith.subi %div3A_1028, %sub3A_1054 : vector<1x640xi32>
    %select_n3A_1056 = arith.select %and3A_1052, %sub3A_1055, %div3A_1028 : vector<1x640xi1>, vector<1x640xi32>
    %jit3A_1057 = arith.constant 16 : i32
    %div3A_1058 = vector.broadcast %jit3A_1057 : i32 to vector<1x640xi32>
    %div3A_1059 = arith.divsi %add3A_648, %div3A_1058 : vector<1x640xi32>
    %sign3A_1060 = arith.constant 0 : i32
    %sign3A_1061 = vector.broadcast %sign3A_1060 : i32 to vector<1x640xi32>
    %sign3A_1062 = arith.cmpi sgt, %add3A_648, %sign3A_1061 : vector<1x640xi32>
    %sign3A_1063 = arith.extui %sign3A_1062 : vector<1x640xi1> to vector<1x640xi32>
    %sign3A_1064 = arith.constant 0 : i32
    %sign3A_1065 = vector.broadcast %sign3A_1064 : i32 to vector<1x640xi32>
    %sign3A_1066 = arith.cmpi slt, %add3A_648, %sign3A_1065 : vector<1x640xi32>
    %sign3A_1067 = arith.extui %sign3A_1066 : vector<1x640xi1> to vector<1x640xi32>
    %sign3A_1068 = arith.subi %sign3A_1063, %sign3A_1067 : vector<1x640xi32>
    %sign3A_1069 = arith.constant 0 : i32
    %sign3A_1070 = arith.cmpi sgt, %jit3A_1057, %sign3A_1069 : i32
    %sign3A_1071 = arith.extui %sign3A_1070 : i1 to i32
    %sign3A_1072 = arith.constant 0 : i32
    %sign3A_1073 = arith.cmpi slt, %jit3A_1057, %sign3A_1072 : i32
    %sign3A_1074 = arith.extui %sign3A_1073 : i1 to i32
    %sign3A_1075 = arith.subi %sign3A_1071, %sign3A_1074 : i32
    %ne3A_1076 = vector.broadcast %sign3A_1075 : i32 to vector<1x640xi32>
    %ne3A_1077 = arith.cmpi ne, %sign3A_1068, %ne3A_1076 : vector<1x640xi32>
    %rem3A_1078 = vector.broadcast %jit3A_1057 : i32 to vector<1x640xi32>
    %rem3A_1079 = arith.remsi %add3A_648, %rem3A_1078 : vector<1x640xi32>
    %ne3A_1080 = arith.constant 0 : i32
    %ne3A_1081 = vector.broadcast %ne3A_1080 : i32 to vector<1x640xi32>
    %ne3A_1082 = arith.cmpi ne, %rem3A_1079, %ne3A_1081 : vector<1x640xi32>
    %and3A_1083 = arith.andi %ne3A_1077, %ne3A_1082 : vector<1x640xi1>
    %sub3A_1084 = arith.constant 1 : i32
    %sub3A_1085 = vector.broadcast %sub3A_1084 : i32 to vector<1x640xi32>
    %sub3A_1086 = arith.subi %div3A_1059, %sub3A_1085 : vector<1x640xi32>
    %select_n3A_1087 = arith.select %and3A_1083, %sub3A_1086, %div3A_1059 : vector<1x640xi1>, vector<1x640xi32>
    %jit3A_1088 = arith.constant 16 : i32
    %div3A_1089 = vector.broadcast %jit3A_1088 : i32 to vector<1x640xi32>
    %div3A_1090 = arith.divsi %add3A_666, %div3A_1089 : vector<1x640xi32>
    %sign3A_1091 = arith.constant 0 : i32
    %sign3A_1092 = vector.broadcast %sign3A_1091 : i32 to vector<1x640xi32>
    %sign3A_1093 = arith.cmpi sgt, %add3A_666, %sign3A_1092 : vector<1x640xi32>
    %sign3A_1094 = arith.extui %sign3A_1093 : vector<1x640xi1> to vector<1x640xi32>
    %sign3A_1095 = arith.constant 0 : i32
    %sign3A_1096 = vector.broadcast %sign3A_1095 : i32 to vector<1x640xi32>
    %sign3A_1097 = arith.cmpi slt, %add3A_666, %sign3A_1096 : vector<1x640xi32>
    %sign3A_1098 = arith.extui %sign3A_1097 : vector<1x640xi1> to vector<1x640xi32>
    %sign3A_1099 = arith.subi %sign3A_1094, %sign3A_1098 : vector<1x640xi32>
    %sign3A_1100 = arith.constant 0 : i32
    %sign3A_1101 = arith.cmpi sgt, %jit3A_1088, %sign3A_1100 : i32
    %sign3A_1102 = arith.extui %sign3A_1101 : i1 to i32
    %sign3A_1103 = arith.constant 0 : i32
    %sign3A_1104 = arith.cmpi slt, %jit3A_1088, %sign3A_1103 : i32
    %sign3A_1105 = arith.extui %sign3A_1104 : i1 to i32
    %sign3A_1106 = arith.subi %sign3A_1102, %sign3A_1105 : i32
    %ne3A_1107 = vector.broadcast %sign3A_1106 : i32 to vector<1x640xi32>
    %ne3A_1108 = arith.cmpi ne, %sign3A_1099, %ne3A_1107 : vector<1x640xi32>
    %rem3A_1109 = vector.broadcast %jit3A_1088 : i32 to vector<1x640xi32>
    %rem3A_1110 = arith.remsi %add3A_666, %rem3A_1109 : vector<1x640xi32>
    %ne3A_1111 = arith.constant 0 : i32
    %ne3A_1112 = vector.broadcast %ne3A_1111 : i32 to vector<1x640xi32>
    %ne3A_1113 = arith.cmpi ne, %rem3A_1110, %ne3A_1112 : vector<1x640xi32>
    %and3A_1114 = arith.andi %ne3A_1108, %ne3A_1113 : vector<1x640xi1>
    %sub3A_1115 = arith.constant 1 : i32
    %sub3A_1116 = vector.broadcast %sub3A_1115 : i32 to vector<1x640xi32>
    %sub3A_1117 = arith.subi %div3A_1090, %sub3A_1116 : vector<1x640xi32>
    %select_n3A_1118 = arith.select %and3A_1114, %sub3A_1117, %div3A_1090 : vector<1x640xi1>, vector<1x640xi32>
    %jit3A_1119 = arith.constant 16 : i32
    %div3A_1120 = vector.broadcast %jit3A_1119 : i32 to vector<1x640xi32>
    %div3A_1121 = arith.divsi %add3A_684, %div3A_1120 : vector<1x640xi32>
    %sign3A_1122 = arith.constant 0 : i32
    %sign3A_1123 = vector.broadcast %sign3A_1122 : i32 to vector<1x640xi32>
    %sign3A_1124 = arith.cmpi sgt, %add3A_684, %sign3A_1123 : vector<1x640xi32>
    %sign3A_1125 = arith.extui %sign3A_1124 : vector<1x640xi1> to vector<1x640xi32>
    %sign3A_1126 = arith.constant 0 : i32
    %sign3A_1127 = vector.broadcast %sign3A_1126 : i32 to vector<1x640xi32>
    %sign3A_1128 = arith.cmpi slt, %add3A_684, %sign3A_1127 : vector<1x640xi32>
    %sign3A_1129 = arith.extui %sign3A_1128 : vector<1x640xi1> to vector<1x640xi32>
    %sign3A_1130 = arith.subi %sign3A_1125, %sign3A_1129 : vector<1x640xi32>
    %sign3A_1131 = arith.constant 0 : i32
    %sign3A_1132 = arith.cmpi sgt, %jit3A_1119, %sign3A_1131 : i32
    %sign3A_1133 = arith.extui %sign3A_1132 : i1 to i32
    %sign3A_1134 = arith.constant 0 : i32
    %sign3A_1135 = arith.cmpi slt, %jit3A_1119, %sign3A_1134 : i32
    %sign3A_1136 = arith.extui %sign3A_1135 : i1 to i32
    %sign3A_1137 = arith.subi %sign3A_1133, %sign3A_1136 : i32
    %ne3A_1138 = vector.broadcast %sign3A_1137 : i32 to vector<1x640xi32>
    %ne3A_1139 = arith.cmpi ne, %sign3A_1130, %ne3A_1138 : vector<1x640xi32>
    %rem3A_1140 = vector.broadcast %jit3A_1119 : i32 to vector<1x640xi32>
    %rem3A_1141 = arith.remsi %add3A_684, %rem3A_1140 : vector<1x640xi32>
    %ne3A_1142 = arith.constant 0 : i32
    %ne3A_1143 = vector.broadcast %ne3A_1142 : i32 to vector<1x640xi32>
    %ne3A_1144 = arith.cmpi ne, %rem3A_1141, %ne3A_1143 : vector<1x640xi32>
    %and3A_1145 = arith.andi %ne3A_1139, %ne3A_1144 : vector<1x640xi1>
    %sub3A_1146 = arith.constant 1 : i32
    %sub3A_1147 = vector.broadcast %sub3A_1146 : i32 to vector<1x640xi32>
    %sub3A_1148 = arith.subi %div3A_1121, %sub3A_1147 : vector<1x640xi32>
    %select_n3A_1149 = arith.select %and3A_1145, %sub3A_1148, %div3A_1121 : vector<1x640xi1>, vector<1x640xi32>
    %concatenate3A = tpu.concatenate %select_n3A_715, %select_n3A_746, %select_n3A_777, %select_n3A_808, %select_n3A_839, %select_n3A_870, %select_n3A_901, %select_n3A_932, %select_n3A_963, %select_n3A_994, %select_n3A_1025, %select_n3A_1056, %select_n3A_1087, %select_n3A_1118, %select_n3A_1149 in 0 : vector<1x640xi32>, vector<1x640xi32>, vector<1x640xi32>, vector<1x640xi32>, vector<1x640xi32>, vector<1x640xi32>, vector<1x640xi32>, vector<1x640xi32>, vector<1x640xi32>, vector<1x640xi32>, vector<1x640xi32>, vector<1x640xi32>, vector<1x640xi32>, vector<1x640xi32>, vector<1x640xi32> -> vector<15x640xi32>
    %swap3A = arith.constant 0 : index
    %swap3A_1150 = arith.constant 0 : index
    %swap3A_1151 = vector.load %arg2[%swap3A, %swap3A_1150] : memref<15x640xi32, #tpu.memory_space<vmem>>, vector<15x640xi32>
    tpu.vector_store %arg2[%swap3A, %swap3A_1150], %concatenate3A {strides = array<i32>} : memref<15x640xi32, #tpu.memory_space<vmem>>, vector<15x640xi32>,
    %get3A_1152 = arith.constant 0 : index
    %get3A_1153 = arith.constant 1 : index
    %get3A_1154 = vector.load %arg0[%get3A_1152, %get3A_1153] : memref<640x5xf32, #tpu.memory_space<vmem>>, vector<640x1xf32>
    %get3A_1155 = arith.constant 0 : index
    %get3A_1156 = arith.constant 2 : index
    %get3A_1157 = vector.load %arg0[%get3A_1155, %get3A_1156] : memref<640x5xf32, #tpu.memory_space<vmem>>, vector<640x1xf32>
    %get3A_1158 = arith.constant 0 : index
    %get3A_1159 = arith.constant 3 : index
    %get3A_1160 = vector.load %arg0[%get3A_1158, %get3A_1159] : memref<640x5xf32, #tpu.memory_space<vmem>>, vector<640x1xf32>
    %get3A_1161 = arith.constant 0 : index
    %get3A_1162 = arith.constant 4 : index
    %get3A_1163 = vector.load %arg0[%get3A_1161, %get3A_1162] : memref<640x5xf32, #tpu.memory_space<vmem>>, vector<640x1xf32>
    %mul3A_1164 = arith.constant 4.160000e+02 : f32
    %mul3A_1165 = vector.broadcast %mul3A_1164 : f32 to vector<640x1xf32>
    %mul3A_1166 = arith.mulf %get3A_1160, %mul3A_1165 : vector<640x1xf32>
    %mul3A_1167 = arith.constant 4.160000e+02 : f32
    %mul3A_1168 = vector.broadcast %mul3A_1167 : f32 to vector<640x1xf32>
    %mul3A_1169 = arith.mulf %get3A_1163, %mul3A_1168 : vector<640x1xf32>
    %mul3A_1170 = arith.mulf %mul3A_1166, %mul3A_1169 : vector<640x1xf32>
    %broadcast_in_dim3A_1171 = arith.constant -1.000000e+00 : f32
    %broadcast_in_dim3A_1172 = vector.broadcast %broadcast_in_dim3A_1171 : f32 to vector<640x1xf32>
    %broadcast_in_dim3A_1173 = arith.constant 0 : i32
    %broadcast_in_dim3A_1174 = vector.broadcast %broadcast_in_dim3A_1173 : i32 to vector<640x1xi32>
    %min3A_1175 = arith.constant 1.160000e+02 : f32
    %min3A_1176 = vector.broadcast %min3A_1175 : f32 to vector<640x1xf32>
    %min3A_1177 = arith.minimumf %mul3A_1166, %min3A_1176 : vector<640x1xf32>
    %min3A_1178 = arith.constant 9.000000e+01 : f32
    %min3A_1179 = vector.broadcast %min3A_1178 : f32 to vector<640x1xf32>
    %min3A_1180 = arith.minimumf %mul3A_1169, %min3A_1179 : vector<640x1xf32>
    %mul3A_1181 = arith.mulf %min3A_1177, %min3A_1180 : vector<640x1xf32>
    %add3A_1182 = arith.constant 1.044000e+04 : f32
    %add3A_1183 = vector.broadcast %add3A_1182 : f32 to vector<640x1xf32>
    %add3A_1184 = arith.addf %mul3A_1170, %add3A_1183 : vector<640x1xf32>
    %sub3A_1185 = arith.subf %add3A_1184, %mul3A_1181 : vector<640x1xf32>
    %max3A_1186 = arith.constant 9.99999997E-7 : f32
    %max3A_1187 = vector.broadcast %max3A_1186 : f32 to vector<640x1xf32>
    %max3A_1188 = arith.maximumf %sub3A_1185, %max3A_1187 : vector<640x1xf32>
    %div3A_1189 = arith.divf %mul3A_1181, %max3A_1188 : vector<640x1xf32>
    %gt3A_1190 = arith.cmpf ogt, %div3A_1189, %broadcast_in_dim3A_1172 : vector<640x1xf32>
    %select_n3A_1191 = arith.select %gt3A_1190, %div3A_1189, %broadcast_in_dim3A_1172 : vector<640x1xi1>, vector<640x1xf32>
    %jit3A_1192 = arith.constant 0 : i32
    %broadcast_in_dim3A_1193 = vector.broadcast %jit3A_1192 : i32 to vector<640x1xi32>
    %select_n3A_1194 = arith.select %gt3A_1190, %broadcast_in_dim3A_1193, %broadcast_in_dim3A_1174 : vector<640x1xi1>, vector<640x1xi32>
    %min3A_1195 = arith.constant 1.560000e+02 : f32
    %min3A_1196 = vector.broadcast %min3A_1195 : f32 to vector<640x1xf32>
    %min3A_1197 = arith.minimumf %mul3A_1166, %min3A_1196 : vector<640x1xf32>
    %min3A_1198 = arith.constant 1.980000e+02 : f32
    %min3A_1199 = vector.broadcast %min3A_1198 : f32 to vector<640x1xf32>
    %min3A_1200 = arith.minimumf %mul3A_1169, %min3A_1199 : vector<640x1xf32>
    %mul3A_1201 = arith.mulf %min3A_1197, %min3A_1200 : vector<640x1xf32>
    %add3A_1202 = arith.constant 3.088800e+04 : f32
    %add3A_1203 = vector.broadcast %add3A_1202 : f32 to vector<640x1xf32>
    %add3A_1204 = arith.addf %mul3A_1170, %add3A_1203 : vector<640x1xf32>
    %sub3A_1205 = arith.subf %add3A_1204, %mul3A_1201 : vector<640x1xf32>
    %max3A_1206 = arith.constant 9.99999997E-7 : f32
    %max3A_1207 = vector.broadcast %max3A_1206 : f32 to vector<640x1xf32>
    %max3A_1208 = arith.maximumf %sub3A_1205, %max3A_1207 : vector<640x1xf32>
    %div3A_1209 = arith.divf %mul3A_1201, %max3A_1208 : vector<640x1xf32>
    %gt3A_1210 = arith.cmpf ogt, %div3A_1209, %select_n3A_1191 : vector<640x1xf32>
    %select_n3A_1211 = arith.select %gt3A_1210, %div3A_1209, %select_n3A_1191 : vector<640x1xi1>, vector<640x1xf32>
    %jit3A_1212 = arith.constant 1 : i32
    %broadcast_in_dim3A_1213 = vector.broadcast %jit3A_1212 : i32 to vector<640x1xi32>
    %select_n3A_1214 = arith.select %gt3A_1210, %broadcast_in_dim3A_1213, %select_n3A_1194 : vector<640x1xi1>, vector<640x1xi32>
    %min3A_1215 = arith.constant 3.730000e+02 : f32
    %min3A_1216 = vector.broadcast %min3A_1215 : f32 to vector<640x1xf32>
    %min3A_1217 = arith.minimumf %mul3A_1166, %min3A_1216 : vector<640x1xf32>
    %min3A_1218 = arith.constant 3.260000e+02 : f32
    %min3A_1219 = vector.broadcast %min3A_1218 : f32 to vector<640x1xf32>
    %min3A_1220 = arith.minimumf %mul3A_1169, %min3A_1219 : vector<640x1xf32>
    %mul3A_1221 = arith.mulf %min3A_1217, %min3A_1220 : vector<640x1xf32>
    %add3A_1222 = arith.constant 1.215980e+05 : f32
    %add3A_1223 = vector.broadcast %add3A_1222 : f32 to vector<640x1xf32>
    %add3A_1224 = arith.addf %mul3A_1170, %add3A_1223 : vector<640x1xf32>
    %sub3A_1225 = arith.subf %add3A_1224, %mul3A_1221 : vector<640x1xf32>
    %max3A_1226 = arith.constant 9.99999997E-7 : f32
    %max3A_1227 = vector.broadcast %max3A_1226 : f32 to vector<640x1xf32>
    %max3A_1228 = arith.maximumf %sub3A_1225, %max3A_1227 : vector<640x1xf32>
    %div3A_1229 = arith.divf %mul3A_1221, %max3A_1228 : vector<640x1xf32>
    %gt3A_1230 = arith.cmpf ogt, %div3A_1229, %select_n3A_1211 : vector<640x1xf32>
    %select_n3A_1231 = arith.select %gt3A_1230, %div3A_1229, %select_n3A_1211 : vector<640x1xi1>, vector<640x1xf32>
    %jit3A_1232 = arith.constant 2 : i32
    %broadcast_in_dim3A_1233 = vector.broadcast %jit3A_1232 : i32 to vector<640x1xi32>
    %select_n3A_1234 = arith.select %gt3A_1230, %broadcast_in_dim3A_1233, %select_n3A_1214 : vector<640x1xi1>, vector<640x1xi32>
    %min3A_1235 = arith.constant 3.000000e+01 : f32
    %min3A_1236 = vector.broadcast %min3A_1235 : f32 to vector<640x1xf32>
    %min3A_1237 = arith.minimumf %mul3A_1166, %min3A_1236 : vector<640x1xf32>
    %min3A_1238 = arith.constant 6.100000e+01 : f32
    %min3A_1239 = vector.broadcast %min3A_1238 : f32 to vector<640x1xf32>
    %min3A_1240 = arith.minimumf %mul3A_1169, %min3A_1239 : vector<640x1xf32>
    %mul3A_1241 = arith.mulf %min3A_1237, %min3A_1240 : vector<640x1xf32>
    %add3A_1242 = arith.constant 1.830000e+03 : f32
    %add3A_1243 = vector.broadcast %add3A_1242 : f32 to vector<640x1xf32>
    %add3A_1244 = arith.addf %mul3A_1170, %add3A_1243 : vector<640x1xf32>
    %sub3A_1245 = arith.subf %add3A_1244, %mul3A_1241 : vector<640x1xf32>
    %max3A_1246 = arith.constant 9.99999997E-7 : f32
    %max3A_1247 = vector.broadcast %max3A_1246 : f32 to vector<640x1xf32>
    %max3A_1248 = arith.maximumf %sub3A_1245, %max3A_1247 : vector<640x1xf32>
    %div3A_1249 = arith.divf %mul3A_1241, %max3A_1248 : vector<640x1xf32>
    %gt3A_1250 = arith.cmpf ogt, %div3A_1249, %select_n3A_1231 : vector<640x1xf32>
    %select_n3A_1251 = arith.select %gt3A_1250, %div3A_1249, %select_n3A_1231 : vector<640x1xi1>, vector<640x1xf32>
    %jit3A_1252 = arith.constant 3 : i32
    %broadcast_in_dim3A_1253 = vector.broadcast %jit3A_1252 : i32 to vector<640x1xi32>
    %select_n3A_1254 = arith.select %gt3A_1250, %broadcast_in_dim3A_1253, %select_n3A_1234 : vector<640x1xi1>, vector<640x1xi32>
    %min3A_1255 = arith.constant 6.200000e+01 : f32
    %min3A_1256 = vector.broadcast %min3A_1255 : f32 to vector<640x1xf32>
    %min3A_1257 = arith.minimumf %mul3A_1166, %min3A_1256 : vector<640x1xf32>
    %min3A_1258 = arith.constant 4.500000e+01 : f32
    %min3A_1259 = vector.broadcast %min3A_1258 : f32 to vector<640x1xf32>
    %min3A_1260 = arith.minimumf %mul3A_1169, %min3A_1259 : vector<640x1xf32>
    %mul3A_1261 = arith.mulf %min3A_1257, %min3A_1260 : vector<640x1xf32>
    %add3A_1262 = arith.constant 2.790000e+03 : f32
    %add3A_1263 = vector.broadcast %add3A_1262 : f32 to vector<640x1xf32>
    %add3A_1264 = arith.addf %mul3A_1170, %add3A_1263 : vector<640x1xf32>
    %sub3A_1265 = arith.subf %add3A_1264, %mul3A_1261 : vector<640x1xf32>
    %max3A_1266 = arith.constant 9.99999997E-7 : f32
    %max3A_1267 = vector.broadcast %max3A_1266 : f32 to vector<640x1xf32>
    %max3A_1268 = arith.maximumf %sub3A_1265, %max3A_1267 : vector<640x1xf32>
    %div3A_1269 = arith.divf %mul3A_1261, %max3A_1268 : vector<640x1xf32>
    %gt3A_1270 = arith.cmpf ogt, %div3A_1269, %select_n3A_1251 : vector<640x1xf32>
    %select_n3A_1271 = arith.select %gt3A_1270, %div3A_1269, %select_n3A_1251 : vector<640x1xi1>, vector<640x1xf32>
    %jit3A_1272 = arith.constant 4 : i32
    %broadcast_in_dim3A_1273 = vector.broadcast %jit3A_1272 : i32 to vector<640x1xi32>
    %select_n3A_1274 = arith.select %gt3A_1270, %broadcast_in_dim3A_1273, %select_n3A_1254 : vector<640x1xi1>, vector<640x1xi32>
    %min3A_1275 = arith.constant 5.900000e+01 : f32
    %min3A_1276 = vector.broadcast %min3A_1275 : f32 to vector<640x1xf32>
    %min3A_1277 = arith.minimumf %mul3A_1166, %min3A_1276 : vector<640x1xf32>
    %min3A_1278 = arith.constant 1.190000e+02 : f32
    %min3A_1279 = vector.broadcast %min3A_1278 : f32 to vector<640x1xf32>
    %min3A_1280 = arith.minimumf %mul3A_1169, %min3A_1279 : vector<640x1xf32>
    %mul3A_1281 = arith.mulf %min3A_1277, %min3A_1280 : vector<640x1xf32>
    %add3A_1282 = arith.constant 7.021000e+03 : f32
    %add3A_1283 = vector.broadcast %add3A_1282 : f32 to vector<640x1xf32>
    %add3A_1284 = arith.addf %mul3A_1170, %add3A_1283 : vector<640x1xf32>
    %sub3A_1285 = arith.subf %add3A_1284, %mul3A_1281 : vector<640x1xf32>
    %max3A_1286 = arith.constant 9.99999997E-7 : f32
    %max3A_1287 = vector.broadcast %max3A_1286 : f32 to vector<640x1xf32>
    %max3A_1288 = arith.maximumf %sub3A_1285, %max3A_1287 : vector<640x1xf32>
    %div3A_1289 = arith.divf %mul3A_1281, %max3A_1288 : vector<640x1xf32>
    %gt3A_1290 = arith.cmpf ogt, %div3A_1289, %select_n3A_1271 : vector<640x1xf32>
    %select_n3A_1291 = arith.select %gt3A_1290, %div3A_1289, %select_n3A_1271 : vector<640x1xi1>, vector<640x1xf32>
    %jit3A_1292 = arith.constant 5 : i32
    %broadcast_in_dim3A_1293 = vector.broadcast %jit3A_1292 : i32 to vector<640x1xi32>
    %select_n3A_1294 = arith.select %gt3A_1290, %broadcast_in_dim3A_1293, %select_n3A_1274 : vector<640x1xi1>, vector<640x1xi32>
    %min3A_1295 = arith.constant 1.000000e+01 : f32
    %min3A_1296 = vector.broadcast %min3A_1295 : f32 to vector<640x1xf32>
    %min3A_1297 = arith.minimumf %mul3A_1166, %min3A_1296 : vector<640x1xf32>
    %min3A_1298 = arith.constant 1.300000e+01 : f32
    %min3A_1299 = vector.broadcast %min3A_1298 : f32 to vector<640x1xf32>
    %min3A_1300 = arith.minimumf %mul3A_1169, %min3A_1299 : vector<640x1xf32>
    %mul3A_1301 = arith.mulf %min3A_1297, %min3A_1300 : vector<640x1xf32>
    %add3A_1302 = arith.constant 1.300000e+02 : f32
    %add3A_1303 = vector.broadcast %add3A_1302 : f32 to vector<640x1xf32>
    %add3A_1304 = arith.addf %mul3A_1170, %add3A_1303 : vector<640x1xf32>
    %sub3A_1305 = arith.subf %add3A_1304, %mul3A_1301 : vector<640x1xf32>
    %max3A_1306 = arith.constant 9.99999997E-7 : f32
    %max3A_1307 = vector.broadcast %max3A_1306 : f32 to vector<640x1xf32>
    %max3A_1308 = arith.maximumf %sub3A_1305, %max3A_1307 : vector<640x1xf32>
    %div3A_1309 = arith.divf %mul3A_1301, %max3A_1308 : vector<640x1xf32>
    %gt3A_1310 = arith.cmpf ogt, %div3A_1309, %select_n3A_1291 : vector<640x1xf32>
    %select_n3A_1311 = arith.select %gt3A_1310, %div3A_1309, %select_n3A_1291 : vector<640x1xi1>, vector<640x1xf32>
    %jit3A_1312 = arith.constant 6 : i32
    %broadcast_in_dim3A_1313 = vector.broadcast %jit3A_1312 : i32 to vector<640x1xi32>
    %select_n3A_1314 = arith.select %gt3A_1310, %broadcast_in_dim3A_1313, %select_n3A_1294 : vector<640x1xi1>, vector<640x1xi32>
    %min3A_1315 = arith.constant 1.600000e+01 : f32
    %min3A_1316 = vector.broadcast %min3A_1315 : f32 to vector<640x1xf32>
    %min3A_1317 = arith.minimumf %mul3A_1166, %min3A_1316 : vector<640x1xf32>
    %min3A_1318 = arith.constant 3.000000e+01 : f32
    %min3A_1319 = vector.broadcast %min3A_1318 : f32 to vector<640x1xf32>
    %min3A_1320 = arith.minimumf %mul3A_1169, %min3A_1319 : vector<640x1xf32>
    %mul3A_1321 = arith.mulf %min3A_1317, %min3A_1320 : vector<640x1xf32>
    %add3A_1322 = arith.constant 4.800000e+02 : f32
    %add3A_1323 = vector.broadcast %add3A_1322 : f32 to vector<640x1xf32>
    %add3A_1324 = arith.addf %mul3A_1170, %add3A_1323 : vector<640x1xf32>
    %sub3A_1325 = arith.subf %add3A_1324, %mul3A_1321 : vector<640x1xf32>
    %max3A_1326 = arith.constant 9.99999997E-7 : f32
    %max3A_1327 = vector.broadcast %max3A_1326 : f32 to vector<640x1xf32>
    %max3A_1328 = arith.maximumf %sub3A_1325, %max3A_1327 : vector<640x1xf32>
    %div3A_1329 = arith.divf %mul3A_1321, %max3A_1328 : vector<640x1xf32>
    %gt3A_1330 = arith.cmpf ogt, %div3A_1329, %select_n3A_1311 : vector<640x1xf32>
    %select_n3A_1331 = arith.select %gt3A_1330, %div3A_1329, %select_n3A_1311 : vector<640x1xi1>, vector<640x1xf32>
    %jit3A_1332 = arith.constant 7 : i32
    %broadcast_in_dim3A_1333 = vector.broadcast %jit3A_1332 : i32 to vector<640x1xi32>
    %select_n3A_1334 = arith.select %gt3A_1330, %broadcast_in_dim3A_1333, %select_n3A_1314 : vector<640x1xi1>, vector<640x1xi32>
    %min3A_1335 = arith.constant 3.300000e+01 : f32
    %min3A_1336 = vector.broadcast %min3A_1335 : f32 to vector<640x1xf32>
    %min3A_1337 = arith.minimumf %mul3A_1166, %min3A_1336 : vector<640x1xf32>
    %min3A_1338 = arith.constant 2.300000e+01 : f32
    %min3A_1339 = vector.broadcast %min3A_1338 : f32 to vector<640x1xf32>
    %min3A_1340 = arith.minimumf %mul3A_1169, %min3A_1339 : vector<640x1xf32>
    %mul3A_1341 = arith.mulf %min3A_1337, %min3A_1340 : vector<640x1xf32>
    %add3A_1342 = arith.constant 7.590000e+02 : f32
    %add3A_1343 = vector.broadcast %add3A_1342 : f32 to vector<640x1xf32>
    %add3A_1344 = arith.addf %mul3A_1170, %add3A_1343 : vector<640x1xf32>
    %sub3A_1345 = arith.subf %add3A_1344, %mul3A_1341 : vector<640x1xf32>
    %max3A_1346 = arith.constant 9.99999997E-7 : f32
    %max3A_1347 = vector.broadcast %max3A_1346 : f32 to vector<640x1xf32>
    %max3A_1348 = arith.maximumf %sub3A_1345, %max3A_1347 : vector<640x1xf32>
    %div3A_1349 = arith.divf %mul3A_1341, %max3A_1348 : vector<640x1xf32>
    %gt3A_1350 = arith.cmpf ogt, %div3A_1349, %select_n3A_1331 : vector<640x1xf32>
    %jit3A_1351 = arith.constant 8 : i32
    %broadcast_in_dim3A_1352 = vector.broadcast %jit3A_1351 : i32 to vector<640x1xi32>
    %select_n3A_1353 = arith.select %gt3A_1350, %broadcast_in_dim3A_1352, %select_n3A_1334 : vector<640x1xi1>, vector<640x1xi32>
    %jit3A_1354 = arith.constant 3 : i32
    %div3A_1355 = vector.broadcast %jit3A_1354 : i32 to vector<640x1xi32>
    %div3A_1356 = arith.divsi %select_n3A_1353, %div3A_1355 : vector<640x1xi32>
    %sign3A_1357 = arith.constant 0 : i32
    %sign3A_1358 = vector.broadcast %sign3A_1357 : i32 to vector<640x1xi32>
    %sign3A_1359 = arith.cmpi sgt, %select_n3A_1353, %sign3A_1358 : vector<640x1xi32>
    %sign3A_1360 = arith.extui %sign3A_1359 : vector<640x1xi1> to vector<640x1xi32>
    %sign3A_1361 = arith.constant 0 : i32
    %sign3A_1362 = vector.broadcast %sign3A_1361 : i32 to vector<640x1xi32>
    %sign3A_1363 = arith.cmpi slt, %select_n3A_1353, %sign3A_1362 : vector<640x1xi32>
    %sign3A_1364 = arith.extui %sign3A_1363 : vector<640x1xi1> to vector<640x1xi32>
    %sign3A_1365 = arith.subi %sign3A_1360, %sign3A_1364 : vector<640x1xi32>
    %sign3A_1366 = arith.constant 0 : i32
    %sign3A_1367 = arith.cmpi sgt, %jit3A_1354, %sign3A_1366 : i32
    %sign3A_1368 = arith.extui %sign3A_1367 : i1 to i32
    %sign3A_1369 = arith.constant 0 : i32
    %sign3A_1370 = arith.cmpi slt, %jit3A_1354, %sign3A_1369 : i32
    %sign3A_1371 = arith.extui %sign3A_1370 : i1 to i32
    %sign3A_1372 = arith.subi %sign3A_1368, %sign3A_1371 : i32
    %ne3A_1373 = vector.broadcast %sign3A_1372 : i32 to vector<640x1xi32>
    %ne3A_1374 = arith.cmpi ne, %sign3A_1365, %ne3A_1373 : vector<640x1xi32>
    %rem3A_1375 = vector.broadcast %jit3A_1354 : i32 to vector<640x1xi32>
    %rem3A_1376 = arith.remsi %select_n3A_1353, %rem3A_1375 : vector<640x1xi32>
    %ne3A_1377 = arith.constant 0 : i32
    %ne3A_1378 = vector.broadcast %ne3A_1377 : i32 to vector<640x1xi32>
    %ne3A_1379 = arith.cmpi ne, %rem3A_1376, %ne3A_1378 : vector<640x1xi32>
    %and3A_1380 = arith.andi %ne3A_1374, %ne3A_1379 : vector<640x1xi1>
    %sub3A_1381 = arith.constant 1 : i32
    %sub3A_1382 = vector.broadcast %sub3A_1381 : i32 to vector<640x1xi32>
    %sub3A_1383 = arith.subi %div3A_1356, %sub3A_1382 : vector<640x1xi32>
    %select_n3A_1384 = arith.select %and3A_1380, %sub3A_1383, %div3A_1356 : vector<640x1xi1>, vector<640x1xi32>
    %jit3A_1385 = arith.constant 3 : i32
    %eq3A_1386 = arith.constant 0 : i32
    %eq3A_1387 = arith.cmpi eq, %jit3A_1385, %eq3A_1386 : i32
    %jit3A_1388 = arith.constant 1 : i32
    %select_n3A_1389 = arith.select %eq3A_1387, %jit3A_1388, %jit3A_1385 : i32
    %rem3A_1390 = vector.broadcast %select_n3A_1389 : i32 to vector<640x1xi32>
    %rem3A_1391 = arith.remsi %select_n3A_1353, %rem3A_1390 : vector<640x1xi32>
    %ne3A_1392 = arith.constant 0 : i32
    %ne3A_1393 = vector.broadcast %ne3A_1392 : i32 to vector<640x1xi32>
    %ne3A_1394 = arith.cmpi ne, %rem3A_1391, %ne3A_1393 : vector<640x1xi32>
    %lt3A_1395 = arith.constant 0 : i32
    %lt3A_1396 = vector.broadcast %lt3A_1395 : i32 to vector<640x1xi32>
    %lt3A_1397 = arith.cmpi slt, %rem3A_1391, %lt3A_1396 : vector<640x1xi32>
    %lt3A_1398 = arith.constant 0 : i32
    %lt3A_1399 = arith.cmpi slt, %select_n3A_1389, %lt3A_1398 : i32
    %ne3A_1400 = vector.broadcast %lt3A_1399 : i1 to vector<640x1xi1>
    %ne3A_1401 = vector.broadcast %ne3A_1400 : vector<640x1xi1> to vector<640x1xi1>
    %ne3A_1402 = arith.xori %lt3A_1397, %ne3A_1401 : vector<640x1xi1>
    %and3A_1403 = arith.andi %ne3A_1402, %ne3A_1394 : vector<640x1xi1>
    %add3A_1404 = vector.broadcast %select_n3A_1389 : i32 to vector<640x1xi32>
    %add3A_1405 = arith.addi %rem3A_1391, %add3A_1404 : vector<640x1xi32>
    %select_n3A_1406 = arith.select %and3A_1403, %add3A_1405, %rem3A_1391 : vector<640x1xi1>, vector<640x1xi32>
    %eq3A_1407 = arith.constant 0 : i32
    %eq3A_1408 = vector.broadcast %eq3A_1407 : i32 to vector<640x1xi32>
    %eq3A_1409 = arith.cmpi eq, %select_n3A_1384, %eq3A_1408 : vector<640x1xi32>
    %eq3A_1410 = arith.constant 1 : i32
    %eq3A_1411 = vector.broadcast %eq3A_1410 : i32 to vector<640x1xi32>
    %eq3A_1412 = arith.cmpi eq, %select_n3A_1384, %eq3A_1411 : vector<640x1xi32>
    %jit3A_1413 = arith.constant 2.600000e+01 : f32
    %jit3A_1414 = arith.constant 5.200000e+01 : f32
    %broadcast_in_dim3A_1415 = vector.broadcast %jit3A_1413 : f32 to vector<640x1xf32>
    %broadcast_in_dim3A_1416 = vector.broadcast %jit3A_1414 : f32 to vector<640x1xf32>
    %select_n3A_1417 = arith.select %eq3A_1412, %broadcast_in_dim3A_1415, %broadcast_in_dim3A_1416 : vector<640x1xi1>, vector<640x1xf32>
    %jit3A_1418 = arith.constant 1.300000e+01 : f32
    %broadcast_in_dim3A_1419 = vector.broadcast %jit3A_1418 : f32 to vector<640x1xf32>
    %select_n3A_1420 = arith.select %eq3A_1409, %broadcast_in_dim3A_1419, %select_n3A_1417 : vector<640x1xi1>, vector<640x1xf32>
    %eq3A_1421 = arith.constant 0 : i32
    %eq3A_1422 = vector.broadcast %eq3A_1421 : i32 to vector<640x1xi32>
    %eq3A_1423 = arith.cmpi eq, %select_n3A_1384, %eq3A_1422 : vector<640x1xi32>
    %eq3A_1424 = arith.constant 1 : i32
    %eq3A_1425 = vector.broadcast %eq3A_1424 : i32 to vector<640x1xi32>
    %eq3A_1426 = arith.cmpi eq, %select_n3A_1384, %eq3A_1425 : vector<640x1xi32>
    %jit3A_1427 = arith.constant 26 : i32
    %jit3A_1428 = arith.constant 52 : i32
    %broadcast_in_dim3A_1429 = vector.broadcast %jit3A_1427 : i32 to vector<640x1xi32>
    %broadcast_in_dim3A_1430 = vector.broadcast %jit3A_1428 : i32 to vector<640x1xi32>
    %select_n3A_1431 = arith.select %eq3A_1426, %broadcast_in_dim3A_1429, %broadcast_in_dim3A_1430 : vector<640x1xi1>, vector<640x1xi32>
    %jit3A_1432 = arith.constant 13 : i32
    %broadcast_in_dim3A_1433 = vector.broadcast %jit3A_1432 : i32 to vector<640x1xi32>
    %select_n3A_1434 = arith.select %eq3A_1423, %broadcast_in_dim3A_1433, %select_n3A_1431 : vector<640x1xi1>, vector<640x1xi32>
    %mul3A_1435 = arith.mulf %get3A_1154, %select_n3A_1420 : vector<640x1xf32>
    %mul3A_1436 = arith.mulf %get3A_1157, %select_n3A_1420 : vector<640x1xf32>
    %floor3A_1437 = math.floor %mul3A_1435 : vector<640x1xf32>
    %convert_element_type3A_1438 = arith.fptosi %floor3A_1437 : vector<640x1xf32> to vector<640x1xi32>
    %sub3A_1439 = arith.constant 1 : i32
    %sub3A_1440 = vector.broadcast %sub3A_1439 : i32 to vector<640x1xi32>
    %sub3A_1441 = arith.subi %select_n3A_1434, %sub3A_1440 : vector<640x1xi32>
    %jit3A_1442 = arith.constant 0 : i32
    %max3A_1443 = vector.broadcast %jit3A_1442 : i32 to vector<640x1xi32>
    %max3A_1444 = arith.maxsi %max3A_1443, %convert_element_type3A_1438 : vector<640x1xi32>
    %min3A_1445 = arith.minsi %sub3A_1441, %max3A_1444 : vector<640x1xi32>
    %floor3A_1446 = math.floor %mul3A_1436 : vector<640x1xf32>
    %convert_element_type3A_1447 = arith.fptosi %floor3A_1446 : vector<640x1xf32> to vector<640x1xi32>
    %sub3A_1448 = arith.constant 1 : i32
    %sub3A_1449 = vector.broadcast %sub3A_1448 : i32 to vector<640x1xi32>
    %sub3A_1450 = arith.subi %select_n3A_1434, %sub3A_1449 : vector<640x1xi32>
    %jit3A_1451 = arith.constant 0 : i32
    %max3A_1452 = vector.broadcast %jit3A_1451 : i32 to vector<640x1xi32>
    %max3A_1453 = arith.maxsi %max3A_1452, %convert_element_type3A_1447 : vector<640x1xi32>
    %min3A_1454 = arith.minsi %sub3A_1450, %max3A_1453 : vector<640x1xi32>
    %mul3A_1455 = arith.constant 3 : i32
    %mul3A_1456 = vector.broadcast %mul3A_1455 : i32 to vector<640x1xi32>
    %mul3A_1457 = arith.muli %select_n3A_1384, %mul3A_1456 : vector<640x1xi32>
    %add3A_1458 = arith.addi %mul3A_1457, %select_n3A_1406 : vector<640x1xi32>
    %mul3A_1459 = arith.constant 64 : i32
    %mul3A_1460 = vector.broadcast %mul3A_1459 : i32 to vector<640x1xi32>
    %mul3A_1461 = arith.muli %add3A_1458, %mul3A_1460 : vector<640x1xi32>
    %add3A_1462 = arith.addi %mul3A_1461, %min3A_1454 : vector<640x1xi32>
    %mul3A_1463 = arith.constant 64 : i32
    %mul3A_1464 = vector.broadcast %mul3A_1463 : i32 to vector<640x1xi32>
    %mul3A_1465 = arith.muli %add3A_1462, %mul3A_1464 : vector<640x1xi32>
    %add3A_1466 = arith.addi %mul3A_1465, %min3A_1445 : vector<640x1xi32>
    %iota3A_1467 = tpu.iota {dimensions = array<i32: 0>} : vector<640x1xi32>
    %jit3A_1468 = arith.constant 20 : i32
    %div3A_1469 = vector.broadcast %jit3A_1468 : i32 to vector<640x1xi32>
    %div3A_1470 = arith.divsi %iota3A_1467, %div3A_1469 : vector<640x1xi32>
    %sign3A_1471 = arith.constant 0 : i32
    %sign3A_1472 = vector.broadcast %sign3A_1471 : i32 to vector<640x1xi32>
    %sign3A_1473 = arith.cmpi sgt, %iota3A_1467, %sign3A_1472 : vector<640x1xi32>
    %sign3A_1474 = arith.extui %sign3A_1473 : vector<640x1xi1> to vector<640x1xi32>
    %sign3A_1475 = arith.constant 0 : i32
    %sign3A_1476 = vector.broadcast %sign3A_1475 : i32 to vector<640x1xi32>
    %sign3A_1477 = arith.cmpi slt, %iota3A_1467, %sign3A_1476 : vector<640x1xi32>
    %sign3A_1478 = arith.extui %sign3A_1477 : vector<640x1xi1> to vector<640x1xi32>
    %sign3A_1479 = arith.subi %sign3A_1474, %sign3A_1478 : vector<640x1xi32>
    %sign3A_1480 = arith.constant 0 : i32
    %sign3A_1481 = arith.cmpi sgt, %jit3A_1468, %sign3A_1480 : i32
    %sign3A_1482 = arith.extui %sign3A_1481 : i1 to i32
    %sign3A_1483 = arith.constant 0 : i32
    %sign3A_1484 = arith.cmpi slt, %jit3A_1468, %sign3A_1483 : i32
    %sign3A_1485 = arith.extui %sign3A_1484 : i1 to i32
    %sign3A_1486 = arith.subi %sign3A_1482, %sign3A_1485 : i32
    %ne3A_1487 = vector.broadcast %sign3A_1486 : i32 to vector<640x1xi32>
    %ne3A_1488 = arith.cmpi ne, %sign3A_1479, %ne3A_1487 : vector<640x1xi32>
    %rem3A_1489 = vector.broadcast %jit3A_1468 : i32 to vector<640x1xi32>
    %rem3A_1490 = arith.remsi %iota3A_1467, %rem3A_1489 : vector<640x1xi32>
    %ne3A_1491 = arith.constant 0 : i32
    %ne3A_1492 = vector.broadcast %ne3A_1491 : i32 to vector<640x1xi32>
    %ne3A_1493 = arith.cmpi ne, %rem3A_1490, %ne3A_1492 : vector<640x1xi32>
    %and3A_1494 = arith.andi %ne3A_1488, %ne3A_1493 : vector<640x1xi1>
    %sub3A_1495 = arith.constant 1 : i32
    %sub3A_1496 = vector.broadcast %sub3A_1495 : i32 to vector<640x1xi32>
    %sub3A_1497 = arith.subi %div3A_1470, %sub3A_1496 : vector<640x1xi32>
    %select_n3A_1498 = arith.select %and3A_1494, %sub3A_1497, %div3A_1470 : vector<640x1xi1>, vector<640x1xi32>
    %jit3A_1499 = arith.constant 20 : i32
    %eq3A_1500 = arith.constant 0 : i32
    %eq3A_1501 = arith.cmpi eq, %jit3A_1499, %eq3A_1500 : i32
    %jit3A_1502 = arith.constant 1 : i32
    %select_n3A_1503 = arith.select %eq3A_1501, %jit3A_1502, %jit3A_1499 : i32
    %rem3A_1504 = vector.broadcast %select_n3A_1503 : i32 to vector<640x1xi32>
    %rem3A_1505 = arith.remsi %iota3A_1467, %rem3A_1504 : vector<640x1xi32>
    %ne3A_1506 = arith.constant 0 : i32
    %ne3A_1507 = vector.broadcast %ne3A_1506 : i32 to vector<640x1xi32>
    %ne3A_1508 = arith.cmpi ne, %rem3A_1505, %ne3A_1507 : vector<640x1xi32>
    %lt3A_1509 = arith.constant 0 : i32
    %lt3A_1510 = vector.broadcast %lt3A_1509 : i32 to vector<640x1xi32>
    %lt3A_1511 = arith.cmpi slt, %rem3A_1505, %lt3A_1510 : vector<640x1xi32>
    %lt3A_1512 = arith.constant 0 : i32
    %lt3A_1513 = arith.cmpi slt, %select_n3A_1503, %lt3A_1512 : i32
    %ne3A_1514 = vector.broadcast %lt3A_1513 : i1 to vector<640x1xi1>
    %ne3A_1515 = vector.broadcast %ne3A_1514 : vector<640x1xi1> to vector<640x1xi1>
    %ne3A_1516 = arith.xori %lt3A_1511, %ne3A_1515 : vector<640x1xi1>
    %and3A_1517 = arith.andi %ne3A_1516, %ne3A_1508 : vector<640x1xi1>
    %add3A_1518 = vector.broadcast %select_n3A_1503 : i32 to vector<640x1xi32>
    %add3A_1519 = arith.addi %rem3A_1505, %add3A_1518 : vector<640x1xi32>
    %select_n3A_1520 = arith.select %and3A_1517, %add3A_1519, %rem3A_1505 : vector<640x1xi1>, vector<640x1xi32>
    %eq3A_1521 = vector.broadcast %add3A_1466 : vector<640x1xi32> to vector<640x640xi32>
    %eq3A_1522 = vector.broadcast %add3A_295 : vector<1x640xi32> to vector<640x640xi32>
    %eq3A_1523 = arith.cmpi eq, %eq3A_1521, %eq3A_1522 : vector<640x640xi32>
    %eq3A_1524 = vector.broadcast %select_n3A_1498 : vector<640x1xi32> to vector<640x640xi32>
    %eq3A_1525 = vector.broadcast %select_n3A_326 : vector<1x640xi32> to vector<640x640xi32>
    %eq3A_1526 = arith.cmpi eq, %eq3A_1524, %eq3A_1525 : vector<640x640xi32>
    %and3A_1527 = arith.andi %eq3A_1523, %eq3A_1526 : vector<640x640xi1>
    %gt3A_1528 = vector.broadcast %select_n3A_348 : vector<1x640xi32> to vector<640x640xi32>
    %gt3A_1529 = vector.broadcast %select_n3A_1520 : vector<640x1xi32> to vector<640x640xi32>
    %gt3A_1530 = arith.cmpi sgt, %gt3A_1528, %gt3A_1529 : vector<640x640xi32>
    %and3A_1531 = arith.andi %and3A_1527, %gt3A_1530 : vector<640x640xi1>
    %reduce_or3A = arith.constant 1.000000e+00 : f32
    %reduce_or3A_1532 = arith.constant 0.000000e+00 : f32
    %reduce_or3A_1533 = vector.broadcast %reduce_or3A : f32 to vector<640x640xf32>
    %reduce_or3A_1534 = vector.broadcast %reduce_or3A_1532 : f32 to vector<640x640xf32>
    %reduce_or3A_1535 = arith.select %and3A_1531, %reduce_or3A_1533, %reduce_or3A_1534 : vector<640x640xi1>, vector<640x640xf32>
    %reduce_or3A_1536 = arith.constant dense<0xFF800000> : vector<640xf32>
    %reduce_or3A_1537 = vector.multi_reduction <maximumf>, %reduce_or3A_1535, %reduce_or3A_1536 [1] : vector<640x640xf32> to vector<640xf32>
    %reduce_or3A_1538 = arith.constant 0.000000e+00 : f32
    %reduce_or3A_1539 = vector.broadcast %reduce_or3A_1538 : f32 to vector<640xf32>
    %reduce_or3A_1540 = arith.cmpf ogt, %reduce_or3A_1537, %reduce_or3A_1539 : vector<640xf32>
    %broadcast_in_dim3A_1541 = vector.shape_cast %reduce_or3A_1540 : vector<640xi1> to vector<640x1xi1>
    %jit3A_1542 = arith.constant 0.000000e+00 : f32
    %jit3A_1543 = arith.constant 1.000000e+00 : f32
    %broadcast_in_dim3A_1544 = vector.broadcast %jit3A_1542 : f32 to vector<640x1xf32>
    %broadcast_in_dim3A_1545 = vector.broadcast %jit3A_1543 : f32 to vector<640x1xf32>
    %select_n3A_1546 = arith.select %broadcast_in_dim3A_1541, %broadcast_in_dim3A_1544, %broadcast_in_dim3A_1545 : vector<640x1xi1>, vector<640x1xf32>
    %convert_element_type3A_1547 = arith.sitofp %min3A_1445 : vector<640x1xi32> to vector<640x1xf32>
    %sub3A_1548 = arith.subf %mul3A_1435, %convert_element_type3A_1547 : vector<640x1xf32>
    %convert_element_type3A_1549 = arith.sitofp %min3A_1454 : vector<640x1xi32> to vector<640x1xf32>
    %sub3A_1550 = arith.subf %mul3A_1436, %convert_element_type3A_1549 : vector<640x1xf32>
    %broadcast_in_dim3A_1551 = arith.constant 1.160000e+02 : f32
    %broadcast_in_dim3A_1552 = vector.broadcast %broadcast_in_dim3A_1551 : f32 to vector<640x1xf32>
    %eq3A_1553 = arith.constant 1 : i32
    %eq3A_1554 = vector.broadcast %eq3A_1553 : i32 to vector<640x1xi32>
    %eq3A_1555 = arith.cmpi eq, %select_n3A_1353, %eq3A_1554 : vector<640x1xi32>
    %jit3A_1556 = arith.constant 1.560000e+02 : f32
    %broadcast_in_dim3A_1557 = vector.broadcast %jit3A_1556 : f32 to vector<640x1xf32>
    %select_n3A_1558 = arith.select %eq3A_1555, %broadcast_in_dim3A_1557, %broadcast_in_dim3A_1552 : vector<640x1xi1>, vector<640x1xf32>
    %eq3A_1559 = arith.constant 2 : i32
    %eq3A_1560 = vector.broadcast %eq3A_1559 : i32 to vector<640x1xi32>
    %eq3A_1561 = arith.cmpi eq, %select_n3A_1353, %eq3A_1560 : vector<640x1xi32>
    %jit3A_1562 = arith.constant 3.730000e+02 : f32
    %broadcast_in_dim3A_1563 = vector.broadcast %jit3A_1562 : f32 to vector<640x1xf32>
    %select_n3A_1564 = arith.select %eq3A_1561, %broadcast_in_dim3A_1563, %select_n3A_1558 : vector<640x1xi1>, vector<640x1xf32>
    %eq3A_1565 = arith.constant 3 : i32
    %eq3A_1566 = vector.broadcast %eq3A_1565 : i32 to vector<640x1xi32>
    %eq3A_1567 = arith.cmpi eq, %select_n3A_1353, %eq3A_1566 : vector<640x1xi32>
    %jit3A_1568 = arith.constant 3.000000e+01 : f32
    %broadcast_in_dim3A_1569 = vector.broadcast %jit3A_1568 : f32 to vector<640x1xf32>
    %select_n3A_1570 = arith.select %eq3A_1567, %broadcast_in_dim3A_1569, %select_n3A_1564 : vector<640x1xi1>, vector<640x1xf32>
    %eq3A_1571 = arith.constant 4 : i32
    %eq3A_1572 = vector.broadcast %eq3A_1571 : i32 to vector<640x1xi32>
    %eq3A_1573 = arith.cmpi eq, %select_n3A_1353, %eq3A_1572 : vector<640x1xi32>
    %jit3A_1574 = arith.constant 6.200000e+01 : f32
    %broadcast_in_dim3A_1575 = vector.broadcast %jit3A_1574 : f32 to vector<640x1xf32>
    %select_n3A_1576 = arith.select %eq3A_1573, %broadcast_in_dim3A_1575, %select_n3A_1570 : vector<640x1xi1>, vector<640x1xf32>
    %eq3A_1577 = arith.constant 5 : i32
    %eq3A_1578 = vector.broadcast %eq3A_1577 : i32 to vector<640x1xi32>
    %eq3A_1579 = arith.cmpi eq, %select_n3A_1353, %eq3A_1578 : vector<640x1xi32>
    %jit3A_1580 = arith.constant 5.900000e+01 : f32
    %broadcast_in_dim3A_1581 = vector.broadcast %jit3A_1580 : f32 to vector<640x1xf32>
    %select_n3A_1582 = arith.select %eq3A_1579, %broadcast_in_dim3A_1581, %select_n3A_1576 : vector<640x1xi1>, vector<640x1xf32>
    %eq3A_1583 = arith.constant 6 : i32
    %eq3A_1584 = vector.broadcast %eq3A_1583 : i32 to vector<640x1xi32>
    %eq3A_1585 = arith.cmpi eq, %select_n3A_1353, %eq3A_1584 : vector<640x1xi32>
    %jit3A_1586 = arith.constant 1.000000e+01 : f32
    %broadcast_in_dim3A_1587 = vector.broadcast %jit3A_1586 : f32 to vector<640x1xf32>
    %select_n3A_1588 = arith.select %eq3A_1585, %broadcast_in_dim3A_1587, %select_n3A_1582 : vector<640x1xi1>, vector<640x1xf32>
    %eq3A_1589 = arith.constant 7 : i32
    %eq3A_1590 = vector.broadcast %eq3A_1589 : i32 to vector<640x1xi32>
    %eq3A_1591 = arith.cmpi eq, %select_n3A_1353, %eq3A_1590 : vector<640x1xi32>
    %jit3A_1592 = arith.constant 1.600000e+01 : f32
    %broadcast_in_dim3A_1593 = vector.broadcast %jit3A_1592 : f32 to vector<640x1xf32>
    %select_n3A_1594 = arith.select %eq3A_1591, %broadcast_in_dim3A_1593, %select_n3A_1588 : vector<640x1xi1>, vector<640x1xf32>
    %eq3A_1595 = arith.constant 8 : i32
    %eq3A_1596 = vector.broadcast %eq3A_1595 : i32 to vector<640x1xi32>
    %eq3A_1597 = arith.cmpi eq, %select_n3A_1353, %eq3A_1596 : vector<640x1xi32>
    %jit3A_1598 = arith.constant 3.300000e+01 : f32
    %broadcast_in_dim3A_1599 = vector.broadcast %jit3A_1598 : f32 to vector<640x1xf32>
    %select_n3A_1600 = arith.select %eq3A_1597, %broadcast_in_dim3A_1599, %select_n3A_1594 : vector<640x1xi1>, vector<640x1xf32>
    %broadcast_in_dim3A_1601 = arith.constant 9.000000e+01 : f32
    %broadcast_in_dim3A_1602 = vector.broadcast %broadcast_in_dim3A_1601 : f32 to vector<640x1xf32>
    %eq3A_1603 = arith.constant 1 : i32
    %eq3A_1604 = vector.broadcast %eq3A_1603 : i32 to vector<640x1xi32>
    %eq3A_1605 = arith.cmpi eq, %select_n3A_1353, %eq3A_1604 : vector<640x1xi32>
    %jit3A_1606 = arith.constant 1.980000e+02 : f32
    %broadcast_in_dim3A_1607 = vector.broadcast %jit3A_1606 : f32 to vector<640x1xf32>
    %select_n3A_1608 = arith.select %eq3A_1605, %broadcast_in_dim3A_1607, %broadcast_in_dim3A_1602 : vector<640x1xi1>, vector<640x1xf32>
    %eq3A_1609 = arith.constant 2 : i32
    %eq3A_1610 = vector.broadcast %eq3A_1609 : i32 to vector<640x1xi32>
    %eq3A_1611 = arith.cmpi eq, %select_n3A_1353, %eq3A_1610 : vector<640x1xi32>
    %jit3A_1612 = arith.constant 3.260000e+02 : f32
    %broadcast_in_dim3A_1613 = vector.broadcast %jit3A_1612 : f32 to vector<640x1xf32>
    %select_n3A_1614 = arith.select %eq3A_1611, %broadcast_in_dim3A_1613, %select_n3A_1608 : vector<640x1xi1>, vector<640x1xf32>
    %eq3A_1615 = arith.constant 3 : i32
    %eq3A_1616 = vector.broadcast %eq3A_1615 : i32 to vector<640x1xi32>
    %eq3A_1617 = arith.cmpi eq, %select_n3A_1353, %eq3A_1616 : vector<640x1xi32>
    %jit3A_1618 = arith.constant 6.100000e+01 : f32
    %broadcast_in_dim3A_1619 = vector.broadcast %jit3A_1618 : f32 to vector<640x1xf32>
    %select_n3A_1620 = arith.select %eq3A_1617, %broadcast_in_dim3A_1619, %select_n3A_1614 : vector<640x1xi1>, vector<640x1xf32>
    %eq3A_1621 = arith.constant 4 : i32
    %eq3A_1622 = vector.broadcast %eq3A_1621 : i32 to vector<640x1xi32>
    %eq3A_1623 = arith.cmpi eq, %select_n3A_1353, %eq3A_1622 : vector<640x1xi32>
    %jit3A_1624 = arith.constant 4.500000e+01 : f32
    %broadcast_in_dim3A_1625 = vector.broadcast %jit3A_1624 : f32 to vector<640x1xf32>
    %select_n3A_1626 = arith.select %eq3A_1623, %broadcast_in_dim3A_1625, %select_n3A_1620 : vector<640x1xi1>, vector<640x1xf32>
    %eq3A_1627 = arith.constant 5 : i32
    %eq3A_1628 = vector.broadcast %eq3A_1627 : i32 to vector<640x1xi32>
    %eq3A_1629 = arith.cmpi eq, %select_n3A_1353, %eq3A_1628 : vector<640x1xi32>
    %jit3A_1630 = arith.constant 1.190000e+02 : f32
    %broadcast_in_dim3A_1631 = vector.broadcast %jit3A_1630 : f32 to vector<640x1xf32>
    %select_n3A_1632 = arith.select %eq3A_1629, %broadcast_in_dim3A_1631, %select_n3A_1626 : vector<640x1xi1>, vector<640x1xf32>
    %eq3A_1633 = arith.constant 6 : i32
    %eq3A_1634 = vector.broadcast %eq3A_1633 : i32 to vector<640x1xi32>
    %eq3A_1635 = arith.cmpi eq, %select_n3A_1353, %eq3A_1634 : vector<640x1xi32>
    %jit3A_1636 = arith.constant 1.300000e+01 : f32
    %broadcast_in_dim3A_1637 = vector.broadcast %jit3A_1636 : f32 to vector<640x1xf32>
    %select_n3A_1638 = arith.select %eq3A_1635, %broadcast_in_dim3A_1637, %select_n3A_1632 : vector<640x1xi1>, vector<640x1xf32>
    %eq3A_1639 = arith.constant 7 : i32
    %eq3A_1640 = vector.broadcast %eq3A_1639 : i32 to vector<640x1xi32>
    %eq3A_1641 = arith.cmpi eq, %select_n3A_1353, %eq3A_1640 : vector<640x1xi32>
    %jit3A_1642 = arith.constant 3.000000e+01 : f32
    %broadcast_in_dim3A_1643 = vector.broadcast %jit3A_1642 : f32 to vector<640x1xf32>
    %select_n3A_1644 = arith.select %eq3A_1641, %broadcast_in_dim3A_1643, %select_n3A_1638 : vector<640x1xi1>, vector<640x1xf32>
    %eq3A_1645 = arith.constant 8 : i32
    %eq3A_1646 = vector.broadcast %eq3A_1645 : i32 to vector<640x1xi32>
    %eq3A_1647 = arith.cmpi eq, %select_n3A_1353, %eq3A_1646 : vector<640x1xi32>
    %jit3A_1648 = arith.constant 2.300000e+01 : f32
    %broadcast_in_dim3A_1649 = vector.broadcast %jit3A_1648 : f32 to vector<640x1xf32>
    %select_n3A_1650 = arith.select %eq3A_1647, %broadcast_in_dim3A_1649, %select_n3A_1644 : vector<640x1xi1>, vector<640x1xf32>
    %mul3A_1651 = arith.mulf %get3A_1160, %select_n3A_1420 : vector<640x1xf32>
    %max3A_1652 = arith.constant 9.99999997E-7 : f32
    %max3A_1653 = vector.broadcast %max3A_1652 : f32 to vector<640x1xf32>
    %max3A_1654 = arith.maximumf %mul3A_1651, %max3A_1653 : vector<640x1xf32>
    %mul3A_1655 = arith.mulf %select_n3A_1600, %select_n3A_1420 : vector<640x1xf32>
    %div3A_1656 = arith.constant 4.160000e+02 : f32
    %div3A_1657 = vector.broadcast %div3A_1656 : f32 to vector<640x1xf32>
    %div3A_1658 = arith.divf %mul3A_1655, %div3A_1657 : vector<640x1xf32>
    %max3A_1659 = arith.constant 9.99999997E-7 : f32
    %max3A_1660 = vector.broadcast %max3A_1659 : f32 to vector<640x1xf32>
    %max3A_1661 = arith.maximumf %div3A_1658, %max3A_1660 : vector<640x1xf32>
    %div3A_1662 = arith.divf %max3A_1654, %max3A_1661 : vector<640x1xf32>
    %log3A = math.log %div3A_1662 : vector<640x1xf32>
    %jit3A_1663 = arith.constant -6.000000e+00 : f32
    %jit3A_1664 = arith.constant 6.000000e+00 : f32
    %max3A_1665 = vector.broadcast %jit3A_1663 : f32 to vector<640x1xf32>
    %max3A_1666 = arith.maximumf %max3A_1665, %log3A : vector<640x1xf32>
    %min3A_1667 = vector.broadcast %jit3A_1664 : f32 to vector<640x1xf32>
    %min3A_1668 = arith.minimumf %min3A_1667, %max3A_1666 : vector<640x1xf32>
    %mul3A_1669 = arith.mulf %get3A_1163, %select_n3A_1420 : vector<640x1xf32>
    %max3A_1670 = arith.constant 9.99999997E-7 : f32
    %max3A_1671 = vector.broadcast %max3A_1670 : f32 to vector<640x1xf32>
    %max3A_1672 = arith.maximumf %mul3A_1669, %max3A_1671 : vector<640x1xf32>
    %mul3A_1673 = arith.mulf %select_n3A_1650, %select_n3A_1420 : vector<640x1xf32>
    %div3A_1674 = arith.constant 4.160000e+02 : f32
    %div3A_1675 = vector.broadcast %div3A_1674 : f32 to vector<640x1xf32>
    %div3A_1676 = arith.divf %mul3A_1673, %div3A_1675 : vector<640x1xf32>
    %max3A_1677 = arith.constant 9.99999997E-7 : f32
    %max3A_1678 = vector.broadcast %max3A_1677 : f32 to vector<640x1xf32>
    %max3A_1679 = arith.maximumf %div3A_1676, %max3A_1678 : vector<640x1xf32>
    %div3A_1680 = arith.divf %max3A_1672, %max3A_1679 : vector<640x1xf32>
    %log3A_1681 = math.log %div3A_1680 : vector<640x1xf32>
    %jit3A_1682 = arith.constant -6.000000e+00 : f32
    %jit3A_1683 = arith.constant 6.000000e+00 : f32
    %max3A_1684 = vector.broadcast %jit3A_1682 : f32 to vector<640x1xf32>
    %max3A_1685 = arith.maximumf %max3A_1684, %log3A_1681 : vector<640x1xf32>
    %min3A_1686 = vector.broadcast %jit3A_1683 : f32 to vector<640x1xf32>
    %min3A_1687 = arith.minimumf %min3A_1686, %max3A_1685 : vector<640x1xf32>
    %broadcast_in_dim3A_1688 = arith.constant 0.000000e+00 : f32
    %broadcast_in_dim3A_1689 = vector.broadcast %broadcast_in_dim3A_1688 : f32 to vector<640x1xf32>
    %convert_element_type3A_1690 = arith.sitofp %select_n3A_1384 : vector<640x1xi32> to vector<640x1xf32>
    %concatenate3A_1691 = tpu.concatenate %convert_element_type3A_1690, %select_n3A_1546, %sub3A_1548, %sub3A_1550, %min3A_1668, %min3A_1687, %broadcast_in_dim3A_1689, %broadcast_in_dim3A_1689 in 1 : vector<640x1xf32>, vector<640x1xf32>, vector<640x1xf32>, vector<640x1xf32>, vector<640x1xf32>, vector<640x1xf32>, vector<640x1xf32>, vector<640x1xf32> -> vector<640x8xf32>
    %swap3A_1692 = arith.constant 0 : index
    %swap3A_1693 = arith.constant 0 : index
    %swap3A_1694 = vector.load %arg3[%swap3A_1692, %swap3A_1693] : memref<640x8xf32, #tpu.memory_space<vmem>>, vector<640x8xf32>
    tpu.vector_store %arg3[%swap3A_1692, %swap3A_1693], %concatenate3A_1691 {strides = array<i32>} : memref<640x8xf32, #tpu.memory_space<vmem>>, vector<640x8xf32>,
    %mul3A_1695 = arith.constant 1.300000e+01 : f32
    %mul3A_1696 = vector.broadcast %mul3A_1695 : f32 to vector<640x1xf32>
    %mul3A_1697 = arith.mulf %get3A_1154, %mul3A_1696 : vector<640x1xf32>
    %floor3A_1698 = math.floor %mul3A_1697 : vector<640x1xf32>
    %convert_element_type3A_1699 = arith.fptosi %floor3A_1698 : vector<640x1xf32> to vector<640x1xi32>
    %jit3A_1700 = arith.constant 0 : i32
    %jit3A_1701 = arith.constant 12 : i32
    %max3A_1702 = vector.broadcast %jit3A_1700 : i32 to vector<640x1xi32>
    %max3A_1703 = arith.maxsi %max3A_1702, %convert_element_type3A_1699 : vector<640x1xi32>
    %min3A_1704 = vector.broadcast %jit3A_1701 : i32 to vector<640x1xi32>
    %min3A_1705 = arith.minsi %min3A_1704, %max3A_1703 : vector<640x1xi32>
    %mul3A_1706 = arith.constant 1.300000e+01 : f32
    %mul3A_1707 = vector.broadcast %mul3A_1706 : f32 to vector<640x1xf32>
    %mul3A_1708 = arith.mulf %get3A_1157, %mul3A_1707 : vector<640x1xf32>
    %floor3A_1709 = math.floor %mul3A_1708 : vector<640x1xf32>
    %convert_element_type3A_1710 = arith.fptosi %floor3A_1709 : vector<640x1xf32> to vector<640x1xi32>
    %jit3A_1711 = arith.constant 0 : i32
    %jit3A_1712 = arith.constant 12 : i32
    %max3A_1713 = vector.broadcast %jit3A_1711 : i32 to vector<640x1xi32>
    %max3A_1714 = arith.maxsi %max3A_1713, %convert_element_type3A_1710 : vector<640x1xi32>
    %min3A_1715 = vector.broadcast %jit3A_1712 : i32 to vector<640x1xi32>
    %min3A_1716 = arith.minsi %min3A_1715, %max3A_1714 : vector<640x1xi32>
    %mul3A_1717 = arith.constant 5 : i32
    %mul3A_1718 = vector.broadcast %mul3A_1717 : i32 to vector<640x1xi32>
    %mul3A_1719 = arith.muli %select_n3A_1406, %mul3A_1718 : vector<640x1xi32>
    %add3A_1720 = arith.constant 0 : i32
    %add3A_1721 = vector.broadcast %add3A_1720 : i32 to vector<640x1xi32>
    %add3A_1722 = arith.addi %mul3A_1719, %add3A_1721 : vector<640x1xi32>
    %mul3A_1723 = arith.constant 15 : i32
    %mul3A_1724 = vector.broadcast %mul3A_1723 : i32 to vector<640x1xi32>
    %mul3A_1725 = arith.muli %select_n3A_1498, %mul3A_1724 : vector<640x1xi32>
    %add3A_1726 = arith.addi %mul3A_1725, %add3A_1722 : vector<640x1xi32>
    %mul3A_1727 = arith.constant 13 : i32
    %mul3A_1728 = vector.broadcast %mul3A_1727 : i32 to vector<640x1xi32>
    %mul3A_1729 = arith.muli %add3A_1726, %mul3A_1728 : vector<640x1xi32>
    %add3A_1730 = arith.addi %mul3A_1729, %min3A_1716 : vector<640x1xi32>
    %mul3A_1731 = arith.constant 13 : i32
    %mul3A_1732 = vector.broadcast %mul3A_1731 : i32 to vector<640x1xi32>
    %mul3A_1733 = arith.muli %add3A_1730, %mul3A_1732 : vector<640x1xi32>
    %add3A_1734 = arith.addi %mul3A_1733, %min3A_1705 : vector<640x1xi32>
    %mul3A_1735 = arith.constant 5 : i32
    %mul3A_1736 = vector.broadcast %mul3A_1735 : i32 to vector<640x1xi32>
    %mul3A_1737 = arith.muli %select_n3A_1406, %mul3A_1736 : vector<640x1xi32>
    %add3A_1738 = arith.constant 1 : i32
    %add3A_1739 = vector.broadcast %add3A_1738 : i32 to vector<640x1xi32>
    %add3A_1740 = arith.addi %mul3A_1737, %add3A_1739 : vector<640x1xi32>
    %mul3A_1741 = arith.constant 15 : i32
    %mul3A_1742 = vector.broadcast %mul3A_1741 : i32 to vector<640x1xi32>
    %mul3A_1743 = arith.muli %select_n3A_1498, %mul3A_1742 : vector<640x1xi32>
    %add3A_1744 = arith.addi %mul3A_1743, %add3A_1740 : vector<640x1xi32>
    %mul3A_1745 = arith.constant 13 : i32
    %mul3A_1746 = vector.broadcast %mul3A_1745 : i32 to vector<640x1xi32>
    %mul3A_1747 = arith.muli %add3A_1744, %mul3A_1746 : vector<640x1xi32>
    %add3A_1748 = arith.addi %mul3A_1747, %min3A_1716 : vector<640x1xi32>
    %mul3A_1749 = arith.constant 13 : i32
    %mul3A_1750 = vector.broadcast %mul3A_1749 : i32 to vector<640x1xi32>
    %mul3A_1751 = arith.muli %add3A_1748, %mul3A_1750 : vector<640x1xi32>
    %add3A_1752 = arith.addi %mul3A_1751, %min3A_1705 : vector<640x1xi32>
    %mul3A_1753 = arith.constant 5 : i32
    %mul3A_1754 = vector.broadcast %mul3A_1753 : i32 to vector<640x1xi32>
    %mul3A_1755 = arith.muli %select_n3A_1406, %mul3A_1754 : vector<640x1xi32>
    %add3A_1756 = arith.constant 2 : i32
    %add3A_1757 = vector.broadcast %add3A_1756 : i32 to vector<640x1xi32>
    %add3A_1758 = arith.addi %mul3A_1755, %add3A_1757 : vector<640x1xi32>
    %mul3A_1759 = arith.constant 15 : i32
    %mul3A_1760 = vector.broadcast %mul3A_1759 : i32 to vector<640x1xi32>
    %mul3A_1761 = arith.muli %select_n3A_1498, %mul3A_1760 : vector<640x1xi32>
    %add3A_1762 = arith.addi %mul3A_1761, %add3A_1758 : vector<640x1xi32>
    %mul3A_1763 = arith.constant 13 : i32
    %mul3A_1764 = vector.broadcast %mul3A_1763 : i32 to vector<640x1xi32>
    %mul3A_1765 = arith.muli %add3A_1762, %mul3A_1764 : vector<640x1xi32>
    %add3A_1766 = arith.addi %mul3A_1765, %min3A_1716 : vector<640x1xi32>
    %mul3A_1767 = arith.constant 13 : i32
    %mul3A_1768 = vector.broadcast %mul3A_1767 : i32 to vector<640x1xi32>
    %mul3A_1769 = arith.muli %add3A_1766, %mul3A_1768 : vector<640x1xi32>
    %add3A_1770 = arith.addi %mul3A_1769, %min3A_1705 : vector<640x1xi32>
    %mul3A_1771 = arith.constant 5 : i32
    %mul3A_1772 = vector.broadcast %mul3A_1771 : i32 to vector<640x1xi32>
    %mul3A_1773 = arith.muli %select_n3A_1406, %mul3A_1772 : vector<640x1xi32>
    %add3A_1774 = arith.constant 3 : i32
    %add3A_1775 = vector.broadcast %add3A_1774 : i32 to vector<640x1xi32>
    %add3A_1776 = arith.addi %mul3A_1773, %add3A_1775 : vector<640x1xi32>
    %mul3A_1777 = arith.constant 15 : i32
    %mul3A_1778 = vector.broadcast %mul3A_1777 : i32 to vector<640x1xi32>
    %mul3A_1779 = arith.muli %select_n3A_1498, %mul3A_1778 : vector<640x1xi32>
    %add3A_1780 = arith.addi %mul3A_1779, %add3A_1776 : vector<640x1xi32>
    %mul3A_1781 = arith.constant 13 : i32
    %mul3A_1782 = vector.broadcast %mul3A_1781 : i32 to vector<640x1xi32>
    %mul3A_1783 = arith.muli %add3A_1780, %mul3A_1782 : vector<640x1xi32>
    %add3A_1784 = arith.addi %mul3A_1783, %min3A_1716 : vector<640x1xi32>
    %mul3A_1785 = arith.constant 13 : i32
    %mul3A_1786 = vector.broadcast %mul3A_1785 : i32 to vector<640x1xi32>
    %mul3A_1787 = arith.muli %add3A_1784, %mul3A_1786 : vector<640x1xi32>
    %add3A_1788 = arith.addi %mul3A_1787, %min3A_1705 : vector<640x1xi32>
    %mul3A_1789 = arith.constant 5 : i32
    %mul3A_1790 = vector.broadcast %mul3A_1789 : i32 to vector<640x1xi32>
    %mul3A_1791 = arith.muli %select_n3A_1406, %mul3A_1790 : vector<640x1xi32>
    %add3A_1792 = arith.constant 4 : i32
    %add3A_1793 = vector.broadcast %add3A_1792 : i32 to vector<640x1xi32>
    %add3A_1794 = arith.addi %mul3A_1791, %add3A_1793 : vector<640x1xi32>
    %mul3A_1795 = arith.constant 15 : i32
    %mul3A_1796 = vector.broadcast %mul3A_1795 : i32 to vector<640x1xi32>
    %mul3A_1797 = arith.muli %select_n3A_1498, %mul3A_1796 : vector<640x1xi32>
    %add3A_1798 = arith.addi %mul3A_1797, %add3A_1794 : vector<640x1xi32>
    %mul3A_1799 = arith.constant 13 : i32
    %mul3A_1800 = vector.broadcast %mul3A_1799 : i32 to vector<640x1xi32>
    %mul3A_1801 = arith.muli %add3A_1798, %mul3A_1800 : vector<640x1xi32>
    %add3A_1802 = arith.addi %mul3A_1801, %min3A_1716 : vector<640x1xi32>
    %mul3A_1803 = arith.constant 13 : i32
    %mul3A_1804 = vector.broadcast %mul3A_1803 : i32 to vector<640x1xi32>
    %mul3A_1805 = arith.muli %add3A_1802, %mul3A_1804 : vector<640x1xi32>
    %add3A_1806 = arith.addi %mul3A_1805, %min3A_1705 : vector<640x1xi32>
    %mul3A_1807 = arith.constant 2.600000e+01 : f32
    %mul3A_1808 = vector.broadcast %mul3A_1807 : f32 to vector<640x1xf32>
    %mul3A_1809 = arith.mulf %get3A_1154, %mul3A_1808 : vector<640x1xf32>
    %floor3A_1810 = math.floor %mul3A_1809 : vector<640x1xf32>
    %convert_element_type3A_1811 = arith.fptosi %floor3A_1810 : vector<640x1xf32> to vector<640x1xi32>
    %jit3A_1812 = arith.constant 0 : i32
    %jit3A_1813 = arith.constant 25 : i32
    %max3A_1814 = vector.broadcast %jit3A_1812 : i32 to vector<640x1xi32>
    %max3A_1815 = arith.maxsi %max3A_1814, %convert_element_type3A_1811 : vector<640x1xi32>
    %min3A_1816 = vector.broadcast %jit3A_1813 : i32 to vector<640x1xi32>
    %min3A_1817 = arith.minsi %min3A_1816, %max3A_1815 : vector<640x1xi32>
    %mul3A_1818 = arith.constant 2.600000e+01 : f32
    %mul3A_1819 = vector.broadcast %mul3A_1818 : f32 to vector<640x1xf32>
    %mul3A_1820 = arith.mulf %get3A_1157, %mul3A_1819 : vector<640x1xf32>
    %floor3A_1821 = math.floor %mul3A_1820 : vector<640x1xf32>
    %convert_element_type3A_1822 = arith.fptosi %floor3A_1821 : vector<640x1xf32> to vector<640x1xi32>
    %jit3A_1823 = arith.constant 0 : i32
    %jit3A_1824 = arith.constant 25 : i32
    %max3A_1825 = vector.broadcast %jit3A_1823 : i32 to vector<640x1xi32>
    %max3A_1826 = arith.maxsi %max3A_1825, %convert_element_type3A_1822 : vector<640x1xi32>
    %min3A_1827 = vector.broadcast %jit3A_1824 : i32 to vector<640x1xi32>
    %min3A_1828 = arith.minsi %min3A_1827, %max3A_1826 : vector<640x1xi32>
    %mul3A_1829 = arith.constant 5 : i32
    %mul3A_1830 = vector.broadcast %mul3A_1829 : i32 to vector<640x1xi32>
    %mul3A_1831 = arith.muli %select_n3A_1406, %mul3A_1830 : vector<640x1xi32>
    %add3A_1832 = arith.constant 0 : i32
    %add3A_1833 = vector.broadcast %add3A_1832 : i32 to vector<640x1xi32>
    %add3A_1834 = arith.addi %mul3A_1831, %add3A_1833 : vector<640x1xi32>
    %mul3A_1835 = arith.constant 15 : i32
    %mul3A_1836 = vector.broadcast %mul3A_1835 : i32 to vector<640x1xi32>
    %mul3A_1837 = arith.muli %select_n3A_1498, %mul3A_1836 : vector<640x1xi32>
    %add3A_1838 = arith.addi %mul3A_1837, %add3A_1834 : vector<640x1xi32>
    %mul3A_1839 = arith.constant 26 : i32
    %mul3A_1840 = vector.broadcast %mul3A_1839 : i32 to vector<640x1xi32>
    %mul3A_1841 = arith.muli %add3A_1838, %mul3A_1840 : vector<640x1xi32>
    %add3A_1842 = arith.addi %mul3A_1841, %min3A_1828 : vector<640x1xi32>
    %mul3A_1843 = arith.constant 26 : i32
    %mul3A_1844 = vector.broadcast %mul3A_1843 : i32 to vector<640x1xi32>
    %mul3A_1845 = arith.muli %add3A_1842, %mul3A_1844 : vector<640x1xi32>
    %add3A_1846 = arith.addi %mul3A_1845, %min3A_1817 : vector<640x1xi32>
    %mul3A_1847 = arith.constant 5 : i32
    %mul3A_1848 = vector.broadcast %mul3A_1847 : i32 to vector<640x1xi32>
    %mul3A_1849 = arith.muli %select_n3A_1406, %mul3A_1848 : vector<640x1xi32>
    %add3A_1850 = arith.constant 1 : i32
    %add3A_1851 = vector.broadcast %add3A_1850 : i32 to vector<640x1xi32>
    %add3A_1852 = arith.addi %mul3A_1849, %add3A_1851 : vector<640x1xi32>
    %mul3A_1853 = arith.constant 15 : i32
    %mul3A_1854 = vector.broadcast %mul3A_1853 : i32 to vector<640x1xi32>
    %mul3A_1855 = arith.muli %select_n3A_1498, %mul3A_1854 : vector<640x1xi32>
    %add3A_1856 = arith.addi %mul3A_1855, %add3A_1852 : vector<640x1xi32>
    %mul3A_1857 = arith.constant 26 : i32
    %mul3A_1858 = vector.broadcast %mul3A_1857 : i32 to vector<640x1xi32>
    %mul3A_1859 = arith.muli %add3A_1856, %mul3A_1858 : vector<640x1xi32>
    %add3A_1860 = arith.addi %mul3A_1859, %min3A_1828 : vector<640x1xi32>
    %mul3A_1861 = arith.constant 26 : i32
    %mul3A_1862 = vector.broadcast %mul3A_1861 : i32 to vector<640x1xi32>
    %mul3A_1863 = arith.muli %add3A_1860, %mul3A_1862 : vector<640x1xi32>
    %add3A_1864 = arith.addi %mul3A_1863, %min3A_1817 : vector<640x1xi32>
    %mul3A_1865 = arith.constant 5 : i32
    %mul3A_1866 = vector.broadcast %mul3A_1865 : i32 to vector<640x1xi32>
    %mul3A_1867 = arith.muli %select_n3A_1406, %mul3A_1866 : vector<640x1xi32>
    %add3A_1868 = arith.constant 2 : i32
    %add3A_1869 = vector.broadcast %add3A_1868 : i32 to vector<640x1xi32>
    %add3A_1870 = arith.addi %mul3A_1867, %add3A_1869 : vector<640x1xi32>
    %mul3A_1871 = arith.constant 15 : i32
    %mul3A_1872 = vector.broadcast %mul3A_1871 : i32 to vector<640x1xi32>
    %mul3A_1873 = arith.muli %select_n3A_1498, %mul3A_1872 : vector<640x1xi32>
    %add3A_1874 = arith.addi %mul3A_1873, %add3A_1870 : vector<640x1xi32>
    %mul3A_1875 = arith.constant 26 : i32
    %mul3A_1876 = vector.broadcast %mul3A_1875 : i32 to vector<640x1xi32>
    %mul3A_1877 = arith.muli %add3A_1874, %mul3A_1876 : vector<640x1xi32>
    %add3A_1878 = arith.addi %mul3A_1877, %min3A_1828 : vector<640x1xi32>
    %mul3A_1879 = arith.constant 26 : i32
    %mul3A_1880 = vector.broadcast %mul3A_1879 : i32 to vector<640x1xi32>
    %mul3A_1881 = arith.muli %add3A_1878, %mul3A_1880 : vector<640x1xi32>
    %add3A_1882 = arith.addi %mul3A_1881, %min3A_1817 : vector<640x1xi32>
    %mul3A_1883 = arith.constant 5 : i32
    %mul3A_1884 = vector.broadcast %mul3A_1883 : i32 to vector<640x1xi32>
    %mul3A_1885 = arith.muli %select_n3A_1406, %mul3A_1884 : vector<640x1xi32>
    %add3A_1886 = arith.constant 3 : i32
    %add3A_1887 = vector.broadcast %add3A_1886 : i32 to vector<640x1xi32>
    %add3A_1888 = arith.addi %mul3A_1885, %add3A_1887 : vector<640x1xi32>
    %mul3A_1889 = arith.constant 15 : i32
    %mul3A_1890 = vector.broadcast %mul3A_1889 : i32 to vector<640x1xi32>
    %mul3A_1891 = arith.muli %select_n3A_1498, %mul3A_1890 : vector<640x1xi32>
    %add3A_1892 = arith.addi %mul3A_1891, %add3A_1888 : vector<640x1xi32>
    %mul3A_1893 = arith.constant 26 : i32
    %mul3A_1894 = vector.broadcast %mul3A_1893 : i32 to vector<640x1xi32>
    %mul3A_1895 = arith.muli %add3A_1892, %mul3A_1894 : vector<640x1xi32>
    %add3A_1896 = arith.addi %mul3A_1895, %min3A_1828 : vector<640x1xi32>
    %mul3A_1897 = arith.constant 26 : i32
    %mul3A_1898 = vector.broadcast %mul3A_1897 : i32 to vector<640x1xi32>
    %mul3A_1899 = arith.muli %add3A_1896, %mul3A_1898 : vector<640x1xi32>
    %add3A_1900 = arith.addi %mul3A_1899, %min3A_1817 : vector<640x1xi32>
    %mul3A_1901 = arith.constant 5 : i32
    %mul3A_1902 = vector.broadcast %mul3A_1901 : i32 to vector<640x1xi32>
    %mul3A_1903 = arith.muli %select_n3A_1406, %mul3A_1902 : vector<640x1xi32>
    %add3A_1904 = arith.constant 4 : i32
    %add3A_1905 = vector.broadcast %add3A_1904 : i32 to vector<640x1xi32>
    %add3A_1906 = arith.addi %mul3A_1903, %add3A_1905 : vector<640x1xi32>
    %mul3A_1907 = arith.constant 15 : i32
    %mul3A_1908 = vector.broadcast %mul3A_1907 : i32 to vector<640x1xi32>
    %mul3A_1909 = arith.muli %select_n3A_1498, %mul3A_1908 : vector<640x1xi32>
    %add3A_1910 = arith.addi %mul3A_1909, %add3A_1906 : vector<640x1xi32>
    %mul3A_1911 = arith.constant 26 : i32
    %mul3A_1912 = vector.broadcast %mul3A_1911 : i32 to vector<640x1xi32>
    %mul3A_1913 = arith.muli %add3A_1910, %mul3A_1912 : vector<640x1xi32>
    %add3A_1914 = arith.addi %mul3A_1913, %min3A_1828 : vector<640x1xi32>
    %mul3A_1915 = arith.constant 26 : i32
    %mul3A_1916 = vector.broadcast %mul3A_1915 : i32 to vector<640x1xi32>
    %mul3A_1917 = arith.muli %add3A_1914, %mul3A_1916 : vector<640x1xi32>
    %add3A_1918 = arith.addi %mul3A_1917, %min3A_1817 : vector<640x1xi32>
    %mul3A_1919 = arith.constant 5.200000e+01 : f32
    %mul3A_1920 = vector.broadcast %mul3A_1919 : f32 to vector<640x1xf32>
    %mul3A_1921 = arith.mulf %get3A_1154, %mul3A_1920 : vector<640x1xf32>
    %floor3A_1922 = math.floor %mul3A_1921 : vector<640x1xf32>
    %convert_element_type3A_1923 = arith.fptosi %floor3A_1922 : vector<640x1xf32> to vector<640x1xi32>
    %jit3A_1924 = arith.constant 0 : i32
    %jit3A_1925 = arith.constant 51 : i32
    %max3A_1926 = vector.broadcast %jit3A_1924 : i32 to vector<640x1xi32>
    %max3A_1927 = arith.maxsi %max3A_1926, %convert_element_type3A_1923 : vector<640x1xi32>
    %min3A_1928 = vector.broadcast %jit3A_1925 : i32 to vector<640x1xi32>
    %min3A_1929 = arith.minsi %min3A_1928, %max3A_1927 : vector<640x1xi32>
    %mul3A_1930 = arith.constant 5.200000e+01 : f32
    %mul3A_1931 = vector.broadcast %mul3A_1930 : f32 to vector<640x1xf32>
    %mul3A_1932 = arith.mulf %get3A_1157, %mul3A_1931 : vector<640x1xf32>
    %floor3A_1933 = math.floor %mul3A_1932 : vector<640x1xf32>
    %convert_element_type3A_1934 = arith.fptosi %floor3A_1933 : vector<640x1xf32> to vector<640x1xi32>
    %jit3A_1935 = arith.constant 0 : i32
    %jit3A_1936 = arith.constant 51 : i32
    %max3A_1937 = vector.broadcast %jit3A_1935 : i32 to vector<640x1xi32>
    %max3A_1938 = arith.maxsi %max3A_1937, %convert_element_type3A_1934 : vector<640x1xi32>
    %min3A_1939 = vector.broadcast %jit3A_1936 : i32 to vector<640x1xi32>
    %min3A_1940 = arith.minsi %min3A_1939, %max3A_1938 : vector<640x1xi32>
    %mul3A_1941 = arith.constant 5 : i32
    %mul3A_1942 = vector.broadcast %mul3A_1941 : i32 to vector<640x1xi32>
    %mul3A_1943 = arith.muli %select_n3A_1406, %mul3A_1942 : vector<640x1xi32>
    %add3A_1944 = arith.constant 0 : i32
    %add3A_1945 = vector.broadcast %add3A_1944 : i32 to vector<640x1xi32>
    %add3A_1946 = arith.addi %mul3A_1943, %add3A_1945 : vector<640x1xi32>
    %mul3A_1947 = arith.constant 15 : i32
    %mul3A_1948 = vector.broadcast %mul3A_1947 : i32 to vector<640x1xi32>
    %mul3A_1949 = arith.muli %select_n3A_1498, %mul3A_1948 : vector<640x1xi32>
    %add3A_1950 = arith.addi %mul3A_1949, %add3A_1946 : vector<640x1xi32>
    %mul3A_1951 = arith.constant 52 : i32
    %mul3A_1952 = vector.broadcast %mul3A_1951 : i32 to vector<640x1xi32>
    %mul3A_1953 = arith.muli %add3A_1950, %mul3A_1952 : vector<640x1xi32>
    %add3A_1954 = arith.addi %mul3A_1953, %min3A_1940 : vector<640x1xi32>
    %mul3A_1955 = arith.constant 52 : i32
    %mul3A_1956 = vector.broadcast %mul3A_1955 : i32 to vector<640x1xi32>
    %mul3A_1957 = arith.muli %add3A_1954, %mul3A_1956 : vector<640x1xi32>
    %add3A_1958 = arith.addi %mul3A_1957, %min3A_1929 : vector<640x1xi32>
    %mul3A_1959 = arith.constant 5 : i32
    %mul3A_1960 = vector.broadcast %mul3A_1959 : i32 to vector<640x1xi32>
    %mul3A_1961 = arith.muli %select_n3A_1406, %mul3A_1960 : vector<640x1xi32>
    %add3A_1962 = arith.constant 1 : i32
    %add3A_1963 = vector.broadcast %add3A_1962 : i32 to vector<640x1xi32>
    %add3A_1964 = arith.addi %mul3A_1961, %add3A_1963 : vector<640x1xi32>
    %mul3A_1965 = arith.constant 15 : i32
    %mul3A_1966 = vector.broadcast %mul3A_1965 : i32 to vector<640x1xi32>
    %mul3A_1967 = arith.muli %select_n3A_1498, %mul3A_1966 : vector<640x1xi32>
    %add3A_1968 = arith.addi %mul3A_1967, %add3A_1964 : vector<640x1xi32>
    %mul3A_1969 = arith.constant 52 : i32
    %mul3A_1970 = vector.broadcast %mul3A_1969 : i32 to vector<640x1xi32>
    %mul3A_1971 = arith.muli %add3A_1968, %mul3A_1970 : vector<640x1xi32>
    %add3A_1972 = arith.addi %mul3A_1971, %min3A_1940 : vector<640x1xi32>
    %mul3A_1973 = arith.constant 52 : i32
    %mul3A_1974 = vector.broadcast %mul3A_1973 : i32 to vector<640x1xi32>
    %mul3A_1975 = arith.muli %add3A_1972, %mul3A_1974 : vector<640x1xi32>
    %add3A_1976 = arith.addi %mul3A_1975, %min3A_1929 : vector<640x1xi32>
    %mul3A_1977 = arith.constant 5 : i32
    %mul3A_1978 = vector.broadcast %mul3A_1977 : i32 to vector<640x1xi32>
    %mul3A_1979 = arith.muli %select_n3A_1406, %mul3A_1978 : vector<640x1xi32>
    %add3A_1980 = arith.constant 2 : i32
    %add3A_1981 = vector.broadcast %add3A_1980 : i32 to vector<640x1xi32>
    %add3A_1982 = arith.addi %mul3A_1979, %add3A_1981 : vector<640x1xi32>
    %mul3A_1983 = arith.constant 15 : i32
    %mul3A_1984 = vector.broadcast %mul3A_1983 : i32 to vector<640x1xi32>
    %mul3A_1985 = arith.muli %select_n3A_1498, %mul3A_1984 : vector<640x1xi32>
    %add3A_1986 = arith.addi %mul3A_1985, %add3A_1982 : vector<640x1xi32>
    %mul3A_1987 = arith.constant 52 : i32
    %mul3A_1988 = vector.broadcast %mul3A_1987 : i32 to vector<640x1xi32>
    %mul3A_1989 = arith.muli %add3A_1986, %mul3A_1988 : vector<640x1xi32>
    %add3A_1990 = arith.addi %mul3A_1989, %min3A_1940 : vector<640x1xi32>
    %mul3A_1991 = arith.constant 52 : i32
    %mul3A_1992 = vector.broadcast %mul3A_1991 : i32 to vector<640x1xi32>
    %mul3A_1993 = arith.muli %add3A_1990, %mul3A_1992 : vector<640x1xi32>
    %add3A_1994 = arith.addi %mul3A_1993, %min3A_1929 : vector<640x1xi32>
    %mul3A_1995 = arith.constant 5 : i32
    %mul3A_1996 = vector.broadcast %mul3A_1995 : i32 to vector<640x1xi32>
    %mul3A_1997 = arith.muli %select_n3A_1406, %mul3A_1996 : vector<640x1xi32>
    %add3A_1998 = arith.constant 3 : i32
    %add3A_1999 = vector.broadcast %add3A_1998 : i32 to vector<640x1xi32>
    %add3A_2000 = arith.addi %mul3A_1997, %add3A_1999 : vector<640x1xi32>
    %mul3A_2001 = arith.constant 15 : i32
    %mul3A_2002 = vector.broadcast %mul3A_2001 : i32 to vector<640x1xi32>
    %mul3A_2003 = arith.muli %select_n3A_1498, %mul3A_2002 : vector<640x1xi32>
    %add3A_2004 = arith.addi %mul3A_2003, %add3A_2000 : vector<640x1xi32>
    %mul3A_2005 = arith.constant 52 : i32
    %mul3A_2006 = vector.broadcast %mul3A_2005 : i32 to vector<640x1xi32>
    %mul3A_2007 = arith.muli %add3A_2004, %mul3A_2006 : vector<640x1xi32>
    %add3A_2008 = arith.addi %mul3A_2007, %min3A_1940 : vector<640x1xi32>
    %mul3A_2009 = arith.constant 52 : i32
    %mul3A_2010 = vector.broadcast %mul3A_2009 : i32 to vector<640x1xi32>
    %mul3A_2011 = arith.muli %add3A_2008, %mul3A_2010 : vector<640x1xi32>
    %add3A_2012 = arith.addi %mul3A_2011, %min3A_1929 : vector<640x1xi32>
    %mul3A_2013 = arith.constant 5 : i32
    %mul3A_2014 = vector.broadcast %mul3A_2013 : i32 to vector<640x1xi32>
    %mul3A_2015 = arith.muli %select_n3A_1406, %mul3A_2014 : vector<640x1xi32>
    %add3A_2016 = arith.constant 4 : i32
    %add3A_2017 = vector.broadcast %add3A_2016 : i32 to vector<640x1xi32>
    %add3A_2018 = arith.addi %mul3A_2015, %add3A_2017 : vector<640x1xi32>
    %mul3A_2019 = arith.constant 15 : i32
    %mul3A_2020 = vector.broadcast %mul3A_2019 : i32 to vector<640x1xi32>
    %mul3A_2021 = arith.muli %select_n3A_1498, %mul3A_2020 : vector<640x1xi32>
    %add3A_2022 = arith.addi %mul3A_2021, %add3A_2018 : vector<640x1xi32>
    %mul3A_2023 = arith.constant 52 : i32
    %mul3A_2024 = vector.broadcast %mul3A_2023 : i32 to vector<640x1xi32>
    %mul3A_2025 = arith.muli %add3A_2022, %mul3A_2024 : vector<640x1xi32>
    %add3A_2026 = arith.addi %mul3A_2025, %min3A_1940 : vector<640x1xi32>
    %mul3A_2027 = arith.constant 52 : i32
    %mul3A_2028 = vector.broadcast %mul3A_2027 : i32 to vector<640x1xi32>
    %mul3A_2029 = arith.muli %add3A_2026, %mul3A_2028 : vector<640x1xi32>
    %add3A_2030 = arith.addi %mul3A_2029, %min3A_1929 : vector<640x1xi32>
    %iota3A_2031 = tpu.iota {dimensions = array<i32: 1>} : vector<640x16xi32>
    %jit3A_2032 = arith.constant 16 : i32
    %eq3A_2033 = arith.constant 0 : i32
    %eq3A_2034 = arith.cmpi eq, %jit3A_2032, %eq3A_2033 : i32
    %jit3A_2035 = arith.constant 1 : i32
    %select_n3A_2036 = arith.select %eq3A_2034, %jit3A_2035, %jit3A_2032 : i32
    %rem3A_2037 = vector.broadcast %select_n3A_2036 : i32 to vector<640x1xi32>
    %rem3A_2038 = arith.remsi %add3A_1734, %rem3A_2037 : vector<640x1xi32>
    %ne3A_2039 = arith.constant 0 : i32
    %ne3A_2040 = vector.broadcast %ne3A_2039 : i32 to vector<640x1xi32>
    %ne3A_2041 = arith.cmpi ne, %rem3A_2038, %ne3A_2040 : vector<640x1xi32>
    %lt3A_2042 = arith.constant 0 : i32
    %lt3A_2043 = vector.broadcast %lt3A_2042 : i32 to vector<640x1xi32>
    %lt3A_2044 = arith.cmpi slt, %rem3A_2038, %lt3A_2043 : vector<640x1xi32>
    %lt3A_2045 = arith.constant 0 : i32
    %lt3A_2046 = arith.cmpi slt, %select_n3A_2036, %lt3A_2045 : i32
    %ne3A_2047 = vector.broadcast %lt3A_2046 : i1 to vector<640x1xi1>
    %ne3A_2048 = vector.broadcast %ne3A_2047 : vector<640x1xi1> to vector<640x1xi1>
    %ne3A_2049 = arith.xori %lt3A_2044, %ne3A_2048 : vector<640x1xi1>
    %and3A_2050 = arith.andi %ne3A_2049, %ne3A_2041 : vector<640x1xi1>
    %add3A_2051 = vector.broadcast %select_n3A_2036 : i32 to vector<640x1xi32>
    %add3A_2052 = arith.addi %rem3A_2038, %add3A_2051 : vector<640x1xi32>
    %select_n3A_2053 = arith.select %and3A_2050, %add3A_2052, %rem3A_2038 : vector<640x1xi1>, vector<640x1xi32>
    %eq3A_2054 = vector.broadcast %select_n3A_2053 : vector<640x1xi32> to vector<640x16xi32>
    %eq3A_2055 = arith.cmpi eq, %eq3A_2054, %iota3A_2031 : vector<640x16xi32>
    %jit3A_2056 = arith.constant 1.000000e+00 : f32
    %jit3A_2057 = arith.constant 0.000000e+00 : f32
    %broadcast_in_dim3A_2058 = vector.broadcast %jit3A_2056 : f32 to vector<640x16xf32>
    %broadcast_in_dim3A_2059 = vector.broadcast %jit3A_2057 : f32 to vector<640x16xf32>
    %select_n3A_2060 = arith.select %eq3A_2055, %broadcast_in_dim3A_2058, %broadcast_in_dim3A_2059 : vector<640x16xi1>, vector<640x16xf32>
    %jit3A_2061 = arith.constant 16 : i32
    %eq3A_2062 = arith.constant 0 : i32
    %eq3A_2063 = arith.cmpi eq, %jit3A_2061, %eq3A_2062 : i32
    %jit3A_2064 = arith.constant 1 : i32
    %select_n3A_2065 = arith.select %eq3A_2063, %jit3A_2064, %jit3A_2061 : i32
    %rem3A_2066 = vector.broadcast %select_n3A_2065 : i32 to vector<640x1xi32>
    %rem3A_2067 = arith.remsi %add3A_1752, %rem3A_2066 : vector<640x1xi32>
    %ne3A_2068 = arith.constant 0 : i32
    %ne3A_2069 = vector.broadcast %ne3A_2068 : i32 to vector<640x1xi32>
    %ne3A_2070 = arith.cmpi ne, %rem3A_2067, %ne3A_2069 : vector<640x1xi32>
    %lt3A_2071 = arith.constant 0 : i32
    %lt3A_2072 = vector.broadcast %lt3A_2071 : i32 to vector<640x1xi32>
    %lt3A_2073 = arith.cmpi slt, %rem3A_2067, %lt3A_2072 : vector<640x1xi32>
    %lt3A_2074 = arith.constant 0 : i32
    %lt3A_2075 = arith.cmpi slt, %select_n3A_2065, %lt3A_2074 : i32
    %ne3A_2076 = vector.broadcast %lt3A_2075 : i1 to vector<640x1xi1>
    %ne3A_2077 = vector.broadcast %ne3A_2076 : vector<640x1xi1> to vector<640x1xi1>
    %ne3A_2078 = arith.xori %lt3A_2073, %ne3A_2077 : vector<640x1xi1>
    %and3A_2079 = arith.andi %ne3A_2078, %ne3A_2070 : vector<640x1xi1>
    %add3A_2080 = vector.broadcast %select_n3A_2065 : i32 to vector<640x1xi32>
    %add3A_2081 = arith.addi %rem3A_2067, %add3A_2080 : vector<640x1xi32>
    %select_n3A_2082 = arith.select %and3A_2079, %add3A_2081, %rem3A_2067 : vector<640x1xi1>, vector<640x1xi32>
    %eq3A_2083 = vector.broadcast %select_n3A_2082 : vector<640x1xi32> to vector<640x16xi32>
    %eq3A_2084 = arith.cmpi eq, %eq3A_2083, %iota3A_2031 : vector<640x16xi32>
    %jit3A_2085 = arith.constant 1.000000e+00 : f32
    %jit3A_2086 = arith.constant 0.000000e+00 : f32
    %broadcast_in_dim3A_2087 = vector.broadcast %jit3A_2085 : f32 to vector<640x16xf32>
    %broadcast_in_dim3A_2088 = vector.broadcast %jit3A_2086 : f32 to vector<640x16xf32>
    %select_n3A_2089 = arith.select %eq3A_2084, %broadcast_in_dim3A_2087, %broadcast_in_dim3A_2088 : vector<640x16xi1>, vector<640x16xf32>
    %jit3A_2090 = arith.constant 16 : i32
    %eq3A_2091 = arith.constant 0 : i32
    %eq3A_2092 = arith.cmpi eq, %jit3A_2090, %eq3A_2091 : i32
    %jit3A_2093 = arith.constant 1 : i32
    %select_n3A_2094 = arith.select %eq3A_2092, %jit3A_2093, %jit3A_2090 : i32
    %rem3A_2095 = vector.broadcast %select_n3A_2094 : i32 to vector<640x1xi32>
    %rem3A_2096 = arith.remsi %add3A_1770, %rem3A_2095 : vector<640x1xi32>
    %ne3A_2097 = arith.constant 0 : i32
    %ne3A_2098 = vector.broadcast %ne3A_2097 : i32 to vector<640x1xi32>
    %ne3A_2099 = arith.cmpi ne, %rem3A_2096, %ne3A_2098 : vector<640x1xi32>
    %lt3A_2100 = arith.constant 0 : i32
    %lt3A_2101 = vector.broadcast %lt3A_2100 : i32 to vector<640x1xi32>
    %lt3A_2102 = arith.cmpi slt, %rem3A_2096, %lt3A_2101 : vector<640x1xi32>
    %lt3A_2103 = arith.constant 0 : i32
    %lt3A_2104 = arith.cmpi slt, %select_n3A_2094, %lt3A_2103 : i32
    %ne3A_2105 = vector.broadcast %lt3A_2104 : i1 to vector<640x1xi1>
    %ne3A_2106 = vector.broadcast %ne3A_2105 : vector<640x1xi1> to vector<640x1xi1>
    %ne3A_2107 = arith.xori %lt3A_2102, %ne3A_2106 : vector<640x1xi1>
    %and3A_2108 = arith.andi %ne3A_2107, %ne3A_2099 : vector<640x1xi1>
    %add3A_2109 = vector.broadcast %select_n3A_2094 : i32 to vector<640x1xi32>
    %add3A_2110 = arith.addi %rem3A_2096, %add3A_2109 : vector<640x1xi32>
    %select_n3A_2111 = arith.select %and3A_2108, %add3A_2110, %rem3A_2096 : vector<640x1xi1>, vector<640x1xi32>
    %eq3A_2112 = vector.broadcast %select_n3A_2111 : vector<640x1xi32> to vector<640x16xi32>
    %eq3A_2113 = arith.cmpi eq, %eq3A_2112, %iota3A_2031 : vector<640x16xi32>
    %jit3A_2114 = arith.constant 1.000000e+00 : f32
    %jit3A_2115 = arith.constant 0.000000e+00 : f32
    %broadcast_in_dim3A_2116 = vector.broadcast %jit3A_2114 : f32 to vector<640x16xf32>
    %broadcast_in_dim3A_2117 = vector.broadcast %jit3A_2115 : f32 to vector<640x16xf32>
    %select_n3A_2118 = arith.select %eq3A_2113, %broadcast_in_dim3A_2116, %broadcast_in_dim3A_2117 : vector<640x16xi1>, vector<640x16xf32>
    %jit3A_2119 = arith.constant 16 : i32
    %eq3A_2120 = arith.constant 0 : i32
    %eq3A_2121 = arith.cmpi eq, %jit3A_2119, %eq3A_2120 : i32
    %jit3A_2122 = arith.constant 1 : i32
    %select_n3A_2123 = arith.select %eq3A_2121, %jit3A_2122, %jit3A_2119 : i32
    %rem3A_2124 = vector.broadcast %select_n3A_2123 : i32 to vector<640x1xi32>
    %rem3A_2125 = arith.remsi %add3A_1788, %rem3A_2124 : vector<640x1xi32>
    %ne3A_2126 = arith.constant 0 : i32
    %ne3A_2127 = vector.broadcast %ne3A_2126 : i32 to vector<640x1xi32>
    %ne3A_2128 = arith.cmpi ne, %rem3A_2125, %ne3A_2127 : vector<640x1xi32>
    %lt3A_2129 = arith.constant 0 : i32
    %lt3A_2130 = vector.broadcast %lt3A_2129 : i32 to vector<640x1xi32>
    %lt3A_2131 = arith.cmpi slt, %rem3A_2125, %lt3A_2130 : vector<640x1xi32>
    %lt3A_2132 = arith.constant 0 : i32
    %lt3A_2133 = arith.cmpi slt, %select_n3A_2123, %lt3A_2132 : i32
    %ne3A_2134 = vector.broadcast %lt3A_2133 : i1 to vector<640x1xi1>
    %ne3A_2135 = vector.broadcast %ne3A_2134 : vector<640x1xi1> to vector<640x1xi1>
    %ne3A_2136 = arith.xori %lt3A_2131, %ne3A_2135 : vector<640x1xi1>
    %and3A_2137 = arith.andi %ne3A_2136, %ne3A_2128 : vector<640x1xi1>
    %add3A_2138 = vector.broadcast %select_n3A_2123 : i32 to vector<640x1xi32>
    %add3A_2139 = arith.addi %rem3A_2125, %add3A_2138 : vector<640x1xi32>
    %select_n3A_2140 = arith.select %and3A_2137, %add3A_2139, %rem3A_2125 : vector<640x1xi1>, vector<640x1xi32>
    %eq3A_2141 = vector.broadcast %select_n3A_2140 : vector<640x1xi32> to vector<640x16xi32>
    %eq3A_2142 = arith.cmpi eq, %eq3A_2141, %iota3A_2031 : vector<640x16xi32>
    %jit3A_2143 = arith.constant 1.000000e+00 : f32
    %jit3A_2144 = arith.constant 0.000000e+00 : f32
    %broadcast_in_dim3A_2145 = vector.broadcast %jit3A_2143 : f32 to vector<640x16xf32>
    %broadcast_in_dim3A_2146 = vector.broadcast %jit3A_2144 : f32 to vector<640x16xf32>
    %select_n3A_2147 = arith.select %eq3A_2142, %broadcast_in_dim3A_2145, %broadcast_in_dim3A_2146 : vector<640x16xi1>, vector<640x16xf32>
    %jit3A_2148 = arith.constant 16 : i32
    %eq3A_2149 = arith.constant 0 : i32
    %eq3A_2150 = arith.cmpi eq, %jit3A_2148, %eq3A_2149 : i32
    %jit3A_2151 = arith.constant 1 : i32
    %select_n3A_2152 = arith.select %eq3A_2150, %jit3A_2151, %jit3A_2148 : i32
    %rem3A_2153 = vector.broadcast %select_n3A_2152 : i32 to vector<640x1xi32>
    %rem3A_2154 = arith.remsi %add3A_1806, %rem3A_2153 : vector<640x1xi32>
    %ne3A_2155 = arith.constant 0 : i32
    %ne3A_2156 = vector.broadcast %ne3A_2155 : i32 to vector<640x1xi32>
    %ne3A_2157 = arith.cmpi ne, %rem3A_2154, %ne3A_2156 : vector<640x1xi32>
    %lt3A_2158 = arith.constant 0 : i32
    %lt3A_2159 = vector.broadcast %lt3A_2158 : i32 to vector<640x1xi32>
    %lt3A_2160 = arith.cmpi slt, %rem3A_2154, %lt3A_2159 : vector<640x1xi32>
    %lt3A_2161 = arith.constant 0 : i32
    %lt3A_2162 = arith.cmpi slt, %select_n3A_2152, %lt3A_2161 : i32
    %ne3A_2163 = vector.broadcast %lt3A_2162 : i1 to vector<640x1xi1>
    %ne3A_2164 = vector.broadcast %ne3A_2163 : vector<640x1xi1> to vector<640x1xi1>
    %ne3A_2165 = arith.xori %lt3A_2160, %ne3A_2164 : vector<640x1xi1>
    %and3A_2166 = arith.andi %ne3A_2165, %ne3A_2157 : vector<640x1xi1>
    %add3A_2167 = vector.broadcast %select_n3A_2152 : i32 to vector<640x1xi32>
    %add3A_2168 = arith.addi %rem3A_2154, %add3A_2167 : vector<640x1xi32>
    %select_n3A_2169 = arith.select %and3A_2166, %add3A_2168, %rem3A_2154 : vector<640x1xi1>, vector<640x1xi32>
    %eq3A_2170 = vector.broadcast %select_n3A_2169 : vector<640x1xi32> to vector<640x16xi32>
    %eq3A_2171 = arith.cmpi eq, %eq3A_2170, %iota3A_2031 : vector<640x16xi32>
    %jit3A_2172 = arith.constant 1.000000e+00 : f32
    %jit3A_2173 = arith.constant 0.000000e+00 : f32
    %broadcast_in_dim3A_2174 = vector.broadcast %jit3A_2172 : f32 to vector<640x16xf32>
    %broadcast_in_dim3A_2175 = vector.broadcast %jit3A_2173 : f32 to vector<640x16xf32>
    %select_n3A_2176 = arith.select %eq3A_2171, %broadcast_in_dim3A_2174, %broadcast_in_dim3A_2175 : vector<640x16xi1>, vector<640x16xf32>
    %concatenate3A_2177 = tpu.concatenate %select_n3A_2060, %select_n3A_2089, %select_n3A_2118, %select_n3A_2147, %select_n3A_2176 in 0 : vector<640x16xf32>, vector<640x16xf32>, vector<640x16xf32>, vector<640x16xf32>, vector<640x16xf32> -> vector<3200x16xf32>
    %swap3A_2178 = arith.constant 0 : index
    %swap3A_2179 = arith.constant 0 : index
    %swap3A_2180 = vector.load %arg4[%swap3A_2178, %swap3A_2179] : memref<3200x16xf32, #tpu.memory_space<vmem>>, vector<3200x16xf32>
    tpu.vector_store %arg4[%swap3A_2178, %swap3A_2179], %concatenate3A_2177 {strides = array<i32>} : memref<3200x16xf32, #tpu.memory_space<vmem>>, vector<3200x16xf32>,
    %iota3A_2181 = tpu.iota {dimensions = array<i32: 1>} : vector<640x16xi32>
    %jit3A_2182 = arith.constant 16 : i32
    %eq3A_2183 = arith.constant 0 : i32
    %eq3A_2184 = arith.cmpi eq, %jit3A_2182, %eq3A_2183 : i32
    %jit3A_2185 = arith.constant 1 : i32
    %select_n3A_2186 = arith.select %eq3A_2184, %jit3A_2185, %jit3A_2182 : i32
    %rem3A_2187 = vector.broadcast %select_n3A_2186 : i32 to vector<640x1xi32>
    %rem3A_2188 = arith.remsi %add3A_1846, %rem3A_2187 : vector<640x1xi32>
    %ne3A_2189 = arith.constant 0 : i32
    %ne3A_2190 = vector.broadcast %ne3A_2189 : i32 to vector<640x1xi32>
    %ne3A_2191 = arith.cmpi ne, %rem3A_2188, %ne3A_2190 : vector<640x1xi32>
    %lt3A_2192 = arith.constant 0 : i32
    %lt3A_2193 = vector.broadcast %lt3A_2192 : i32 to vector<640x1xi32>
    %lt3A_2194 = arith.cmpi slt, %rem3A_2188, %lt3A_2193 : vector<640x1xi32>
    %lt3A_2195 = arith.constant 0 : i32
    %lt3A_2196 = arith.cmpi slt, %select_n3A_2186, %lt3A_2195 : i32
    %ne3A_2197 = vector.broadcast %lt3A_2196 : i1 to vector<640x1xi1>
    %ne3A_2198 = vector.broadcast %ne3A_2197 : vector<640x1xi1> to vector<640x1xi1>
    %ne3A_2199 = arith.xori %lt3A_2194, %ne3A_2198 : vector<640x1xi1>
    %and3A_2200 = arith.andi %ne3A_2199, %ne3A_2191 : vector<640x1xi1>
    %add3A_2201 = vector.broadcast %select_n3A_2186 : i32 to vector<640x1xi32>
    %add3A_2202 = arith.addi %rem3A_2188, %add3A_2201 : vector<640x1xi32>
    %select_n3A_2203 = arith.select %and3A_2200, %add3A_2202, %rem3A_2188 : vector<640x1xi1>, vector<640x1xi32>
    %eq3A_2204 = vector.broadcast %select_n3A_2203 : vector<640x1xi32> to vector<640x16xi32>
    %eq3A_2205 = arith.cmpi eq, %eq3A_2204, %iota3A_2181 : vector<640x16xi32>
    %jit3A_2206 = arith.constant 1.000000e+00 : f32
    %jit3A_2207 = arith.constant 0.000000e+00 : f32
    %broadcast_in_dim3A_2208 = vector.broadcast %jit3A_2206 : f32 to vector<640x16xf32>
    %broadcast_in_dim3A_2209 = vector.broadcast %jit3A_2207 : f32 to vector<640x16xf32>
    %select_n3A_2210 = arith.select %eq3A_2205, %broadcast_in_dim3A_2208, %broadcast_in_dim3A_2209 : vector<640x16xi1>, vector<640x16xf32>
    %jit3A_2211 = arith.constant 16 : i32
    %eq3A_2212 = arith.constant 0 : i32
    %eq3A_2213 = arith.cmpi eq, %jit3A_2211, %eq3A_2212 : i32
    %jit3A_2214 = arith.constant 1 : i32
    %select_n3A_2215 = arith.select %eq3A_2213, %jit3A_2214, %jit3A_2211 : i32
    %rem3A_2216 = vector.broadcast %select_n3A_2215 : i32 to vector<640x1xi32>
    %rem3A_2217 = arith.remsi %add3A_1864, %rem3A_2216 : vector<640x1xi32>
    %ne3A_2218 = arith.constant 0 : i32
    %ne3A_2219 = vector.broadcast %ne3A_2218 : i32 to vector<640x1xi32>
    %ne3A_2220 = arith.cmpi ne, %rem3A_2217, %ne3A_2219 : vector<640x1xi32>
    %lt3A_2221 = arith.constant 0 : i32
    %lt3A_2222 = vector.broadcast %lt3A_2221 : i32 to vector<640x1xi32>
    %lt3A_2223 = arith.cmpi slt, %rem3A_2217, %lt3A_2222 : vector<640x1xi32>
    %lt3A_2224 = arith.constant 0 : i32
    %lt3A_2225 = arith.cmpi slt, %select_n3A_2215, %lt3A_2224 : i32
    %ne3A_2226 = vector.broadcast %lt3A_2225 : i1 to vector<640x1xi1>
    %ne3A_2227 = vector.broadcast %ne3A_2226 : vector<640x1xi1> to vector<640x1xi1>
    %ne3A_2228 = arith.xori %lt3A_2223, %ne3A_2227 : vector<640x1xi1>
    %and3A_2229 = arith.andi %ne3A_2228, %ne3A_2220 : vector<640x1xi1>
    %add3A_2230 = vector.broadcast %select_n3A_2215 : i32 to vector<640x1xi32>
    %add3A_2231 = arith.addi %rem3A_2217, %add3A_2230 : vector<640x1xi32>
    %select_n3A_2232 = arith.select %and3A_2229, %add3A_2231, %rem3A_2217 : vector<640x1xi1>, vector<640x1xi32>
    %eq3A_2233 = vector.broadcast %select_n3A_2232 : vector<640x1xi32> to vector<640x16xi32>
    %eq3A_2234 = arith.cmpi eq, %eq3A_2233, %iota3A_2181 : vector<640x16xi32>
    %jit3A_2235 = arith.constant 1.000000e+00 : f32
    %jit3A_2236 = arith.constant 0.000000e+00 : f32
    %broadcast_in_dim3A_2237 = vector.broadcast %jit3A_2235 : f32 to vector<640x16xf32>
    %broadcast_in_dim3A_2238 = vector.broadcast %jit3A_2236 : f32 to vector<640x16xf32>
    %select_n3A_2239 = arith.select %eq3A_2234, %broadcast_in_dim3A_2237, %broadcast_in_dim3A_2238 : vector<640x16xi1>, vector<640x16xf32>
    %jit3A_2240 = arith.constant 16 : i32
    %eq3A_2241 = arith.constant 0 : i32
    %eq3A_2242 = arith.cmpi eq, %jit3A_2240, %eq3A_2241 : i32
    %jit3A_2243 = arith.constant 1 : i32
    %select_n3A_2244 = arith.select %eq3A_2242, %jit3A_2243, %jit3A_2240 : i32
    %rem3A_2245 = vector.broadcast %select_n3A_2244 : i32 to vector<640x1xi32>
    %rem3A_2246 = arith.remsi %add3A_1882, %rem3A_2245 : vector<640x1xi32>
    %ne3A_2247 = arith.constant 0 : i32
    %ne3A_2248 = vector.broadcast %ne3A_2247 : i32 to vector<640x1xi32>
    %ne3A_2249 = arith.cmpi ne, %rem3A_2246, %ne3A_2248 : vector<640x1xi32>
    %lt3A_2250 = arith.constant 0 : i32
    %lt3A_2251 = vector.broadcast %lt3A_2250 : i32 to vector<640x1xi32>
    %lt3A_2252 = arith.cmpi slt, %rem3A_2246, %lt3A_2251 : vector<640x1xi32>
    %lt3A_2253 = arith.constant 0 : i32
    %lt3A_2254 = arith.cmpi slt, %select_n3A_2244, %lt3A_2253 : i32
    %ne3A_2255 = vector.broadcast %lt3A_2254 : i1 to vector<640x1xi1>
    %ne3A_2256 = vector.broadcast %ne3A_2255 : vector<640x1xi1> to vector<640x1xi1>
    %ne3A_2257 = arith.xori %lt3A_2252, %ne3A_2256 : vector<640x1xi1>
    %and3A_2258 = arith.andi %ne3A_2257, %ne3A_2249 : vector<640x1xi1>
    %add3A_2259 = vector.broadcast %select_n3A_2244 : i32 to vector<640x1xi32>
    %add3A_2260 = arith.addi %rem3A_2246, %add3A_2259 : vector<640x1xi32>
    %select_n3A_2261 = arith.select %and3A_2258, %add3A_2260, %rem3A_2246 : vector<640x1xi1>, vector<640x1xi32>
    %eq3A_2262 = vector.broadcast %select_n3A_2261 : vector<640x1xi32> to vector<640x16xi32>
    %eq3A_2263 = arith.cmpi eq, %eq3A_2262, %iota3A_2181 : vector<640x16xi32>
    %jit3A_2264 = arith.constant 1.000000e+00 : f32
    %jit3A_2265 = arith.constant 0.000000e+00 : f32
    %broadcast_in_dim3A_2266 = vector.broadcast %jit3A_2264 : f32 to vector<640x16xf32>
    %broadcast_in_dim3A_2267 = vector.broadcast %jit3A_2265 : f32 to vector<640x16xf32>
    %select_n3A_2268 = arith.select %eq3A_2263, %broadcast_in_dim3A_2266, %broadcast_in_dim3A_2267 : vector<640x16xi1>, vector<640x16xf32>
    %jit3A_2269 = arith.constant 16 : i32
    %eq3A_2270 = arith.constant 0 : i32
    %eq3A_2271 = arith.cmpi eq, %jit3A_2269, %eq3A_2270 : i32
    %jit3A_2272 = arith.constant 1 : i32
    %select_n3A_2273 = arith.select %eq3A_2271, %jit3A_2272, %jit3A_2269 : i32
    %rem3A_2274 = vector.broadcast %select_n3A_2273 : i32 to vector<640x1xi32>
    %rem3A_2275 = arith.remsi %add3A_1900, %rem3A_2274 : vector<640x1xi32>
    %ne3A_2276 = arith.constant 0 : i32
    %ne3A_2277 = vector.broadcast %ne3A_2276 : i32 to vector<640x1xi32>
    %ne3A_2278 = arith.cmpi ne, %rem3A_2275, %ne3A_2277 : vector<640x1xi32>
    %lt3A_2279 = arith.constant 0 : i32
    %lt3A_2280 = vector.broadcast %lt3A_2279 : i32 to vector<640x1xi32>
    %lt3A_2281 = arith.cmpi slt, %rem3A_2275, %lt3A_2280 : vector<640x1xi32>
    %lt3A_2282 = arith.constant 0 : i32
    %lt3A_2283 = arith.cmpi slt, %select_n3A_2273, %lt3A_2282 : i32
    %ne3A_2284 = vector.broadcast %lt3A_2283 : i1 to vector<640x1xi1>
    %ne3A_2285 = vector.broadcast %ne3A_2284 : vector<640x1xi1> to vector<640x1xi1>
    %ne3A_2286 = arith.xori %lt3A_2281, %ne3A_2285 : vector<640x1xi1>
    %and3A_2287 = arith.andi %ne3A_2286, %ne3A_2278 : vector<640x1xi1>
    %add3A_2288 = vector.broadcast %select_n3A_2273 : i32 to vector<640x1xi32>
    %add3A_2289 = arith.addi %rem3A_2275, %add3A_2288 : vector<640x1xi32>
    %select_n3A_2290 = arith.select %and3A_2287, %add3A_2289, %rem3A_2275 : vector<640x1xi1>, vector<640x1xi32>
    %eq3A_2291 = vector.broadcast %select_n3A_2290 : vector<640x1xi32> to vector<640x16xi32>
    %eq3A_2292 = arith.cmpi eq, %eq3A_2291, %iota3A_2181 : vector<640x16xi32>
    %jit3A_2293 = arith.constant 1.000000e+00 : f32
    %jit3A_2294 = arith.constant 0.000000e+00 : f32
    %broadcast_in_dim3A_2295 = vector.broadcast %jit3A_2293 : f32 to vector<640x16xf32>
    %broadcast_in_dim3A_2296 = vector.broadcast %jit3A_2294 : f32 to vector<640x16xf32>
    %select_n3A_2297 = arith.select %eq3A_2292, %broadcast_in_dim3A_2295, %broadcast_in_dim3A_2296 : vector<640x16xi1>, vector<640x16xf32>
    %jit3A_2298 = arith.constant 16 : i32
    %eq3A_2299 = arith.constant 0 : i32
    %eq3A_2300 = arith.cmpi eq, %jit3A_2298, %eq3A_2299 : i32
    %jit3A_2301 = arith.constant 1 : i32
    %select_n3A_2302 = arith.select %eq3A_2300, %jit3A_2301, %jit3A_2298 : i32
    %rem3A_2303 = vector.broadcast %select_n3A_2302 : i32 to vector<640x1xi32>
    %rem3A_2304 = arith.remsi %add3A_1918, %rem3A_2303 : vector<640x1xi32>
    %ne3A_2305 = arith.constant 0 : i32
    %ne3A_2306 = vector.broadcast %ne3A_2305 : i32 to vector<640x1xi32>
    %ne3A_2307 = arith.cmpi ne, %rem3A_2304, %ne3A_2306 : vector<640x1xi32>
    %lt3A_2308 = arith.constant 0 : i32
    %lt3A_2309 = vector.broadcast %lt3A_2308 : i32 to vector<640x1xi32>
    %lt3A_2310 = arith.cmpi slt, %rem3A_2304, %lt3A_2309 : vector<640x1xi32>
    %lt3A_2311 = arith.constant 0 : i32
    %lt3A_2312 = arith.cmpi slt, %select_n3A_2302, %lt3A_2311 : i32
    %ne3A_2313 = vector.broadcast %lt3A_2312 : i1 to vector<640x1xi1>
    %ne3A_2314 = vector.broadcast %ne3A_2313 : vector<640x1xi1> to vector<640x1xi1>
    %ne3A_2315 = arith.xori %lt3A_2310, %ne3A_2314 : vector<640x1xi1>
    %and3A_2316 = arith.andi %ne3A_2315, %ne3A_2307 : vector<640x1xi1>
    %add3A_2317 = vector.broadcast %select_n3A_2302 : i32 to vector<640x1xi32>
    %add3A_2318 = arith.addi %rem3A_2304, %add3A_2317 : vector<640x1xi32>
    %select_n3A_2319 = arith.select %and3A_2316, %add3A_2318, %rem3A_2304 : vector<640x1xi1>, vector<640x1xi32>
    %eq3A_2320 = vector.broadcast %select_n3A_2319 : vector<640x1xi32> to vector<640x16xi32>
    %eq3A_2321 = arith.cmpi eq, %eq3A_2320, %iota3A_2181 : vector<640x16xi32>
    %jit3A_2322 = arith.constant 1.000000e+00 : f32
    %jit3A_2323 = arith.constant 0.000000e+00 : f32
    %broadcast_in_dim3A_2324 = vector.broadcast %jit3A_2322 : f32 to vector<640x16xf32>
    %broadcast_in_dim3A_2325 = vector.broadcast %jit3A_2323 : f32 to vector<640x16xf32>
    %select_n3A_2326 = arith.select %eq3A_2321, %broadcast_in_dim3A_2324, %broadcast_in_dim3A_2325 : vector<640x16xi1>, vector<640x16xf32>
    %concatenate3A_2327 = tpu.concatenate %select_n3A_2210, %select_n3A_2239, %select_n3A_2268, %select_n3A_2297, %select_n3A_2326 in 0 : vector<640x16xf32>, vector<640x16xf32>, vector<640x16xf32>, vector<640x16xf32>, vector<640x16xf32> -> vector<3200x16xf32>
    %swap3A_2328 = arith.constant 0 : index
    %swap3A_2329 = arith.constant 0 : index
    %swap3A_2330 = vector.load %arg5[%swap3A_2328, %swap3A_2329] : memref<3200x16xf32, #tpu.memory_space<vmem>>, vector<3200x16xf32>
    tpu.vector_store %arg5[%swap3A_2328, %swap3A_2329], %concatenate3A_2327 {strides = array<i32>} : memref<3200x16xf32, #tpu.memory_space<vmem>>, vector<3200x16xf32>,
    %iota3A_2331 = tpu.iota {dimensions = array<i32: 1>} : vector<640x16xi32>
    %jit3A_2332 = arith.constant 16 : i32
    %eq3A_2333 = arith.constant 0 : i32
    %eq3A_2334 = arith.cmpi eq, %jit3A_2332, %eq3A_2333 : i32
    %jit3A_2335 = arith.constant 1 : i32
    %select_n3A_2336 = arith.select %eq3A_2334, %jit3A_2335, %jit3A_2332 : i32
    %rem3A_2337 = vector.broadcast %select_n3A_2336 : i32 to vector<640x1xi32>
    %rem3A_2338 = arith.remsi %add3A_1958, %rem3A_2337 : vector<640x1xi32>
    %ne3A_2339 = arith.constant 0 : i32
    %ne3A_2340 = vector.broadcast %ne3A_2339 : i32 to vector<640x1xi32>
    %ne3A_2341 = arith.cmpi ne, %rem3A_2338, %ne3A_2340 : vector<640x1xi32>
    %lt3A_2342 = arith.constant 0 : i32
    %lt3A_2343 = vector.broadcast %lt3A_2342 : i32 to vector<640x1xi32>
    %lt3A_2344 = arith.cmpi slt, %rem3A_2338, %lt3A_2343 : vector<640x1xi32>
    %lt3A_2345 = arith.constant 0 : i32
    %lt3A_2346 = arith.cmpi slt, %select_n3A_2336, %lt3A_2345 : i32
    %ne3A_2347 = vector.broadcast %lt3A_2346 : i1 to vector<640x1xi1>
    %ne3A_2348 = vector.broadcast %ne3A_2347 : vector<640x1xi1> to vector<640x1xi1>
    %ne3A_2349 = arith.xori %lt3A_2344, %ne3A_2348 : vector<640x1xi1>
    %and3A_2350 = arith.andi %ne3A_2349, %ne3A_2341 : vector<640x1xi1>
    %add3A_2351 = vector.broadcast %select_n3A_2336 : i32 to vector<640x1xi32>
    %add3A_2352 = arith.addi %rem3A_2338, %add3A_2351 : vector<640x1xi32>
    %select_n3A_2353 = arith.select %and3A_2350, %add3A_2352, %rem3A_2338 : vector<640x1xi1>, vector<640x1xi32>
    %eq3A_2354 = vector.broadcast %select_n3A_2353 : vector<640x1xi32> to vector<640x16xi32>
    %eq3A_2355 = arith.cmpi eq, %eq3A_2354, %iota3A_2331 : vector<640x16xi32>
    %jit3A_2356 = arith.constant 1.000000e+00 : f32
    %jit3A_2357 = arith.constant 0.000000e+00 : f32
    %broadcast_in_dim3A_2358 = vector.broadcast %jit3A_2356 : f32 to vector<640x16xf32>
    %broadcast_in_dim3A_2359 = vector.broadcast %jit3A_2357 : f32 to vector<640x16xf32>
    %select_n3A_2360 = arith.select %eq3A_2355, %broadcast_in_dim3A_2358, %broadcast_in_dim3A_2359 : vector<640x16xi1>, vector<640x16xf32>
    %jit3A_2361 = arith.constant 16 : i32
    %eq3A_2362 = arith.constant 0 : i32
    %eq3A_2363 = arith.cmpi eq, %jit3A_2361, %eq3A_2362 : i32
    %jit3A_2364 = arith.constant 1 : i32
    %select_n3A_2365 = arith.select %eq3A_2363, %jit3A_2364, %jit3A_2361 : i32
    %rem3A_2366 = vector.broadcast %select_n3A_2365 : i32 to vector<640x1xi32>
    %rem3A_2367 = arith.remsi %add3A_1976, %rem3A_2366 : vector<640x1xi32>
    %ne3A_2368 = arith.constant 0 : i32
    %ne3A_2369 = vector.broadcast %ne3A_2368 : i32 to vector<640x1xi32>
    %ne3A_2370 = arith.cmpi ne, %rem3A_2367, %ne3A_2369 : vector<640x1xi32>
    %lt3A_2371 = arith.constant 0 : i32
    %lt3A_2372 = vector.broadcast %lt3A_2371 : i32 to vector<640x1xi32>
    %lt3A_2373 = arith.cmpi slt, %rem3A_2367, %lt3A_2372 : vector<640x1xi32>
    %lt3A_2374 = arith.constant 0 : i32
    %lt3A_2375 = arith.cmpi slt, %select_n3A_2365, %lt3A_2374 : i32
    %ne3A_2376 = vector.broadcast %lt3A_2375 : i1 to vector<640x1xi1>
    %ne3A_2377 = vector.broadcast %ne3A_2376 : vector<640x1xi1> to vector<640x1xi1>
    %ne3A_2378 = arith.xori %lt3A_2373, %ne3A_2377 : vector<640x1xi1>
    %and3A_2379 = arith.andi %ne3A_2378, %ne3A_2370 : vector<640x1xi1>
    %add3A_2380 = vector.broadcast %select_n3A_2365 : i32 to vector<640x1xi32>
    %add3A_2381 = arith.addi %rem3A_2367, %add3A_2380 : vector<640x1xi32>
    %select_n3A_2382 = arith.select %and3A_2379, %add3A_2381, %rem3A_2367 : vector<640x1xi1>, vector<640x1xi32>
    %eq3A_2383 = vector.broadcast %select_n3A_2382 : vector<640x1xi32> to vector<640x16xi32>
    %eq3A_2384 = arith.cmpi eq, %eq3A_2383, %iota3A_2331 : vector<640x16xi32>
    %jit3A_2385 = arith.constant 1.000000e+00 : f32
    %jit3A_2386 = arith.constant 0.000000e+00 : f32
    %broadcast_in_dim3A_2387 = vector.broadcast %jit3A_2385 : f32 to vector<640x16xf32>
    %broadcast_in_dim3A_2388 = vector.broadcast %jit3A_2386 : f32 to vector<640x16xf32>
    %select_n3A_2389 = arith.select %eq3A_2384, %broadcast_in_dim3A_2387, %broadcast_in_dim3A_2388 : vector<640x16xi1>, vector<640x16xf32>
    %jit3A_2390 = arith.constant 16 : i32
    %eq3A_2391 = arith.constant 0 : i32
    %eq3A_2392 = arith.cmpi eq, %jit3A_2390, %eq3A_2391 : i32
    %jit3A_2393 = arith.constant 1 : i32
    %select_n3A_2394 = arith.select %eq3A_2392, %jit3A_2393, %jit3A_2390 : i32
    %rem3A_2395 = vector.broadcast %select_n3A_2394 : i32 to vector<640x1xi32>
    %rem3A_2396 = arith.remsi %add3A_1994, %rem3A_2395 : vector<640x1xi32>
    %ne3A_2397 = arith.constant 0 : i32
    %ne3A_2398 = vector.broadcast %ne3A_2397 : i32 to vector<640x1xi32>
    %ne3A_2399 = arith.cmpi ne, %rem3A_2396, %ne3A_2398 : vector<640x1xi32>
    %lt3A_2400 = arith.constant 0 : i32
    %lt3A_2401 = vector.broadcast %lt3A_2400 : i32 to vector<640x1xi32>
    %lt3A_2402 = arith.cmpi slt, %rem3A_2396, %lt3A_2401 : vector<640x1xi32>
    %lt3A_2403 = arith.constant 0 : i32
    %lt3A_2404 = arith.cmpi slt, %select_n3A_2394, %lt3A_2403 : i32
    %ne3A_2405 = vector.broadcast %lt3A_2404 : i1 to vector<640x1xi1>
    %ne3A_2406 = vector.broadcast %ne3A_2405 : vector<640x1xi1> to vector<640x1xi1>
    %ne3A_2407 = arith.xori %lt3A_2402, %ne3A_2406 : vector<640x1xi1>
    %and3A_2408 = arith.andi %ne3A_2407, %ne3A_2399 : vector<640x1xi1>
    %add3A_2409 = vector.broadcast %select_n3A_2394 : i32 to vector<640x1xi32>
    %add3A_2410 = arith.addi %rem3A_2396, %add3A_2409 : vector<640x1xi32>
    %select_n3A_2411 = arith.select %and3A_2408, %add3A_2410, %rem3A_2396 : vector<640x1xi1>, vector<640x1xi32>
    %eq3A_2412 = vector.broadcast %select_n3A_2411 : vector<640x1xi32> to vector<640x16xi32>
    %eq3A_2413 = arith.cmpi eq, %eq3A_2412, %iota3A_2331 : vector<640x16xi32>
    %jit3A_2414 = arith.constant 1.000000e+00 : f32
    %jit3A_2415 = arith.constant 0.000000e+00 : f32
    %broadcast_in_dim3A_2416 = vector.broadcast %jit3A_2414 : f32 to vector<640x16xf32>
    %broadcast_in_dim3A_2417 = vector.broadcast %jit3A_2415 : f32 to vector<640x16xf32>
    %select_n3A_2418 = arith.select %eq3A_2413, %broadcast_in_dim3A_2416, %broadcast_in_dim3A_2417 : vector<640x16xi1>, vector<640x16xf32>
    %jit3A_2419 = arith.constant 16 : i32
    %eq3A_2420 = arith.constant 0 : i32
    %eq3A_2421 = arith.cmpi eq, %jit3A_2419, %eq3A_2420 : i32
    %jit3A_2422 = arith.constant 1 : i32
    %select_n3A_2423 = arith.select %eq3A_2421, %jit3A_2422, %jit3A_2419 : i32
    %rem3A_2424 = vector.broadcast %select_n3A_2423 : i32 to vector<640x1xi32>
    %rem3A_2425 = arith.remsi %add3A_2012, %rem3A_2424 : vector<640x1xi32>
    %ne3A_2426 = arith.constant 0 : i32
    %ne3A_2427 = vector.broadcast %ne3A_2426 : i32 to vector<640x1xi32>
    %ne3A_2428 = arith.cmpi ne, %rem3A_2425, %ne3A_2427 : vector<640x1xi32>
    %lt3A_2429 = arith.constant 0 : i32
    %lt3A_2430 = vector.broadcast %lt3A_2429 : i32 to vector<640x1xi32>
    %lt3A_2431 = arith.cmpi slt, %rem3A_2425, %lt3A_2430 : vector<640x1xi32>
    %lt3A_2432 = arith.constant 0 : i32
    %lt3A_2433 = arith.cmpi slt, %select_n3A_2423, %lt3A_2432 : i32
    %ne3A_2434 = vector.broadcast %lt3A_2433 : i1 to vector<640x1xi1>
    %ne3A_2435 = vector.broadcast %ne3A_2434 : vector<640x1xi1> to vector<640x1xi1>
    %ne3A_2436 = arith.xori %lt3A_2431, %ne3A_2435 : vector<640x1xi1>
    %and3A_2437 = arith.andi %ne3A_2436, %ne3A_2428 : vector<640x1xi1>
    %add3A_2438 = vector.broadcast %select_n3A_2423 : i32 to vector<640x1xi32>
    %add3A_2439 = arith.addi %rem3A_2425, %add3A_2438 : vector<640x1xi32>
    %select_n3A_2440 = arith.select %and3A_2437, %add3A_2439, %rem3A_2425 : vector<640x1xi1>, vector<640x1xi32>
    %eq3A_2441 = vector.broadcast %select_n3A_2440 : vector<640x1xi32> to vector<640x16xi32>
    %eq3A_2442 = arith.cmpi eq, %eq3A_2441, %iota3A_2331 : vector<640x16xi32>
    %jit3A_2443 = arith.constant 1.000000e+00 : f32
    %jit3A_2444 = arith.constant 0.000000e+00 : f32
    %broadcast_in_dim3A_2445 = vector.broadcast %jit3A_2443 : f32 to vector<640x16xf32>
    %broadcast_in_dim3A_2446 = vector.broadcast %jit3A_2444 : f32 to vector<640x16xf32>
    %select_n3A_2447 = arith.select %eq3A_2442, %broadcast_in_dim3A_2445, %broadcast_in_dim3A_2446 : vector<640x16xi1>, vector<640x16xf32>
    %jit3A_2448 = arith.constant 16 : i32
    %eq3A_2449 = arith.constant 0 : i32
    %eq3A_2450 = arith.cmpi eq, %jit3A_2448, %eq3A_2449 : i32
    %jit3A_2451 = arith.constant 1 : i32
    %select_n3A_2452 = arith.select %eq3A_2450, %jit3A_2451, %jit3A_2448 : i32
    %rem3A_2453 = vector.broadcast %select_n3A_2452 : i32 to vector<640x1xi32>
    %rem3A_2454 = arith.remsi %add3A_2030, %rem3A_2453 : vector<640x1xi32>
    %ne3A_2455 = arith.constant 0 : i32
    %ne3A_2456 = vector.broadcast %ne3A_2455 : i32 to vector<640x1xi32>
    %ne3A_2457 = arith.cmpi ne, %rem3A_2454, %ne3A_2456 : vector<640x1xi32>
    %lt3A_2458 = arith.constant 0 : i32
    %lt3A_2459 = vector.broadcast %lt3A_2458 : i32 to vector<640x1xi32>
    %lt3A_2460 = arith.cmpi slt, %rem3A_2454, %lt3A_2459 : vector<640x1xi32>
    %lt3A_2461 = arith.constant 0 : i32
    %lt3A_2462 = arith.cmpi slt, %select_n3A_2452, %lt3A_2461 : i32
    %ne3A_2463 = vector.broadcast %lt3A_2462 : i1 to vector<640x1xi1>
    %ne3A_2464 = vector.broadcast %ne3A_2463 : vector<640x1xi1> to vector<640x1xi1>
    %ne3A_2465 = arith.xori %lt3A_2460, %ne3A_2464 : vector<640x1xi1>
    %and3A_2466 = arith.andi %ne3A_2465, %ne3A_2457 : vector<640x1xi1>
    %add3A_2467 = vector.broadcast %select_n3A_2452 : i32 to vector<640x1xi32>
    %add3A_2468 = arith.addi %rem3A_2454, %add3A_2467 : vector<640x1xi32>
    %select_n3A_2469 = arith.select %and3A_2466, %add3A_2468, %rem3A_2454 : vector<640x1xi1>, vector<640x1xi32>
    %eq3A_2470 = vector.broadcast %select_n3A_2469 : vector<640x1xi32> to vector<640x16xi32>
    %eq3A_2471 = arith.cmpi eq, %eq3A_2470, %iota3A_2331 : vector<640x16xi32>
    %jit3A_2472 = arith.constant 1.000000e+00 : f32
    %jit3A_2473 = arith.constant 0.000000e+00 : f32
    %broadcast_in_dim3A_2474 = vector.broadcast %jit3A_2472 : f32 to vector<640x16xf32>
    %broadcast_in_dim3A_2475 = vector.broadcast %jit3A_2473 : f32 to vector<640x16xf32>
    %select_n3A_2476 = arith.select %eq3A_2471, %broadcast_in_dim3A_2474, %broadcast_in_dim3A_2475 : vector<640x16xi1>, vector<640x16xf32>
    %concatenate3A_2477 = tpu.concatenate %select_n3A_2360, %select_n3A_2389, %select_n3A_2418, %select_n3A_2447, %select_n3A_2476 in 0 : vector<640x16xf32>, vector<640x16xf32>, vector<640x16xf32>, vector<640x16xf32>, vector<640x16xf32> -> vector<3200x16xf32>
    %swap3A_2478 = arith.constant 0 : index
    %swap3A_2479 = arith.constant 0 : index
    %swap3A_2480 = vector.load %arg6[%swap3A_2478, %swap3A_2479] : memref<3200x16xf32, #tpu.memory_space<vmem>>, vector<3200x16xf32>
    tpu.vector_store %arg6[%swap3A_2478, %swap3A_2479], %concatenate3A_2477 {strides = array<i32>} : memref<3200x16xf32, #tpu.memory_space<vmem>>, vector<3200x16xf32>,
    return
  }
}

module attributes {stable_mosaic.version = 14 : i64} {
  func.func @_main_body(%arg0: memref<96x169xf32, #tpu.memory_space<vmem>>, %arg1: memref<96x676xf32, #tpu.memory_space<vmem>>, %arg2: memref<96x2704xf32, #tpu.memory_space<vmem>>, %arg3: memref<3200x16xf32, #tpu.memory_space<vmem>>, %arg4: memref<3200x16xf32, #tpu.memory_space<vmem>>, %arg5: memref<3200x16xf32, #tpu.memory_space<vmem>>, %arg6: memref<3200x16xf32, #tpu.memory_space<vmem>>, %arg7: memref<3200x16xf32, #tpu.memory_space<vmem>>, %arg8: memref<3200x16xf32, #tpu.memory_space<vmem>>, %arg9: memref<640x8xf32, #tpu.memory_space<vmem>>, %arg10: memref<1x4xf32, #tpu.memory_space<vmem>>) attributes {dimension_semantics = [], scalar_prefetch = 0 : i64, scratch_operands = 0 : i64, tpu.core_type = #tpu.core_type<tc>} {
    %get3A = arith.constant 0 : index
    %get3A_0 = arith.constant 0 : index
    %get3A_1 = vector.load %arg9[%get3A, %get3A_0] : memref<640x8xf32, #tpu.memory_space<vmem>>, vector<640x8xf32>
    %slice3A = vector.extract_strided_slice %get3A_1 {offsets = [0, 0], sizes = [640, 1], strides = [1, 1]} : vector<640x8xf32> to vector<640x1xf32>
    %slice3A_2 = vector.extract_strided_slice %get3A_1 {offsets = [0, 1], sizes = [640, 1], strides = [1, 1]} : vector<640x8xf32> to vector<640x1xf32>
    %slice3A_3 = vector.extract_strided_slice %get3A_1 {offsets = [0, 2], sizes = [640, 1], strides = [1, 1]} : vector<640x8xf32> to vector<640x1xf32>
    %slice3A_4 = vector.extract_strided_slice %get3A_1 {offsets = [0, 3], sizes = [640, 1], strides = [1, 1]} : vector<640x8xf32> to vector<640x1xf32>
    %slice3A_5 = vector.extract_strided_slice %get3A_1 {offsets = [0, 4], sizes = [640, 1], strides = [1, 1]} : vector<640x8xf32> to vector<640x1xf32>
    %slice3A_6 = vector.extract_strided_slice %get3A_1 {offsets = [0, 5], sizes = [640, 1], strides = [1, 1]} : vector<640x8xf32> to vector<640x1xf32>
    %get3A_7 = arith.constant 0 : index
    %get3A_8 = arith.constant 0 : index
    %get3A_9 = vector.load %arg0[%get3A_7, %get3A_8] : memref<96x169xf32, #tpu.memory_space<vmem>>, vector<96x169xf32>
    %max3A = arith.constant 0.000000e+00 : f32
    %max3A_10 = vector.broadcast %max3A : f32 to vector<96x169xf32>
    %max3A_11 = arith.maximumf %get3A_9, %max3A_10 : vector<96x169xf32>
    %abs3A = math.absf %get3A_9 : vector<96x169xf32>
    %neg3A = arith.constant 0.000000e+00 : f32
    %neg3A_12 = vector.broadcast %neg3A : f32 to vector<96x169xf32>
    %neg3A_13 = arith.subf %neg3A_12, %abs3A : vector<96x169xf32>
    %exp3A = math.exp %neg3A_13 : vector<96x169xf32>
    %add3A = arith.constant 1.000000e+00 : f32
    %add3A_14 = vector.broadcast %add3A : f32 to vector<96x169xf32>
    %add3A_15 = arith.addf %add3A_14, %exp3A : vector<96x169xf32>
    %log3A = math.log %add3A_15 : vector<96x169xf32>
    %add3A_16 = arith.addf %max3A_11, %log3A : vector<96x169xf32>
    %reduce_sum3A = vector.shape_cast %add3A_16 : vector<96x169xf32> to vector<1x96x169xf32>
    %reduce_sum3A_17 = arith.constant dense<0.000000e+00> : vector<1xf32>
    %reduce_sum3A_18 = vector.multi_reduction <add>, %reduce_sum3A, %reduce_sum3A_17 [1, 2] : vector<1x96x169xf32> to vector<1xf32>
    %reduce_sum3A_19 = vector.shape_cast %reduce_sum3A_18 : vector<1xf32> to vector<1x1x1xf32>
    %reduce_sum3A_20 = vector.extract %reduce_sum3A_19[0, 0, 0] : f32 from vector<1x1x1xf32>
    %get3A_21 = arith.constant 0 : index
    %get3A_22 = arith.constant 0 : index
    %get3A_23 = vector.load %arg3[%get3A_21, %get3A_22] : memref<3200x16xf32, #tpu.memory_space<vmem>>, vector<3200x16xf32>
    %get3A_24 = arith.constant 0 : index
    %get3A_25 = arith.constant 0 : index
    %get3A_26 = vector.load %arg6[%get3A_24, %get3A_25] : memref<3200x16xf32, #tpu.memory_space<vmem>>, vector<3200x16xf32>
    %mul3A = arith.mulf %get3A_23, %get3A_26 : vector<3200x16xf32>
    %reduce_sum3A_27 = arith.constant dense<0.000000e+00> : vector<3200xf32>
    %reduce_sum3A_28 = vector.multi_reduction <add>, %mul3A, %reduce_sum3A_27 [1] : vector<3200x16xf32> to vector<3200xf32>
    %broadcast_in_dim3A = vector.shape_cast %reduce_sum3A_28 : vector<3200xf32> to vector<3200x1xf32>
    %slice3A_29 = vector.extract_strided_slice %broadcast_in_dim3A {offsets = [0, 0], sizes = [640, 1], strides = [1, 1]} : vector<3200x1xf32> to vector<640x1xf32>
    %slice3A_30 = vector.extract_strided_slice %broadcast_in_dim3A {offsets = [640, 0], sizes = [640, 1], strides = [1, 1]} : vector<3200x1xf32> to vector<640x1xf32>
    %slice3A_31 = vector.extract_strided_slice %broadcast_in_dim3A {offsets = [1280, 0], sizes = [640, 1], strides = [1, 1]} : vector<3200x1xf32> to vector<640x1xf32>
    %slice3A_32 = vector.extract_strided_slice %broadcast_in_dim3A {offsets = [1920, 0], sizes = [640, 1], strides = [1, 1]} : vector<3200x1xf32> to vector<640x1xf32>
    %slice3A_33 = vector.extract_strided_slice %broadcast_in_dim3A {offsets = [2560, 0], sizes = [640, 1], strides = [1, 1]} : vector<3200x1xf32> to vector<640x1xf32>
    %eq3A = arith.constant 0.000000e+00 : f32
    %eq3A_34 = vector.broadcast %eq3A : f32 to vector<640x1xf32>
    %eq3A_35 = arith.cmpf oeq, %slice3A, %eq3A_34 : vector<640x1xf32>
    %jit3A = arith.constant 0.000000e+00 : f32
    %broadcast_in_dim3A_36 = vector.broadcast %jit3A : f32 to vector<640x1xf32>
    %select_n3A = arith.select %eq3A_35, %slice3A_2, %broadcast_in_dim3A_36 : vector<640x1xi1>, vector<640x1xf32>
    %reduce_sum3A_37 = vector.shape_cast %select_n3A : vector<640x1xf32> to vector<1x640x1xf32>
    %reduce_sum3A_38 = arith.constant dense<0.000000e+00> : vector<1xf32>
    %reduce_sum3A_39 = vector.multi_reduction <add>, %reduce_sum3A_37, %reduce_sum3A_38 [1, 2] : vector<1x640x1xf32> to vector<1xf32>
    %reduce_sum3A_40 = vector.shape_cast %reduce_sum3A_39 : vector<1xf32> to vector<1x1x1xf32>
    %reduce_sum3A_41 = vector.extract %reduce_sum3A_40[0, 0, 0] : f32 from vector<1x1x1xf32>
    %neg3A_42 = arith.constant 0.000000e+00 : f32
    %neg3A_43 = vector.broadcast %neg3A_42 : f32 to vector<640x1xf32>
    %neg3A_44 = arith.subf %neg3A_43, %slice3A_29 : vector<640x1xf32>
    %exp3A_45 = math.exp %neg3A_44 : vector<640x1xf32>
    %add3A_46 = arith.constant 1.000000e+00 : f32
    %add3A_47 = vector.broadcast %add3A_46 : f32 to vector<640x1xf32>
    %add3A_48 = arith.addf %add3A_47, %exp3A_45 : vector<640x1xf32>
    %div3A = arith.constant 1.000000e+00 : f32
    %div3A_49 = vector.broadcast %div3A : f32 to vector<640x1xf32>
    %div3A_50 = arith.divf %div3A_49, %add3A_48 : vector<640x1xf32>
    %neg3A_51 = arith.constant 0.000000e+00 : f32
    %neg3A_52 = vector.broadcast %neg3A_51 : f32 to vector<640x1xf32>
    %neg3A_53 = arith.subf %neg3A_52, %slice3A_30 : vector<640x1xf32>
    %exp3A_54 = math.exp %neg3A_53 : vector<640x1xf32>
    %add3A_55 = arith.constant 1.000000e+00 : f32
    %add3A_56 = vector.broadcast %add3A_55 : f32 to vector<640x1xf32>
    %add3A_57 = arith.addf %add3A_56, %exp3A_54 : vector<640x1xf32>
    %div3A_58 = arith.constant 1.000000e+00 : f32
    %div3A_59 = vector.broadcast %div3A_58 : f32 to vector<640x1xf32>
    %div3A_60 = arith.divf %div3A_59, %add3A_57 : vector<640x1xf32>
    %sub3A = arith.subf %div3A_50, %slice3A_3 : vector<640x1xf32>
    %integer_pow3A = arith.mulf %sub3A, %sub3A : vector<640x1xf32>
    %sub3A_61 = arith.subf %div3A_60, %slice3A_4 : vector<640x1xf32>
    %integer_pow3A_62 = arith.mulf %sub3A_61, %sub3A_61 : vector<640x1xf32>
    %add3A_63 = arith.addf %integer_pow3A, %integer_pow3A_62 : vector<640x1xf32>
    %sub3A_64 = arith.subf %slice3A_31, %slice3A_5 : vector<640x1xf32>
    %integer_pow3A_65 = arith.mulf %sub3A_64, %sub3A_64 : vector<640x1xf32>
    %add3A_66 = arith.addf %add3A_63, %integer_pow3A_65 : vector<640x1xf32>
    %sub3A_67 = arith.subf %slice3A_32, %slice3A_6 : vector<640x1xf32>
    %integer_pow3A_68 = arith.mulf %sub3A_67, %sub3A_67 : vector<640x1xf32>
    %add3A_69 = arith.addf %add3A_66, %integer_pow3A_68 : vector<640x1xf32>
    %mul3A_70 = arith.mulf %select_n3A, %add3A_69 : vector<640x1xf32>
    %reduce_sum3A_71 = vector.shape_cast %mul3A_70 : vector<640x1xf32> to vector<1x640x1xf32>
    %reduce_sum3A_72 = arith.constant dense<0.000000e+00> : vector<1xf32>
    %reduce_sum3A_73 = vector.multi_reduction <add>, %reduce_sum3A_71, %reduce_sum3A_72 [1, 2] : vector<1x640x1xf32> to vector<1xf32>
    %reduce_sum3A_74 = vector.shape_cast %reduce_sum3A_73 : vector<1xf32> to vector<1x1x1xf32>
    %reduce_sum3A_75 = vector.extract %reduce_sum3A_74[0, 0, 0] : f32 from vector<1x1x1xf32>
    %abs3A_76 = math.absf %slice3A_33 : vector<640x1xf32>
    %neg3A_77 = arith.constant 0.000000e+00 : f32
    %neg3A_78 = vector.broadcast %neg3A_77 : f32 to vector<640x1xf32>
    %neg3A_79 = arith.subf %neg3A_78, %abs3A_76 : vector<640x1xf32>
    %exp3A_80 = math.exp %neg3A_79 : vector<640x1xf32>
    %add3A_81 = arith.constant 1.000000e+00 : f32
    %add3A_82 = vector.broadcast %add3A_81 : f32 to vector<640x1xf32>
    %add3A_83 = arith.addf %add3A_82, %exp3A_80 : vector<640x1xf32>
    %log3A_84 = math.log %add3A_83 : vector<640x1xf32>
    %max3A_85 = arith.constant 0.000000e+00 : f32
    %max3A_86 = vector.broadcast %max3A_85 : f32 to vector<640x1xf32>
    %max3A_87 = arith.maximumf %slice3A_33, %max3A_86 : vector<640x1xf32>
    %sub3A_88 = arith.subf %max3A_87, %slice3A_33 : vector<640x1xf32>
    %add3A_89 = arith.addf %sub3A_88, %log3A_84 : vector<640x1xf32>
    %mul3A_90 = arith.mulf %select_n3A, %add3A_89 : vector<640x1xf32>
    %reduce_sum3A_91 = vector.shape_cast %mul3A_90 : vector<640x1xf32> to vector<1x640x1xf32>
    %reduce_sum3A_92 = arith.constant dense<0.000000e+00> : vector<1xf32>
    %reduce_sum3A_93 = vector.multi_reduction <add>, %reduce_sum3A_91, %reduce_sum3A_92 [1, 2] : vector<1x640x1xf32> to vector<1xf32>
    %reduce_sum3A_94 = vector.shape_cast %reduce_sum3A_93 : vector<1xf32> to vector<1x1x1xf32>
    %reduce_sum3A_95 = vector.extract %reduce_sum3A_94[0, 0, 0] : f32 from vector<1x1x1xf32>
    %add3A_96 = arith.addf %max3A_87, %log3A_84 : vector<640x1xf32>
    %mul3A_97 = arith.mulf %select_n3A, %add3A_96 : vector<640x1xf32>
    %reduce_sum3A_98 = vector.shape_cast %mul3A_97 : vector<640x1xf32> to vector<1x640x1xf32>
    %reduce_sum3A_99 = arith.constant dense<0.000000e+00> : vector<1xf32>
    %reduce_sum3A_100 = vector.multi_reduction <add>, %reduce_sum3A_98, %reduce_sum3A_99 [1, 2] : vector<1x640x1xf32> to vector<1xf32>
    %reduce_sum3A_101 = vector.shape_cast %reduce_sum3A_100 : vector<1xf32> to vector<1x1x1xf32>
    %reduce_sum3A_102 = vector.extract %reduce_sum3A_101[0, 0, 0] : f32 from vector<1x1x1xf32>
    %max3A_103 = arith.constant 1.000000e+00 : f32
    %max3A_104 = arith.maximumf %reduce_sum3A_41, %max3A_103 : f32
    %div3A_105 = arith.divf %reduce_sum3A_75, %max3A_104 : f32
    %add3A_106 = arith.constant 0.000000e+00 : f32
    %add3A_107 = arith.addf %add3A_106, %div3A_105 : f32
    %div3A_108 = arith.divf %reduce_sum3A_95, %max3A_104 : f32
    %add3A_109 = arith.constant 0.000000e+00 : f32
    %add3A_110 = arith.addf %add3A_109, %div3A_108 : f32
    %sub3A_111 = arith.subf %reduce_sum3A_20, %reduce_sum3A_102 : f32
    %mul3A_112 = arith.constant 2.500000e-01 : f32
    %mul3A_113 = arith.mulf %mul3A_112, %sub3A_111 : f32
    %sub3A_114 = arith.constant 1.622400e+04 : f32
    %sub3A_115 = arith.subf %sub3A_114, %reduce_sum3A_41 : f32
    %max3A_116 = arith.constant 1.000000e+00 : f32
    %max3A_117 = arith.maximumf %sub3A_115, %max3A_116 : f32
    %div3A_118 = arith.divf %mul3A_113, %max3A_117 : f32
    %add3A_119 = arith.addf %add3A_110, %div3A_118 : f32
    %get3A_120 = arith.constant 0 : index
    %get3A_121 = arith.constant 0 : index
    %get3A_122 = vector.load %arg1[%get3A_120, %get3A_121] : memref<96x676xf32, #tpu.memory_space<vmem>>, vector<96x676xf32>
    %max3A_123 = arith.constant 0.000000e+00 : f32
    %max3A_124 = vector.broadcast %max3A_123 : f32 to vector<96x676xf32>
    %max3A_125 = arith.maximumf %get3A_122, %max3A_124 : vector<96x676xf32>
    %abs3A_126 = math.absf %get3A_122 : vector<96x676xf32>
    %neg3A_127 = arith.constant 0.000000e+00 : f32
    %neg3A_128 = vector.broadcast %neg3A_127 : f32 to vector<96x676xf32>
    %neg3A_129 = arith.subf %neg3A_128, %abs3A_126 : vector<96x676xf32>
    %exp3A_130 = math.exp %neg3A_129 : vector<96x676xf32>
    %add3A_131 = arith.constant 1.000000e+00 : f32
    %add3A_132 = vector.broadcast %add3A_131 : f32 to vector<96x676xf32>
    %add3A_133 = arith.addf %add3A_132, %exp3A_130 : vector<96x676xf32>
    %log3A_134 = math.log %add3A_133 : vector<96x676xf32>
    %add3A_135 = arith.addf %max3A_125, %log3A_134 : vector<96x676xf32>
    %reduce_sum3A_136 = vector.shape_cast %add3A_135 : vector<96x676xf32> to vector<1x96x676xf32>
    %reduce_sum3A_137 = arith.constant dense<0.000000e+00> : vector<1xf32>
    %reduce_sum3A_138 = vector.multi_reduction <add>, %reduce_sum3A_136, %reduce_sum3A_137 [1, 2] : vector<1x96x676xf32> to vector<1xf32>
    %reduce_sum3A_139 = vector.shape_cast %reduce_sum3A_138 : vector<1xf32> to vector<1x1x1xf32>
    %reduce_sum3A_140 = vector.extract %reduce_sum3A_139[0, 0, 0] : f32 from vector<1x1x1xf32>
    %get3A_141 = arith.constant 0 : index
    %get3A_142 = arith.constant 0 : index
    %get3A_143 = vector.load %arg4[%get3A_141, %get3A_142] : memref<3200x16xf32, #tpu.memory_space<vmem>>, vector<3200x16xf32>
    %get3A_144 = arith.constant 0 : index
    %get3A_145 = arith.constant 0 : index
    %get3A_146 = vector.load %arg7[%get3A_144, %get3A_145] : memref<3200x16xf32, #tpu.memory_space<vmem>>, vector<3200x16xf32>
    %mul3A_147 = arith.mulf %get3A_143, %get3A_146 : vector<3200x16xf32>
    %reduce_sum3A_148 = arith.constant dense<0.000000e+00> : vector<3200xf32>
    %reduce_sum3A_149 = vector.multi_reduction <add>, %mul3A_147, %reduce_sum3A_148 [1] : vector<3200x16xf32> to vector<3200xf32>
    %broadcast_in_dim3A_150 = vector.shape_cast %reduce_sum3A_149 : vector<3200xf32> to vector<3200x1xf32>
    %slice3A_151 = vector.extract_strided_slice %broadcast_in_dim3A_150 {offsets = [0, 0], sizes = [640, 1], strides = [1, 1]} : vector<3200x1xf32> to vector<640x1xf32>
    %slice3A_152 = vector.extract_strided_slice %broadcast_in_dim3A_150 {offsets = [640, 0], sizes = [640, 1], strides = [1, 1]} : vector<3200x1xf32> to vector<640x1xf32>
    %slice3A_153 = vector.extract_strided_slice %broadcast_in_dim3A_150 {offsets = [1280, 0], sizes = [640, 1], strides = [1, 1]} : vector<3200x1xf32> to vector<640x1xf32>
    %slice3A_154 = vector.extract_strided_slice %broadcast_in_dim3A_150 {offsets = [1920, 0], sizes = [640, 1], strides = [1, 1]} : vector<3200x1xf32> to vector<640x1xf32>
    %slice3A_155 = vector.extract_strided_slice %broadcast_in_dim3A_150 {offsets = [2560, 0], sizes = [640, 1], strides = [1, 1]} : vector<3200x1xf32> to vector<640x1xf32>
    %eq3A_156 = arith.constant 1.000000e+00 : f32
    %eq3A_157 = vector.broadcast %eq3A_156 : f32 to vector<640x1xf32>
    %eq3A_158 = arith.cmpf oeq, %slice3A, %eq3A_157 : vector<640x1xf32>
    %jit3A_159 = arith.constant 0.000000e+00 : f32
    %broadcast_in_dim3A_160 = vector.broadcast %jit3A_159 : f32 to vector<640x1xf32>
    %select_n3A_161 = arith.select %eq3A_158, %slice3A_2, %broadcast_in_dim3A_160 : vector<640x1xi1>, vector<640x1xf32>
    %reduce_sum3A_162 = vector.shape_cast %select_n3A_161 : vector<640x1xf32> to vector<1x640x1xf32>
    %reduce_sum3A_163 = arith.constant dense<0.000000e+00> : vector<1xf32>
    %reduce_sum3A_164 = vector.multi_reduction <add>, %reduce_sum3A_162, %reduce_sum3A_163 [1, 2] : vector<1x640x1xf32> to vector<1xf32>
    %reduce_sum3A_165 = vector.shape_cast %reduce_sum3A_164 : vector<1xf32> to vector<1x1x1xf32>
    %reduce_sum3A_166 = vector.extract %reduce_sum3A_165[0, 0, 0] : f32 from vector<1x1x1xf32>
    %neg3A_167 = arith.constant 0.000000e+00 : f32
    %neg3A_168 = vector.broadcast %neg3A_167 : f32 to vector<640x1xf32>
    %neg3A_169 = arith.subf %neg3A_168, %slice3A_151 : vector<640x1xf32>
    %exp3A_170 = math.exp %neg3A_169 : vector<640x1xf32>
    %add3A_171 = arith.constant 1.000000e+00 : f32
    %add3A_172 = vector.broadcast %add3A_171 : f32 to vector<640x1xf32>
    %add3A_173 = arith.addf %add3A_172, %exp3A_170 : vector<640x1xf32>
    %div3A_174 = arith.constant 1.000000e+00 : f32
    %div3A_175 = vector.broadcast %div3A_174 : f32 to vector<640x1xf32>
    %div3A_176 = arith.divf %div3A_175, %add3A_173 : vector<640x1xf32>
    %neg3A_177 = arith.constant 0.000000e+00 : f32
    %neg3A_178 = vector.broadcast %neg3A_177 : f32 to vector<640x1xf32>
    %neg3A_179 = arith.subf %neg3A_178, %slice3A_152 : vector<640x1xf32>
    %exp3A_180 = math.exp %neg3A_179 : vector<640x1xf32>
    %add3A_181 = arith.constant 1.000000e+00 : f32
    %add3A_182 = vector.broadcast %add3A_181 : f32 to vector<640x1xf32>
    %add3A_183 = arith.addf %add3A_182, %exp3A_180 : vector<640x1xf32>
    %div3A_184 = arith.constant 1.000000e+00 : f32
    %div3A_185 = vector.broadcast %div3A_184 : f32 to vector<640x1xf32>
    %div3A_186 = arith.divf %div3A_185, %add3A_183 : vector<640x1xf32>
    %sub3A_187 = arith.subf %div3A_176, %slice3A_3 : vector<640x1xf32>
    %integer_pow3A_188 = arith.mulf %sub3A_187, %sub3A_187 : vector<640x1xf32>
    %sub3A_189 = arith.subf %div3A_186, %slice3A_4 : vector<640x1xf32>
    %integer_pow3A_190 = arith.mulf %sub3A_189, %sub3A_189 : vector<640x1xf32>
    %add3A_191 = arith.addf %integer_pow3A_188, %integer_pow3A_190 : vector<640x1xf32>
    %sub3A_192 = arith.subf %slice3A_153, %slice3A_5 : vector<640x1xf32>
    %integer_pow3A_193 = arith.mulf %sub3A_192, %sub3A_192 : vector<640x1xf32>
    %add3A_194 = arith.addf %add3A_191, %integer_pow3A_193 : vector<640x1xf32>
    %sub3A_195 = arith.subf %slice3A_154, %slice3A_6 : vector<640x1xf32>
    %integer_pow3A_196 = arith.mulf %sub3A_195, %sub3A_195 : vector<640x1xf32>
    %add3A_197 = arith.addf %add3A_194, %integer_pow3A_196 : vector<640x1xf32>
    %mul3A_198 = arith.mulf %select_n3A_161, %add3A_197 : vector<640x1xf32>
    %reduce_sum3A_199 = vector.shape_cast %mul3A_198 : vector<640x1xf32> to vector<1x640x1xf32>
    %reduce_sum3A_200 = arith.constant dense<0.000000e+00> : vector<1xf32>
    %reduce_sum3A_201 = vector.multi_reduction <add>, %reduce_sum3A_199, %reduce_sum3A_200 [1, 2] : vector<1x640x1xf32> to vector<1xf32>
    %reduce_sum3A_202 = vector.shape_cast %reduce_sum3A_201 : vector<1xf32> to vector<1x1x1xf32>
    %reduce_sum3A_203 = vector.extract %reduce_sum3A_202[0, 0, 0] : f32 from vector<1x1x1xf32>
    %abs3A_204 = math.absf %slice3A_155 : vector<640x1xf32>
    %neg3A_205 = arith.constant 0.000000e+00 : f32
    %neg3A_206 = vector.broadcast %neg3A_205 : f32 to vector<640x1xf32>
    %neg3A_207 = arith.subf %neg3A_206, %abs3A_204 : vector<640x1xf32>
    %exp3A_208 = math.exp %neg3A_207 : vector<640x1xf32>
    %add3A_209 = arith.constant 1.000000e+00 : f32
    %add3A_210 = vector.broadcast %add3A_209 : f32 to vector<640x1xf32>
    %add3A_211 = arith.addf %add3A_210, %exp3A_208 : vector<640x1xf32>
    %log3A_212 = math.log %add3A_211 : vector<640x1xf32>
    %max3A_213 = arith.constant 0.000000e+00 : f32
    %max3A_214 = vector.broadcast %max3A_213 : f32 to vector<640x1xf32>
    %max3A_215 = arith.maximumf %slice3A_155, %max3A_214 : vector<640x1xf32>
    %sub3A_216 = arith.subf %max3A_215, %slice3A_155 : vector<640x1xf32>
    %add3A_217 = arith.addf %sub3A_216, %log3A_212 : vector<640x1xf32>
    %mul3A_218 = arith.mulf %select_n3A_161, %add3A_217 : vector<640x1xf32>
    %reduce_sum3A_219 = vector.shape_cast %mul3A_218 : vector<640x1xf32> to vector<1x640x1xf32>
    %reduce_sum3A_220 = arith.constant dense<0.000000e+00> : vector<1xf32>
    %reduce_sum3A_221 = vector.multi_reduction <add>, %reduce_sum3A_219, %reduce_sum3A_220 [1, 2] : vector<1x640x1xf32> to vector<1xf32>
    %reduce_sum3A_222 = vector.shape_cast %reduce_sum3A_221 : vector<1xf32> to vector<1x1x1xf32>
    %reduce_sum3A_223 = vector.extract %reduce_sum3A_222[0, 0, 0] : f32 from vector<1x1x1xf32>
    %add3A_224 = arith.addf %max3A_215, %log3A_212 : vector<640x1xf32>
    %mul3A_225 = arith.mulf %select_n3A_161, %add3A_224 : vector<640x1xf32>
    %reduce_sum3A_226 = vector.shape_cast %mul3A_225 : vector<640x1xf32> to vector<1x640x1xf32>
    %reduce_sum3A_227 = arith.constant dense<0.000000e+00> : vector<1xf32>
    %reduce_sum3A_228 = vector.multi_reduction <add>, %reduce_sum3A_226, %reduce_sum3A_227 [1, 2] : vector<1x640x1xf32> to vector<1xf32>
    %reduce_sum3A_229 = vector.shape_cast %reduce_sum3A_228 : vector<1xf32> to vector<1x1x1xf32>
    %reduce_sum3A_230 = vector.extract %reduce_sum3A_229[0, 0, 0] : f32 from vector<1x1x1xf32>
    %max3A_231 = arith.constant 1.000000e+00 : f32
    %max3A_232 = arith.maximumf %reduce_sum3A_166, %max3A_231 : f32
    %div3A_233 = arith.divf %reduce_sum3A_203, %max3A_232 : f32
    %add3A_234 = arith.addf %add3A_107, %div3A_233 : f32
    %div3A_235 = arith.divf %reduce_sum3A_223, %max3A_232 : f32
    %add3A_236 = arith.addf %add3A_119, %div3A_235 : f32
    %sub3A_237 = arith.subf %reduce_sum3A_140, %reduce_sum3A_230 : f32
    %mul3A_238 = arith.constant 2.500000e-01 : f32
    %mul3A_239 = arith.mulf %mul3A_238, %sub3A_237 : f32
    %sub3A_240 = arith.constant 6.489600e+04 : f32
    %sub3A_241 = arith.subf %sub3A_240, %reduce_sum3A_166 : f32
    %max3A_242 = arith.constant 1.000000e+00 : f32
    %max3A_243 = arith.maximumf %sub3A_241, %max3A_242 : f32
    %div3A_244 = arith.divf %mul3A_239, %max3A_243 : f32
    %add3A_245 = arith.addf %add3A_236, %div3A_244 : f32
    %get3A_246 = arith.constant 0 : index
    %get3A_247 = arith.constant 0 : index
    %get3A_248 = vector.load %arg2[%get3A_246, %get3A_247] : memref<96x2704xf32, #tpu.memory_space<vmem>>, vector<96x2704xf32>
    %max3A_249 = arith.constant 0.000000e+00 : f32
    %max3A_250 = vector.broadcast %max3A_249 : f32 to vector<96x2704xf32>
    %max3A_251 = arith.maximumf %get3A_248, %max3A_250 : vector<96x2704xf32>
    %abs3A_252 = math.absf %get3A_248 : vector<96x2704xf32>
    %neg3A_253 = arith.constant 0.000000e+00 : f32
    %neg3A_254 = vector.broadcast %neg3A_253 : f32 to vector<96x2704xf32>
    %neg3A_255 = arith.subf %neg3A_254, %abs3A_252 : vector<96x2704xf32>
    %exp3A_256 = math.exp %neg3A_255 : vector<96x2704xf32>
    %add3A_257 = arith.constant 1.000000e+00 : f32
    %add3A_258 = vector.broadcast %add3A_257 : f32 to vector<96x2704xf32>
    %add3A_259 = arith.addf %add3A_258, %exp3A_256 : vector<96x2704xf32>
    %log3A_260 = math.log %add3A_259 : vector<96x2704xf32>
    %add3A_261 = arith.addf %max3A_251, %log3A_260 : vector<96x2704xf32>
    %reduce_sum3A_262 = vector.shape_cast %add3A_261 : vector<96x2704xf32> to vector<1x96x2704xf32>
    %reduce_sum3A_263 = arith.constant dense<0.000000e+00> : vector<1xf32>
    %reduce_sum3A_264 = vector.multi_reduction <add>, %reduce_sum3A_262, %reduce_sum3A_263 [1, 2] : vector<1x96x2704xf32> to vector<1xf32>
    %reduce_sum3A_265 = vector.shape_cast %reduce_sum3A_264 : vector<1xf32> to vector<1x1x1xf32>
    %reduce_sum3A_266 = vector.extract %reduce_sum3A_265[0, 0, 0] : f32 from vector<1x1x1xf32>
    %get3A_267 = arith.constant 0 : index
    %get3A_268 = arith.constant 0 : index
    %get3A_269 = vector.load %arg5[%get3A_267, %get3A_268] : memref<3200x16xf32, #tpu.memory_space<vmem>>, vector<3200x16xf32>
    %get3A_270 = arith.constant 0 : index
    %get3A_271 = arith.constant 0 : index
    %get3A_272 = vector.load %arg8[%get3A_270, %get3A_271] : memref<3200x16xf32, #tpu.memory_space<vmem>>, vector<3200x16xf32>
    %mul3A_273 = arith.mulf %get3A_269, %get3A_272 : vector<3200x16xf32>
    %reduce_sum3A_274 = arith.constant dense<0.000000e+00> : vector<3200xf32>
    %reduce_sum3A_275 = vector.multi_reduction <add>, %mul3A_273, %reduce_sum3A_274 [1] : vector<3200x16xf32> to vector<3200xf32>
    %broadcast_in_dim3A_276 = vector.shape_cast %reduce_sum3A_275 : vector<3200xf32> to vector<3200x1xf32>
    %slice3A_277 = vector.extract_strided_slice %broadcast_in_dim3A_276 {offsets = [0, 0], sizes = [640, 1], strides = [1, 1]} : vector<3200x1xf32> to vector<640x1xf32>
    %slice3A_278 = vector.extract_strided_slice %broadcast_in_dim3A_276 {offsets = [640, 0], sizes = [640, 1], strides = [1, 1]} : vector<3200x1xf32> to vector<640x1xf32>
    %slice3A_279 = vector.extract_strided_slice %broadcast_in_dim3A_276 {offsets = [1280, 0], sizes = [640, 1], strides = [1, 1]} : vector<3200x1xf32> to vector<640x1xf32>
    %slice3A_280 = vector.extract_strided_slice %broadcast_in_dim3A_276 {offsets = [1920, 0], sizes = [640, 1], strides = [1, 1]} : vector<3200x1xf32> to vector<640x1xf32>
    %slice3A_281 = vector.extract_strided_slice %broadcast_in_dim3A_276 {offsets = [2560, 0], sizes = [640, 1], strides = [1, 1]} : vector<3200x1xf32> to vector<640x1xf32>
    %eq3A_282 = arith.constant 2.000000e+00 : f32
    %eq3A_283 = vector.broadcast %eq3A_282 : f32 to vector<640x1xf32>
    %eq3A_284 = arith.cmpf oeq, %slice3A, %eq3A_283 : vector<640x1xf32>
    %jit3A_285 = arith.constant 0.000000e+00 : f32
    %broadcast_in_dim3A_286 = vector.broadcast %jit3A_285 : f32 to vector<640x1xf32>
    %select_n3A_287 = arith.select %eq3A_284, %slice3A_2, %broadcast_in_dim3A_286 : vector<640x1xi1>, vector<640x1xf32>
    %reduce_sum3A_288 = vector.shape_cast %select_n3A_287 : vector<640x1xf32> to vector<1x640x1xf32>
    %reduce_sum3A_289 = arith.constant dense<0.000000e+00> : vector<1xf32>
    %reduce_sum3A_290 = vector.multi_reduction <add>, %reduce_sum3A_288, %reduce_sum3A_289 [1, 2] : vector<1x640x1xf32> to vector<1xf32>
    %reduce_sum3A_291 = vector.shape_cast %reduce_sum3A_290 : vector<1xf32> to vector<1x1x1xf32>
    %reduce_sum3A_292 = vector.extract %reduce_sum3A_291[0, 0, 0] : f32 from vector<1x1x1xf32>
    %neg3A_293 = arith.constant 0.000000e+00 : f32
    %neg3A_294 = vector.broadcast %neg3A_293 : f32 to vector<640x1xf32>
    %neg3A_295 = arith.subf %neg3A_294, %slice3A_277 : vector<640x1xf32>
    %exp3A_296 = math.exp %neg3A_295 : vector<640x1xf32>
    %add3A_297 = arith.constant 1.000000e+00 : f32
    %add3A_298 = vector.broadcast %add3A_297 : f32 to vector<640x1xf32>
    %add3A_299 = arith.addf %add3A_298, %exp3A_296 : vector<640x1xf32>
    %div3A_300 = arith.constant 1.000000e+00 : f32
    %div3A_301 = vector.broadcast %div3A_300 : f32 to vector<640x1xf32>
    %div3A_302 = arith.divf %div3A_301, %add3A_299 : vector<640x1xf32>
    %neg3A_303 = arith.constant 0.000000e+00 : f32
    %neg3A_304 = vector.broadcast %neg3A_303 : f32 to vector<640x1xf32>
    %neg3A_305 = arith.subf %neg3A_304, %slice3A_278 : vector<640x1xf32>
    %exp3A_306 = math.exp %neg3A_305 : vector<640x1xf32>
    %add3A_307 = arith.constant 1.000000e+00 : f32
    %add3A_308 = vector.broadcast %add3A_307 : f32 to vector<640x1xf32>
    %add3A_309 = arith.addf %add3A_308, %exp3A_306 : vector<640x1xf32>
    %div3A_310 = arith.constant 1.000000e+00 : f32
    %div3A_311 = vector.broadcast %div3A_310 : f32 to vector<640x1xf32>
    %div3A_312 = arith.divf %div3A_311, %add3A_309 : vector<640x1xf32>
    %sub3A_313 = arith.subf %div3A_302, %slice3A_3 : vector<640x1xf32>
    %integer_pow3A_314 = arith.mulf %sub3A_313, %sub3A_313 : vector<640x1xf32>
    %sub3A_315 = arith.subf %div3A_312, %slice3A_4 : vector<640x1xf32>
    %integer_pow3A_316 = arith.mulf %sub3A_315, %sub3A_315 : vector<640x1xf32>
    %add3A_317 = arith.addf %integer_pow3A_314, %integer_pow3A_316 : vector<640x1xf32>
    %sub3A_318 = arith.subf %slice3A_279, %slice3A_5 : vector<640x1xf32>
    %integer_pow3A_319 = arith.mulf %sub3A_318, %sub3A_318 : vector<640x1xf32>
    %add3A_320 = arith.addf %add3A_317, %integer_pow3A_319 : vector<640x1xf32>
    %sub3A_321 = arith.subf %slice3A_280, %slice3A_6 : vector<640x1xf32>
    %integer_pow3A_322 = arith.mulf %sub3A_321, %sub3A_321 : vector<640x1xf32>
    %add3A_323 = arith.addf %add3A_320, %integer_pow3A_322 : vector<640x1xf32>
    %mul3A_324 = arith.mulf %select_n3A_287, %add3A_323 : vector<640x1xf32>
    %reduce_sum3A_325 = vector.shape_cast %mul3A_324 : vector<640x1xf32> to vector<1x640x1xf32>
    %reduce_sum3A_326 = arith.constant dense<0.000000e+00> : vector<1xf32>
    %reduce_sum3A_327 = vector.multi_reduction <add>, %reduce_sum3A_325, %reduce_sum3A_326 [1, 2] : vector<1x640x1xf32> to vector<1xf32>
    %reduce_sum3A_328 = vector.shape_cast %reduce_sum3A_327 : vector<1xf32> to vector<1x1x1xf32>
    %reduce_sum3A_329 = vector.extract %reduce_sum3A_328[0, 0, 0] : f32 from vector<1x1x1xf32>
    %abs3A_330 = math.absf %slice3A_281 : vector<640x1xf32>
    %neg3A_331 = arith.constant 0.000000e+00 : f32
    %neg3A_332 = vector.broadcast %neg3A_331 : f32 to vector<640x1xf32>
    %neg3A_333 = arith.subf %neg3A_332, %abs3A_330 : vector<640x1xf32>
    %exp3A_334 = math.exp %neg3A_333 : vector<640x1xf32>
    %add3A_335 = arith.constant 1.000000e+00 : f32
    %add3A_336 = vector.broadcast %add3A_335 : f32 to vector<640x1xf32>
    %add3A_337 = arith.addf %add3A_336, %exp3A_334 : vector<640x1xf32>
    %log3A_338 = math.log %add3A_337 : vector<640x1xf32>
    %max3A_339 = arith.constant 0.000000e+00 : f32
    %max3A_340 = vector.broadcast %max3A_339 : f32 to vector<640x1xf32>
    %max3A_341 = arith.maximumf %slice3A_281, %max3A_340 : vector<640x1xf32>
    %sub3A_342 = arith.subf %max3A_341, %slice3A_281 : vector<640x1xf32>
    %add3A_343 = arith.addf %sub3A_342, %log3A_338 : vector<640x1xf32>
    %mul3A_344 = arith.mulf %select_n3A_287, %add3A_343 : vector<640x1xf32>
    %reduce_sum3A_345 = vector.shape_cast %mul3A_344 : vector<640x1xf32> to vector<1x640x1xf32>
    %reduce_sum3A_346 = arith.constant dense<0.000000e+00> : vector<1xf32>
    %reduce_sum3A_347 = vector.multi_reduction <add>, %reduce_sum3A_345, %reduce_sum3A_346 [1, 2] : vector<1x640x1xf32> to vector<1xf32>
    %reduce_sum3A_348 = vector.shape_cast %reduce_sum3A_347 : vector<1xf32> to vector<1x1x1xf32>
    %reduce_sum3A_349 = vector.extract %reduce_sum3A_348[0, 0, 0] : f32 from vector<1x1x1xf32>
    %add3A_350 = arith.addf %max3A_341, %log3A_338 : vector<640x1xf32>
    %mul3A_351 = arith.mulf %select_n3A_287, %add3A_350 : vector<640x1xf32>
    %reduce_sum3A_352 = vector.shape_cast %mul3A_351 : vector<640x1xf32> to vector<1x640x1xf32>
    %reduce_sum3A_353 = arith.constant dense<0.000000e+00> : vector<1xf32>
    %reduce_sum3A_354 = vector.multi_reduction <add>, %reduce_sum3A_352, %reduce_sum3A_353 [1, 2] : vector<1x640x1xf32> to vector<1xf32>
    %reduce_sum3A_355 = vector.shape_cast %reduce_sum3A_354 : vector<1xf32> to vector<1x1x1xf32>
    %reduce_sum3A_356 = vector.extract %reduce_sum3A_355[0, 0, 0] : f32 from vector<1x1x1xf32>
    %max3A_357 = arith.constant 1.000000e+00 : f32
    %max3A_358 = arith.maximumf %reduce_sum3A_292, %max3A_357 : f32
    %div3A_359 = arith.divf %reduce_sum3A_329, %max3A_358 : f32
    %add3A_360 = arith.addf %add3A_234, %div3A_359 : f32
    %div3A_361 = arith.divf %reduce_sum3A_349, %max3A_358 : f32
    %add3A_362 = arith.addf %add3A_245, %div3A_361 : f32
    %sub3A_363 = arith.subf %reduce_sum3A_266, %reduce_sum3A_356 : f32
    %mul3A_364 = arith.constant 2.500000e-01 : f32
    %mul3A_365 = arith.mulf %mul3A_364, %sub3A_363 : f32
    %sub3A_366 = arith.constant 2.595840e+05 : f32
    %sub3A_367 = arith.subf %sub3A_366, %reduce_sum3A_292 : f32
    %max3A_368 = arith.constant 1.000000e+00 : f32
    %max3A_369 = arith.maximumf %sub3A_367, %max3A_368 : f32
    %div3A_370 = arith.divf %mul3A_365, %max3A_369 : f32
    %add3A_371 = arith.addf %add3A_362, %div3A_370 : f32
    %add3A_372 = arith.addf %add3A_360, %add3A_371 : f32
    %reshape3A = vector.broadcast %add3A_372 : f32 to vector<1x1xf32>
    %reshape3A_373 = vector.broadcast %add3A_360 : f32 to vector<1x1xf32>
    %reshape3A_374 = vector.broadcast %add3A_371 : f32 to vector<1x1xf32>
    %broadcast_in_dim3A_375 = arith.constant 0.000000e+00 : f32
    %broadcast_in_dim3A_376 = vector.broadcast %broadcast_in_dim3A_375 : f32 to vector<1x1xf32>
    %concatenate3A = tpu.concatenate %reshape3A, %reshape3A_373, %reshape3A_374, %broadcast_in_dim3A_376 in 1 : vector<1x1xf32>, vector<1x1xf32>, vector<1x1xf32>, vector<1x1xf32> -> vector<1x4xf32>
    %swap3A = arith.constant 0 : index
    %swap3A_377 = arith.constant 0 : index
    %swap3A_378 = vector.load %arg10[%swap3A, %swap3A_377] : memref<1x4xf32, #tpu.memory_space<vmem>>, vector<1x4xf32>
    tpu.vector_store %arg10[%swap3A, %swap3A_377], %concatenate3A {strides = array<i32>} : memref<1x4xf32, #tpu.memory_space<vmem>>, vector<1x4xf32>,
    return
  }
}

</mosaic_0001>

<sc_bundles>
// kernel: kernel.5.cloned.1.call-start
scs
__scs_entry_jumppad:
0x0: {  	(pc) =	sbr.rel $0x88, $3  }
0x1: {  	(tag) =	ssettag $0x0;
	lr =	simm.s32 $0x1  }
0x2: {  	[smem:$0x3F9D] =	sst lr;
	_ =	strace $0xD0000000  }
0x3: {  	_ = 	snop  }
0x4: {  	_ = 	snop  }
0x5: {  	_ = 	snop  }
0x6: {  	_ = 	snop  }
0x7: {  	_ = 	snop  }
__scs_overlays_trampoline_lowered:
0x8: {  	[smem:$0x3FAC] =	sst s0  }
0x9: {  	[smem:$0x3FAD] =	sst s1  }
0xa: {  	[smem:$0x3FAE] =	sst s2  }
0xb: {  	[smem:$0x3FAF] =	sst s3  }
0xc: {  	[smem:$0x3FB0] =	sst s4  }
0xd: {  	[smem:$0x3FB1] =	sst s5  }
0xe: {  	[smem:$0x3FB2] =	sst s6  }
0xf: {  	[smem:$0x3FB3] =	sst s7  }
0x10: {  	[smem:$0x3FB4] =	sst s8  }
0x11: {  	[smem:$0x3FB5] =	sst s9;
	s0 =	simm.s32 @!p0 $0x0  }
0x12: {  	s1 =	sld [smem:$0x3F9B];
	s0 =	simm.s32 @p0 $0x1  }
0x13: {  	[smem:$0x3FB6] =	sst s0;
	s0 =	simm.s32 @!p1 $0x0  }
0x14: {  	s2 =	sld [smem:$0x3F9A];
	s0 =	simm.s32 @p1 $0x1  }
0x15: {  	[smem:$0x3FB7] =	sst s0;
	s0 =	simm.s32 @!p2 $0x0  }
0x16: {  	s3 =	sld [smem:$0x3FDB];
	s0 =	simm.s32 @p2 $0x1  }
0x17: {  	s4 =	simm.s32 $0x1BF5;
	[smem:$0x3FB9] =	sst s0  }
0x18: {  	s0 =	sld [smem:$0x3F9C];
	_ =	swait.ge [sflag:s4], $0x0  }
0x19: {  	s7 =	sld [smem:$0x3F9D]  }
0x1a: {  	s8 =	sadd.s32 $0xFFFFE003, lr  }
0x1b: {  	s9 =	sadd.s32 $0xFFFFFEF7, lr;
	s5 =	simm.s32 $0xFFFFFFFF;
	p2 =	slt.u32 s8, $0xFFFFF086  }
0x1c: {  	p1 =	slt.u32 s9, $0xF7A;
	s5 =	simm.s32 @!p2 $0x0  }
0x1d: {  	s5 =	simm.s32 @p1 $0x1;
	p0 =	seq.s32 s7, s2  }
0x1e: {  	s7 =	smul.u32 @!p0 $0xF7A, s2;
	p2 =	seq.s32 @!p0 s5, $0x0  }
0x1f: {  	s9 =	smul.u32 $0xF7A, s1;
	s8 =	simm.s32 @!p0 $0x1BF5;
	p2 =	por !p2, p0  }
0x20: {  	[sflag:s8] =	ssyncset.s32 @!p0 $0xFFFFF086;
	s6 =	sadd.s32 @!p0 s3, s7;
	s7 =	simm.s32 @!p0 $0x108  }
0x21: {  	s3 =	sadd.s32 s3, s9;
	s6 =	sadd.s32 @!p0 $0x88, s6;
	s7 =	simm.s32 @p2 $0x1082  }
0x22: {  	[simem:s7], [sflag:s8] =	dma.local @!p0 [hbm:s6], $0xF7A  }
0x23: {  	s9 =	sor.u32 $0xD0000000, s2;
	s6 =	simm.s32 $0x108;
	_ =	swait.ge @!p0 [sflag:s8], $0x0  }
0x24: {  	s3 =	sadd.s32 $0x88, s3;
	s6 =	simm.s32 @!p1 $0x1082;
	[sflag:s4] =	ssyncset.s32 $0xFFFFF086  }
0x25: {  	[simem:s6], [sflag:s4] =	dma.local [hbm:s3], $0xF7A  }
0x26: {  	[smem:$0x3F9D] =	sst s1;
	(tag) =	ssettag s2;
	_ =	strace s9  }
0x27: {  	s1 =	sld [smem:$0x3FAD]  }
0x28: {  	s2 =	sld [smem:$0x3FAE]  }
0x29: {  	s4 =	sld [smem:$0x3FB0]  }
0x2a: {  	p0 =	seq.s32 s5, $0x0;
	s5 =	sld [smem:$0x3FB1]  }
0x2b: {  	s6 =	sld [smem:$0x3FB2]  }
0x2c: {  	s7 =	sld [smem:$0x3FB3]  }
0x2d: {  	s3 =	simm.s32 $0x108;
	s8 =	sld [smem:$0x3FB4]  }
0x2e: {  	s3 =	simm.s32 @!p0 $0x1082;
	s9 =	sld [smem:$0x3FB5]  }
0x2f: {  	lr =	sadd.s32 s0, s3;
	s0 =	sld [smem:$0x3FAC]  }
0x30: {  	s3 =	sld [smem:$0x3FAF]  }
0x31: {  	[smem:$0x3FB8] =	sst s10  }
0x32: {  	s10 =	sld [smem:$0x3FB6];
	_ =	sdelay $0x3  }
0x33: {  	p0 =	seq.s32 s10, $0x1;
	s10 =	sld [smem:$0x3FB8];
	_ =	sdelay $0x3  }
0x34: {  	[smem:$0x3FB8] =	sst s10  }
0x35: {  	s10 =	sld [smem:$0x3FB7];
	_ =	sdelay $0x3  }
0x36: {  	p1 =	seq.s32 s10, $0x1;
	s10 =	sld [smem:$0x3FB8];
	_ =	sdelay $0x3  }
0x37: {  	[smem:$0x3FB8] =	sst s10  }
0x38: {  	s10 =	sld [smem:$0x3FB9]  }
0x39: {  	_ = 	snop;
	(pc) =	sbr.ind lr, $3  }
0x3a: {  	_ = 	snop  }
0x3b: {  	_ = 	snop  }
0x3c: {  	p2 =	seq.s32 s10, $0x1;
	s10 =	sld [smem:$0x3FB8]  }
0x3d: {  	_ =	shalt  }
0x3e: {  	_ =	shalt  }
0x3f: {  	_ =	shalt  }
0x40: {  	_ =	shalt  }
0x41: {  	_ =	shalt  }
0x42: {  	_ =	shalt  }
0x43: {  	_ =	shalt  }
0x44: {  	_ =	shalt  }
0x45: {  	_ =	shalt  }
0x46: {  	_ =	shalt  }
0x47: {  	_ =	shalt  }
0x48: {  	_ =	shalt  }
0x49: {  	_ =	shalt  }
0x4a: {  	_ =	shalt  }
0x4b: {  	_ =	shalt  }
0x4c: {  	_ =	shalt  }
0x4d: {  	_ =	shalt  }
0x4e: {  	_ =	shalt  }
0x4f: {  	_ =	shalt  }
0x50: {  	_ =	shalt  }
0x51: {  	_ =	shalt  }
0x52: {  	_ =	shalt  }
0x53: {  	_ =	shalt  }
0x54: {  	_ =	shalt  }
0x55: {  	_ =	shalt  }
0x56: {  	_ =	shalt  }
0x57: {  	_ =	shalt  }
0x58: {  	_ =	shalt  }
0x59: {  	_ =	shalt  }
0x5a: {  	_ =	shalt  }
0x5b: {  	_ =	shalt  }
0x5c: {  	_ =	shalt  }
0x5d: {  	_ =	shalt  }
0x5e: {  	_ =	shalt  }
0x5f: {  	_ =	shalt  }
0x60: {  	_ =	shalt  }
0x61: {  	_ =	shalt  }
0x62: {  	_ =	shalt  }
0x63: {  	_ =	shalt  }
0x64: {  	_ =	shalt  }
0x65: {  	_ =	shalt  }
0x66: {  	_ =	shalt  }
0x67: {  	_ =	shalt  }
0x68: {  	_ =	shalt  }
0x69: {  	_ =	shalt  }
0x6a: {  	_ =	shalt  }
0x6b: {  	_ =	shalt  }
0x6c: {  	_ =	shalt  }
0x6d: {  	_ =	shalt  }
0x6e: {  	_ =	shalt  }
0x6f: {  	_ =	shalt  }
0x70: {  	_ =	shalt  }
0x71: {  	_ =	shalt  }
0x72: {  	_ =	shalt  }
0x73: {  	_ =	shalt  }
0x74: {  	_ =	shalt  }
0x75: {  	_ =	shalt  }
0x76: {  	_ =	shalt  }
0x77: {  	_ =	shalt  }
0x78: {  	_ =	shalt  }
0x79: {  	_ =	shalt  }
0x7a: {  	_ =	shalt  }
0x7b: {  	_ =	shalt  }
0x7c: {  	_ =	shalt  }
0x7d: {  	_ =	shalt  }
0x7e: {  	_ =	shalt  }
0x7f: {  	_ =	shalt  }
0x80: {  	_ =	shalt  }
0x81: {  	_ =	shalt  }
0x82: {  	_ =	shalt  }
0x83: {  	_ =	shalt  }
0x84: {  	_ =	shalt  }
0x85: {  	_ =	shalt  }
0x86: {  	_ =	shalt  }
0x87: {  	_ =	shalt  }
.Lfunc_end0:
.L_simem_size_0:
called_computation_lowered:
.L_overlay_start_0:
0x88: {  	s2 =	sld [smem:$0x3FD9]  }
0x89: {  	s3 =	sld [smem:$0x3FFE];
	_ =	sdelay $0x1  }
0x8a: {  	s1 =	srdreg.scid  }
0x8b: {  	s0 =	sand.u32 $0x1, s1  }
0x8c: {  	s16 =	sshll.u32 s0, $0xA;
	s2 =	sadd.s32 s3, s2  }
0x8d: {  	s2 =	sadd.s32 s2, s16  }
0x8e: {  	[smem:$0x3FC4] =	sst s2  }
0x8f: {  	_ = 	snop  }
0x90: {  	(tm) =	ssettm $0x1  }
0x91: {  	s17 =	sld [smem:$0x3FFB];
	_ =	sdelay $0x3  }
0x92: {  	_ =	strace s17  }
0x93: {  	s2 =	sld [smem:$0x3FFC];
	_ =	sdelay $0x3  }
0x94: {  	_ =	strace s2  }
0x95: {  	s2 =	sld [smem:$0x3FFD];
	_ =	sdelay $0x3  }
0x96: {  	_ =	strace s2  }
0x97: {  	_ =	strace $0x8FFFFFFF  }
0x98: {  	s18 =	sld [smem:$0x3FDB];
	_ =	sdelay $0x1  }
0x99: {  	s19 =	simm.s32 $_scs_section_size  }
0x9a: {  	s4 =	simm.s32 $_size__tile_overlayer_lowered;
	s5 =	simm.s32 $_tile_overlayer_lowered  }
0x9b: {  	s22 =	simm.s32 $0x1BFF;
	s21 =	sshll.u32 s5, $0x1;
	s2 =	sadd.s32 s19, s18  }
0x9c: {  	s6 =	simm.s32 $0x0;
	s20 =	sshll.u32 s4, $0x1;
	s4 =	sadd.s32 s21, s2  }
0x9d: {  	[timem:s6], [sflag:s22] =	dma.local [hbm:s4], s20  }
0x9e: {  	_ =	swait.ge [sflag:s22], s20  }
0x9f: {  	s3 =	ssub.s32 $0x0, s20;
	[sflag:s22] =	ssyncset.done $0x0  }
0xa0: {  	[sflag:s22] =	ssyncadd.s32 s3;
	_ =	sdelay $0x1  }
0xa1: {  	s23 =	simm.s32 $0x1B8B  }
0xa2: {  	_ =	swait.ge [sflag:s23], $0x1  }
0xa3: {  	[sflag:s23] =	ssyncset.done $0x0  }
0xa4: {  	s25 =	simm.s32 $0x1B8E;
	s24 =	sld [smem:$0x3FFE];
	[sflag:s23] =	ssyncadd.s32 $0xFFFFFFFF  }
0xa5: {  	s26 =	simm.s32 $execute0_lowered;
	[smem:$0x3FD2] =	sst s25  }
0xa6: {  	s4 =	sshll.u32 s26, $0x1;
	_ =	strace $0x80000046;
	[dreg:$0x1] =	wrdreg $0xFFFFFFFF  }
0xa7: {  	s28 =	simm.s32 $_size_execute0_lowered;
	s2 =	sadd.s32 s2, s4;
	[dreg:$0x0] =	wrdreg $0x0  }
0xa8: {  	s4 =	sshll.u32 s28, $0x1;
	[dreg:$0x2] =	wrdreg s2  }
0xa9: {  	[dreg:$0x3] =	wrdreg s4  }
0xaa: {  	[dreg:$0x4] =	wrdreg $0xC0  }
0xab: {  	_ =	task [dreg:s6], $0x5FFFF  }
0xac: {  	[dreg:$0x1] =	wrdreg $0xFFFFFFFF  }
0xad: {  	[dreg:$0x0] =	wrdreg $0x60  }
0xae: {  	[dreg:$0x2] =	wrdreg s24  }
0xaf: {  	[dreg:$0x3] =	wrdreg $0x9  }
0xb0: {  	_ =	task.clear_ibuf [dreg:s6], $0x4FFFF;
	_ =	strace $0x90000046  }
0xb1: {  	s29 =	simm.s32 $0x9;
	_ =	strace $0x80000048  }
0xb2: {  	_ =	swait.ge [sflag:s29], $0x1  }
0xb3: {  	[sflag:s29] =	ssyncadd.s32 $0xFFFFFFFF  }
0xb4: {  	_ =	strace $0x90000048  }
0xb5: {  	_ =	sfence  }
0xb6: {  	s30 =	sld [smem:$0x0];
	_ =	sdelay $0x2  }
0xb7: {  	s31 =	sshll.u32 s1, $0xD;
	s1 =	sshrl.u32 s1, $0x2  }
0xb8: {  	s3 =	sand.u32 $0x4000, s31;
	s1 =	sadd.s32 s1, s30  }
0xb9: {  	s0 =	sor.u32 s3, s0;
	s1 =	sshll.u32 s1, $0x11  }
0xba: {  	s0 =	sor.u32 s1, s0  }
0xbb: {  	s0 =	sadd.s32 $0x8F2B, s0  }
0xbc: {  	[sflag:s0] =	ssyncadd.remote.s32 $0x1  }
0xbd: {  	_ =	sfence.sel $0xFFFF  }
0xbe: {  	[dreg:$0x0] =	wrdreg $0xFFFFFFFF;
	(pc) =	sbr.abs _section_cstart, $3  }
0xbf: {  	[dreg:$0x1] =	wrdreg $0xFFFFFFFF  }
0xc0: {  	_ =	task.clear_ibuf [dreg:s6], $0x2FFFF;
	_ =	strace $0x9FFFFFFF  }
0xc1: {  	(tm) =	ssettm $0x7FFFFFFF  }
tec
execute0_lowered:
.L_overlay_start_1:
0x0: {  	(tag) =	ssettag $0x1  }
0x1: {  	s1 =	srdreg.scid;
	s0 =	stileid.u32  }
0x2: {  	s17 =	sand.u32 $0x1, s1;
	s3 =	sshll.u32 s0, $0x1  }
0x3: {  	s9 =	sor.u32 s17, s3  }
0x4: {  	p0 =	sgt.u32 s9, $0x18  }
.Ltmp0:
0x5: {  	_ = 	snop;
	(pc) =	sbr.rel @p0 .LBB2_4-.Ltmp0, $4  }
0x6: {  	_ = 	snop  }
0x7: {  	s16 =	rddreg [dreg:$0x0];
	s2 =	simm.s32 $0x0  }
0x8: {  	[smem:$0x7FF] =	sst s2  }
0x9: {  	s1 =	rddreg [dreg:$0x1];
	_ =	strace $0x80000047  }
0xa: {  	s3 =	sadd.s32 $0x2A800, s16;
	s10 =	sshll.u32 s9, $0x4  }
0xb: {  	s4 =	sadd.s32 s3, s10;
	s3 =	simm.s32 $0x2  }
0xc: {  	[tilespmem:s2], [sflag:$0x2] =	stream.linear.gather [hbm4b:s4+s2], $0x80, $0x38;
	[tilespmem:$0x1980] =	vst v63  }
0xd: {  	_ =	swait.ge [sflag:s3], $0x80  }
0xe: {  	s5 =	sadd.s32 $0x34A00, s16;
	s6 =	simm.s32 $0x80;
	[sflag:s3] =	ssyncset.done $0x0  }
0xf: {  	s7 =	simm.s32 $0x180;
	s8 =	simm.s32 $0x1;
	[sflag:s3] =	ssyncadd.s32 $0xFFFFFF80  }
0x10: {  	[tilespmem:s7], [sflag:$0x1] =	stream.indirect.gather [hbm4b:s5+s6], $0x10, s2, s6, $0xb8;
	[tilespmem:$0x1980] =	vst v63  }
0x11: {  	s31 =	sshll.u32 s9, $0x8;
	_ =	swait.ge [sflag:s8], $0x800  }
0x12: {  	s18 =	sadd.s32 s31, s16;
	[sflag:s8] =	ssyncset.done $0x0  }
0x13: {  	s9 =	sadd.s32 $0x37200, s18;
	[sflag:s8] =	ssyncadd.s32 $0xFFFFF800  }
0x14: {  	[hbm4b:s9+s2] =	stream.linear.scatter [tilespmem:s7], [sflag:$0x2], $0x800, $0x38;
	[tilespmem:$0x1980] =	vst v63  }
0x15: {  	_ =	swait.ge [sflag:s3], $0x800  }
0x16: {  	s14 =	sadd.s32 s10, s16;
	[sflag:s3] =	ssyncset.done $0x0  }
0x17: {  	s10 =	sadd.s32 $0x2A600, s14;
	[sflag:s3] =	ssyncadd.s32 $0xFFFFF800  }
0x18: {  	[tilespmem:s6], [sflag:$0x2] =	stream.linear.gather [hbm4b:s10+s2], $0x80, $0x38;
	[tilespmem:$0x1980] =	vst v63  }
0x19: {  	_ =	swait.ge [sflag:s3], $0x80  }
0x1a: {  	[sflag:s3] =	ssyncset.done $0x0  }
0x1b: {  	s11 =	sadd.s32 $0x2AA00, s16;
	s12 =	simm.s32 $0x980;
	[sflag:s3] =	ssyncadd.s32 $0xFFFFFF80  }
0x1c: {  	[tilespmem:s12], [sflag:$0x1] =	stream.indirect.gather [hbm4b:s11+s6], $0x10, s6, s6, $0xb8;
	[tilespmem:$0x1980] =	vst v63  }
0x1d: {  	_ =	swait.ge [sflag:s8], $0x800  }
0x1e: {  	[sflag:s8] =	ssyncset.done $0x0  }
0x1f: {  	s13 =	sadd.s32 $0x38C00, s18;
	[sflag:s8] =	ssyncadd.s32 $0xFFFFF800  }
0x20: {  	[hbm4b:s13+s2] =	stream.linear.scatter [tilespmem:s12], [sflag:$0x2], $0x800, $0x38;
	[tilespmem:$0x1980] =	vst v63  }
0x21: {  	_ =	swait.ge [sflag:s3], $0x800  }
0x22: {  	s15 =	simm.s32 $0x100;
	[sflag:s3] =	ssyncset.done $0x0  }
0x23: {  	s19 =	ssub.s32 $0x2, s17;
	s14 =	sadd.s32 $0x2A400, s14;
	[sflag:s3] =	ssyncadd.s32 $0xFFFFF800  }
0x24: {  	[tilespmem:s15], [sflag:$0x2] =	stream.linear.gather [hbm4b:s14+s2], $0x80, $0x38;
	[tilespmem:$0x1980] =	vst v63  }
0x25: {  	s20 =	sshrl.u32 s19, $0x1;
	_ =	swait.ge [sflag:s3], $0x80  }
0x26: {  	s17 =	simm.s32 $0x1180;
	s19 =	ssub.s32 s19, s20;
	[sflag:s3] =	ssyncset.done $0x0  }
0x27: {  	s16 =	sadd.s32 $0x93A00, s16;
	s19 =	smax.u32 s19, $0x1;
	[sflag:s3] =	ssyncadd.s32 $0xFFFFFF80  }
0x28: {  	[tilespmem:s17], [sflag:$0x1] =	stream.indirect.gather [hbm4b:s16+s6], $0x10, s15, s6, $0xb8;
	[tilespmem:$0x1980] =	vst v63  }
0x29: {  	p0 =	sne.s32 s19, $0x1;
	_ =	swait.ge [sflag:s8], $0x800  }
.Ltmp1:
0x2a: {  	[sflag:s8] =	ssyncset.done $0x0;
	(pc) =	sbr.rel @!p0 .LBB2_3-.Ltmp1, $4  }
0x2b: {  	s18 =	sadd.s32 $0x3A600, s18;
	[sflag:s8] =	ssyncadd.s32 $0xFFFFF800  }
0x2c: {  	[hbm4b:s18+s2] =	stream.linear.scatter [tilespmem:s17], [sflag:$0x2], $0x800, $0x38;
	[tilespmem:$0x1980] =	vst v63  }
0x2d: {  	_ =	swait.ge [sflag:s3], $0x800  }
0x2e: {  	s19 =	sadd.s32 $0xFFFFFFFF, s19;
	[sflag:s3] =	ssyncset.done $0x0  }
.LBB2_2:
0x2f: {  	p0 =	sne.s32 s19, $0x1;
	s19 =	sadd.s32 $0xFFFFFFFF, s19;
	[sflag:s3] =	ssyncadd.s32 $0xFFFFF800  }
0x30: {  	[tilespmem:s2], [sflag:$0x2] =	stream.linear.gather [hbm4b:s4+s2], $0x80, $0x38;
	[tilespmem:$0x1980] =	vst v63  }
0x31: {  	_ =	swait.ge [sflag:s3], $0x80  }
0x32: {  	[sflag:s3] =	ssyncset.done $0x0  }
0x33: {  	[sflag:s3] =	ssyncadd.s32 $0xFFFFFF80  }
0x34: {  	[tilespmem:s7], [sflag:$0x1] =	stream.indirect.gather [hbm4b:s5+s6], $0x10, s2, s6, $0xb8;
	[tilespmem:$0x1980] =	vst v63  }
0x35: {  	_ =	swait.ge [sflag:s8], $0x800  }
0x36: {  	[sflag:s8] =	ssyncset.done $0x0  }
0x37: {  	[sflag:s8] =	ssyncadd.s32 $0xFFFFF800  }
0x38: {  	[hbm4b:s9+s2] =	stream.linear.scatter [tilespmem:s7], [sflag:$0x2], $0x800, $0x38;
	[tilespmem:$0x1980] =	vst v63  }
0x39: {  	_ =	swait.ge [sflag:s3], $0x800  }
0x3a: {  	[sflag:s3] =	ssyncset.done $0x0  }
0x3b: {  	[sflag:s3] =	ssyncadd.s32 $0xFFFFF800  }
0x3c: {  	[tilespmem:s6], [sflag:$0x2] =	stream.linear.gather [hbm4b:s10+s2], $0x80, $0x38;
	[tilespmem:$0x1980] =	vst v63  }
0x3d: {  	_ =	swait.ge [sflag:s3], $0x80  }
0x3e: {  	[sflag:s3] =	ssyncset.done $0x0  }
0x3f: {  	[sflag:s3] =	ssyncadd.s32 $0xFFFFFF80  }
0x40: {  	[tilespmem:s12], [sflag:$0x1] =	stream.indirect.gather [hbm4b:s11+s6], $0x10, s6, s6, $0xb8;
	[tilespmem:$0x1980] =	vst v63  }
0x41: {  	_ =	swait.ge [sflag:s8], $0x800  }
0x42: {  	[sflag:s8] =	ssyncset.done $0x0  }
0x43: {  	[sflag:s8] =	ssyncadd.s32 $0xFFFFF800  }
0x44: {  	[hbm4b:s13+s2] =	stream.linear.scatter [tilespmem:s12], [sflag:$0x2], $0x800, $0x38;
	[tilespmem:$0x1980] =	vst v63  }
0x45: {  	_ =	swait.ge [sflag:s3], $0x800  }
0x46: {  	[sflag:s3] =	ssyncset.done $0x0  }
0x47: {  	[sflag:s3] =	ssyncadd.s32 $0xFFFFF800  }
0x48: {  	[tilespmem:s15], [sflag:$0x2] =	stream.linear.gather [hbm4b:s14+s2], $0x80, $0x38;
	[tilespmem:$0x1980] =	vst v63  }
0x49: {  	_ =	swait.ge [sflag:s3], $0x80  }
0x4a: {  	[sflag:s3] =	ssyncset.done $0x0  }
0x4b: {  	[sflag:s3] =	ssyncadd.s32 $0xFFFFFF80  }
0x4c: {  	[tilespmem:s17], [sflag:$0x1] =	stream.indirect.gather [hbm4b:s16+s6], $0x10, s15, s6, $0xb8;
	[tilespmem:$0x1980] =	vst v63  }
0x4d: {  	_ =	swait.ge [sflag:s8], $0x800  }
.Ltmp2:
0x4e: {  	[sflag:s8] =	ssyncset.done $0x0;
	(pc) =	sbr.rel @p0 .LBB2_2-.Ltmp2, $4  }
0x4f: {  	[sflag:s8] =	ssyncadd.s32 $0xFFFFF800  }
0x50: {  	[hbm4b:s18+s2] =	stream.linear.scatter [tilespmem:s17], [sflag:$0x2], $0x800, $0x38;
	[tilespmem:$0x1980] =	vst v63  }
0x51: {  	_ =	swait.ge [sflag:s3], $0x800  }
0x52: {  	[sflag:s3] =	ssyncset.done $0x0  }
.LBB2_3:
0x53: {  	[sflag:s3] =	ssyncadd.s32 $0xFFFFF800  }
.LBB2_4:
0x54: {  	_ =	sfence.sel $0x180000  }
0x55: {  	[bflag:$0x0] =	sbarrier.arrive $0xFFFF  }
0x56: {  	p0 =	sne.s32 s0, $0x0;
	_ =	strace $0x90000047  }
0x57: {  	s0 =	sadd.s32 @!p0 $0x100000, s1;
	[bflag:$0x2] =	sbarrier.arrive $0xFFFF  }
0x58: {  	[sflag:s0] =	ssyncadd.tile.s32 @!p0 $0x1;
	_ =	shalt  }
.Lfunc_end2:
_tile_overlayer_lowered:
.L_overlay_start_2:
0x59: {  	(tag) =	ssettag $0x2  }
0x5a: {  	s0 =	rddreg [dreg:$0x0];
	s2 =	stileid.u32  }
0x5b: {  	s1 =	rddreg [dreg:$0x1];
	p0 =	sne.s32 s2, $0x0  }
0x5c: {  	s3 =	rddreg [dreg:$0x2];
	[bflag:$0x3] =	sbarrier.arrive $0xFFFF;
	s2 =	simm.s32 @!p0 $0x1C02  }
0x5d: {  	[timem:s3], [sflag:s2] =	dma.local @!p0 [hbm:s0], s1  }
0x5e: {  	s0 =	simm.s32 @!p0 $0x2  }
0x5f: {  	_ =	swait.ge @!p0 [sflag:s0], s1  }
0x60: {  	s1 =	ssub.s32 @!p0 $0x0, s1;
	[sflag:s0] =	ssyncset.done @!p0 $0x0  }
0x61: {  	[sflag:s0] =	ssyncadd.s32 @!p0 s1  }
0x62: {  	[bflag:$0x3] =	sbarrier.arrive $0xFFFF  }
0x63: {  	_ =	shalt  }

</sc_bundles>
